<compile_context>
chip_gen: v7x
topology: tpu7x:2x2x1
jax: 0.10.2.dev20260603
libtpu: 0.0.44.dev20260713+nightly
codegen_flags: <defaults>
</compile_context>

<pallas_src>
import jax
import jax.numpy as jnp
from jax import lax
from jax.experimental import pallas as pl
from jax.experimental.pallas import tpu as pltpu
from jax.experimental.pallas import tpu_sc as plsc

H = 64
W = 64
C = 128
GRID = 8
OUT_HW = 7
NPTS = GRID * GRID
NOUT = OUT_HW * OUT_HW
NOUTP = 56
SCALE = 0.0625
NW = 32
WPAD = NPTS + 16


def _roi_align_avg_sc(featf, coords, n, r_per_w, cpad):
    csz = ((r_per_w + 14) // 8) * 8
    n_host = coords.shape[0] // 4
    mesh = plsc.VectorSubcoreMesh(core_axis_name="c", subcore_axis_name="s")

    def body(featf_hbm, coords_hbm, out_hbm,
             coords_v, idx_v, gbuf, wbuf, sgrid, obuf, oidx, gsem, osem):
        cid = lax.axis_index("c")
        sid = lax.axis_index("s")
        wid = sid * 2 + cid
        base = wid * r_per_w
        abase = (base // 8) * 8
        d = base - abase
        for k in range(4):
            pltpu.sync_copy(coords_hbm.at[pl.ds(k * n_host + abase, csz)],
                            coords_v.at[pl.ds(k * cpad, csz)])

        lane = lax.iota(jnp.int32, 16)

        def build_and_fire(rr, nb):
            x1 = coords_v[pl.ds(0 * cpad + d + rr, 16)][0] * SCALE
            y1 = coords_v[pl.ds(1 * cpad + d + rr, 16)][0] * SCALE
            x2 = coords_v[pl.ds(2 * cpad + d + rr, 16)][0] * SCALE
            y2 = coords_v[pl.ds(3 * cpad + d + rr, 16)][0] * SCALE
            bin_w = jnp.maximum(x2 - x1, 0.0) * (1.0 / (GRID - 1))
            bin_h = jnp.maximum(y2 - y1, 0.0) * (1.0 / (GRID - 1))
            for q in range(4):
                lin = lane + (q * 16)
                phf = (lin >> 3).astype(jnp.float32)
                pwf = (lin & 7).astype(jnp.float32)
                h = y1 + phf * bin_h
                w = x1 + pwf * bin_w
                hs = jnp.clip(h.astype(jnp.int32), 0, H - 2)
                ws = jnp.clip(w.astype(jnp.int32), 0, W - 2)
                hr = h - hs.astype(jnp.float32)
                wr = w - ws.astype(jnp.float32)
                ok = (h >= 0.0) & (h < float(H)) & (w >= 0.0) & (w < float(W))
                vf = jnp.where(ok, 0.25, 0.0)
                i00 = hs * W + ws
                sl = pl.ds(q * 16, 16)
                idx_v[nb, 0, sl] = i00
                idx_v[nb, 0, pl.ds(64 + q * 16, 16)] = i00 + 1
                idx_v[nb, 1, sl] = i00 + W
                idx_v[nb, 1, pl.ds(64 + q * 16, 16)] = i00 + W + 1
                a0 = vf - vf * hr
                a1 = vf * hr
                wb = nb * (4 * WPAD) + q * 16
                wbuf[pl.ds(wb + 0 * WPAD, 16)] = a0 - a0 * wr
                wbuf[pl.ds(wb + 1 * WPAD, 16)] = a0 * wr
                wbuf[pl.ds(wb + 2 * WPAD, 16)] = a1 - a1 * wr
                wbuf[pl.ds(wb + 3 * WPAD, 16)] = a1 * wr
            for j in range(2):
                pltpu.make_async_copy(featf_hbm.at[idx_v.at[nb, j]],
                                      gbuf.at[nb, pl.ds(j * 128, 128)],
                                      gsem.at[nb]).start()

        def wait_gather(nb):
            for j in range(2):
                pltpu.make_async_copy(featf_hbm.at[idx_v.at[nb, j]],
                                      gbuf.at[nb, pl.ds(j * 128, 128)],
                                      gsem.at[nb]).wait()

        def out_copy(nb):
            return pltpu.make_async_copy(obuf.at[nb],
                                         out_hbm.at[oidx.at[nb]],
                                         osem.at[nb])

        def combine(nb):
            wb = nb * (4 * WPAD)

            def one_point(p, carry):
                w00 = wbuf[pl.ds(wb + 0 * WPAD + p, 16)][0]
                w01 = wbuf[pl.ds(wb + 1 * WPAD + p, 16)][0]
                w10 = wbuf[pl.ds(wb + 2 * WPAD + p, 16)][0]
                w11 = wbuf[pl.ds(wb + 3 * WPAD + p, 16)][0]
                for cc in range(8):
                    sl = pl.ds(cc * 16, 16)
                    acc = (w00 * gbuf[nb, p, sl]
                           + w01 * gbuf[nb, 64 + p, sl]
                           + w10 * gbuf[nb, 128 + p, sl]
                           + w11 * gbuf[nb, 192 + p, sl])
                    sgrid[p, sl] = acc
                return carry
            lax.fori_loop(0, NPTS, one_point, 0, unroll=False)

        def pool(nb, rg):
            rc = jnp.minimum(rg, n - 1)
            for st in (0, 16, 32, 40):
                opc = jnp.minimum(lane + st, NOUT - 1)
                oidx[nb, pl.ds(st, 16)] = opc * n + rc

            def one_out(op, carry):
                op_c = jnp.minimum(op, NOUT - 1)
                i = op_c // OUT_HW
                j = op_c - i * OUT_HW
                b = i * GRID + j
                for cc in range(8):
                    sl = pl.ds(cc * 16, 16)
                    v = (sgrid[b, sl] + sgrid[b + 1, sl]
                         + sgrid[b + GRID, sl] + sgrid[b + GRID + 1, sl])
                    obuf[nb, op, sl] = v
                return carry
            lax.fori_loop(0, NOUTP, one_out, 0, unroll=False)

        build_and_fire(0, 0)
        build_and_fire(1, 1)

        steps = (r_per_w + 1) // 2

        def step(i, carry):
            for nb in range(2):
                r = i * 2 + nb
                rg = base + r

                @pl.when(r < r_per_w)
                def _():
                    wait_gather(nb)

                    @pl.when(r < r_per_w - 2)
                    def _():
                        build_and_fire(r + 2, nb)

                    pass
            return carry

        lax.fori_loop(0, steps, step, 0, unroll=False)
        for r in range(r_per_w - 2, r_per_w):
            rg = base + r

            pass

    call = pl.kernel(
        body,
        out_type=jax.ShapeDtypeStruct((NOUT * n, C), jnp.float32),
        mesh=mesh,
        compiler_params=pltpu.CompilerParams(needs_layout_passes=False),
        scratch_types=[
            pltpu.VMEM((4 * cpad,), jnp.float32),
            pltpu.VMEM((2, 2, 128), jnp.int32),
            pltpu.VMEM((2, 256, C), jnp.float32),
            pltpu.VMEM((2 * 4 * WPAD,), jnp.float32),
            pltpu.VMEM((NPTS, C), jnp.float32),
            pltpu.VMEM((2, NOUTP, C), jnp.float32),
            pltpu.VMEM((2, NOUTP), jnp.int32),
            pltpu.SemaphoreType.DMA((2,)),
            pltpu.SemaphoreType.DMA((2,)),
        ],
    )
    return call(featf, coords)


@jax.jit
def kernel(features, rois):
    n = rois.shape[0]
    r_per_w = -(-n // NW)
    csz = ((r_per_w + 14) // 8) * 8
    cpad = csz + 16
    n_host = ((NW * r_per_w + 15) // 8) * 8
    featf = features.transpose(0, 2, 3, 1).reshape(H * W, C)
    coords = jnp.zeros((4, n_host), jnp.float32)
    coords = coords.at[:, :n].set(rois[:, 1:5].T)
    out = _roi_align_avg_sc(featf, coords.reshape(-1), n, r_per_w, cpad)
    return out.reshape(OUT_HW, OUT_HW, n, C).transpose(2, 3, 0, 1)

# --- scband reference (transcript-rebuilt; emitter-appended) ---
"""Pipeline reference for scband-ro-ialign-avg-5669356836452 (READ-ONLY COPY).

The authoritative reference and input builder live on the scoring server;
editing this copy changes nothing except your own understanding.
"""

import jax, jax.numpy as jnp
import numpy as np

ALIGNED_H = 7
ALIGNED_W = 7
SPATIAL_SCALE = 0.0625


def setup_inputs(seed: int = 0):
    key = jax.random.key(seed)
    k1, k2, k3, k4, k5 = jax.random.split(key, 5)
    features = jax.random.normal(k1, (1, 128, 64, 64), dtype=jnp.float32)
    N = 5000
    x1 = jax.random.uniform(k2, (N,), minval=0.0, maxval=900.0)
    y1 = jax.random.uniform(k3, (N,), minval=0.0, maxval=900.0)
    x2 = jnp.minimum(x1 + jax.random.uniform(k4, (N,), minval=8.0, maxval=120.0), 1023.0)
    y2 = jnp.minimum(y1 + jax.random.uniform(k5, (N,), minval=8.0, maxval=120.0), 1023.0)
    rois = jnp.stack([jnp.zeros((N,), jnp.float32), x1, y1, x2, y2], axis=1).astype(jnp.float32)
    return {"features": features, "rois": rois}


def _roi_align(features, rois, ah, aw, spatial_scale):
    # Faithful port of the classic roi_align_forward C kernel (jwyang faster-rcnn):
    # sample one bilinear point per (ph, pw) on an (ah x aw) grid spanning the roi,
    # with bin_size = roi_size / (aligned_dim - 1), zero outside the feature map.
    B, C, H, W = features.shape
    batch_idx = rois[:, 0].astype(jnp.int32)
    x1 = rois[:, 1] * spatial_scale
    y1 = rois[:, 2] * spatial_scale
    x2 = rois[:, 3] * spatial_scale
    y2 = rois[:, 4] * spatial_scale
    roi_w = jnp.maximum(x2 - x1, 0.0)
    roi_h = jnp.maximum(y2 - y1, 0.0)
    bin_h = roi_h / float(ah - 1)
    bin_w = roi_w / float(aw - 1)
    ph = jnp.arange(ah, dtype=jnp.float32)
    pw = jnp.arange(aw, dtype=jnp.float32)
    hh = y1[:, None] + ph[None, :] * bin_h[:, None]  # [N, ah]
    ww = x1[:, None] + pw[None, :] * bin_w[:, None]  # [N, aw]
    h = jnp.broadcast_to(hh[:, :, None], (hh.shape[0], ah, aw))
    w = jnp.broadcast_to(ww[:, None, :], (ww.shape[0], ah, aw))
    valid = (h >= 0) & (h < H) & (w >= 0) & (w < W)
    hs = jnp.clip(jnp.floor(h), 0.0, H - 2.0)
    ws = jnp.clip(jnp.floor(w), 0.0, W - 2.0)
    hr = h - hs
    wr = w - ws
    hs_i = hs.astype(jnp.int32)
    ws_i = ws.astype(jnp.int32)
    featf = features.transpose(0, 2, 3, 1).reshape(B * H * W, C)
    base = batch_idx[:, None, None] * (H * W)
    i00 = base + hs_i * W + ws_i
    i01 = i00 + 1
    i10 = i00 + W
    i11 = i10 + 1
    v00 = jnp.take(featf, i00, axis=0)  # [N, ah, aw, C]
    v01 = jnp.take(featf, i01, axis=0)
    v10 = jnp.take(featf, i10, axis=0)
    v11 = jnp.take(featf, i11, axis=0)
    hr_ = hr[..., None]
    wr_ = wr[..., None]
    out = (v00 * (1.0 - hr_) * (1.0 - wr_)
           + v01 * (1.0 - hr_) * wr_
           + v10 * hr_ * (1.0 - wr_)
           + v11 * hr_ * wr_)
    out = jnp.where(valid[..., None], out, 0.0)
    return out.transpose(0, 3, 1, 2)  # [N, C, ah, aw]


def reference(features, rois):
    # RoIAlignAvg: roi_align on an (ah+1, aw+1) grid, then avg_pool2d(kernel=2, stride=1)
    x = _roi_align(features, rois, ALIGNED_H + 1, ALIGNED_W + 1, SPATIAL_SCALE)
    out = 0.25 * (x[:, :, :-1, :-1] + x[:, :, 1:, :-1] + x[:, :, :-1, 1:] + x[:, :, 1:, 1:])
    return out

if __name__ == "__main__":
    import jax
    _d = setup_inputs()
    print(jax.jit(kernel)(*tuple(_d.values())))

</pallas_src>

<mosaic_0001>
#map = affine_map<(d0, d1) -> (0, 0)>
#map1 = affine_map<(d0, d1) -> (0)>
module attributes {stable_mosaic.version = 14 : i64} {
  func.func @body(%arg0: i32, %arg1: i32, %arg2: memref<4096x128xf32, #tpu.memory_space<hbm>>, %arg3: memref<20128xf32, #tpu.memory_space<hbm>>, %arg4: memref<245000x128xf32, #tpu.memory_space<hbm>>, %arg5: memref<736xf32, #tpu.memory_space<vmem>>, %arg6: memref<2x2x128xi32, #tpu.memory_space<vmem>>, %arg7: memref<2x256x128xf32, #tpu.memory_space<vmem>>, %arg8: memref<640xf32, #tpu.memory_space<vmem>>, %arg9: memref<64x128xf32, #tpu.memory_space<vmem>>, %arg10: memref<2x56x128xf32, #tpu.memory_space<vmem>>, %arg11: memref<2x56xi32, #tpu.memory_space<vmem>>, %arg12: memref<2x!tpu.dma_semaphore, #tpu.memory_space<semaphore_mem>>, %arg13: memref<2x!tpu.dma_semaphore, #tpu.memory_space<semaphore_mem>>) attributes {dimension_semantics = [#tpu.dimension_semantics<core_parallel>, #tpu.dimension_semantics<subcore_parallel>], iteration_bounds = array<i64: 2, 16>, scalar_prefetch = 0 : i64, scratch_operands = 9 : i64, tpu.core_type = #tpu.core_type<sc_vector_subcore>, window_params = [{transform_indices = #map}, {transform_indices = #map1}, {transform_indices = #map}]} {
    %mul3A = arith.constant 2 : i32
    %mul3A_0 = arith.muli %arg1, %mul3A : i32
    %add3A = arith.addi %mul3A_0, %arg0 : i32
    %mul3A_1 = arith.constant 157 : i32
    %mul3A_2 = arith.muli %add3A, %mul3A_1 : i32
    %jit3A = arith.constant 8 : i32
    %div3A = arith.divsi %mul3A_2, %jit3A : i32
    %sign3A = arith.constant 0 : i32
    %sign3A_3 = arith.cmpi sgt, %mul3A_2, %sign3A : i32
    %sign3A_4 = arith.extui %sign3A_3 : i1 to i32
    %sign3A_5 = arith.constant 0 : i32
    %sign3A_6 = arith.cmpi slt, %mul3A_2, %sign3A_5 : i32
    %sign3A_7 = arith.extui %sign3A_6 : i1 to i32
    %sign3A_8 = arith.subi %sign3A_4, %sign3A_7 : i32
    %sign3A_9 = arith.constant 0 : i32
    %sign3A_10 = arith.cmpi sgt, %jit3A, %sign3A_9 : i32
    %sign3A_11 = arith.extui %sign3A_10 : i1 to i32
    %sign3A_12 = arith.constant 0 : i32
    %sign3A_13 = arith.cmpi slt, %jit3A, %sign3A_12 : i32
    %sign3A_14 = arith.extui %sign3A_13 : i1 to i32
    %sign3A_15 = arith.subi %sign3A_11, %sign3A_14 : i32
    %ne3A = arith.cmpi ne, %sign3A_8, %sign3A_15 : i32
    %rem3A = arith.remsi %mul3A_2, %jit3A : i32
    %ne3A_16 = arith.constant 0 : i32
    %ne3A_17 = arith.cmpi ne, %rem3A, %ne3A_16 : i32
    %and3A = arith.andi %ne3A, %ne3A_17 : i1
    %sub3A = arith.constant 1 : i32
    %sub3A_18 = arith.subi %div3A, %sub3A : i32
    %select_n3A = arith.select %and3A, %sub3A_18, %div3A : i32
    %mul3A_19 = arith.constant 8 : i32
    %mul3A_20 = arith.muli %select_n3A, %mul3A_19 : i32
    %sub3A_21 = arith.subi %mul3A_2, %mul3A_20 : i32
    %add3A_22 = arith.constant 0 : i32
    %add3A_23 = arith.addi %add3A_22, %mul3A_20 : i32
    "tpu.region"() ({
      %run_scoped3A = tpu.sem_alloc : memref<!tpu.dma_semaphore, #tpu.memory_space<semaphore_mem>>
      %dma_start3A_1103 = arith.constant 0 : i32
      %dma_start3A_1104 = tpu.memref_slice %arg5[%dma_start3A_1103] : memref<736xf32, #tpu.memory_space<vmem>> -> memref<168xf32, #tpu.memory_space<vmem>>
      %dma_start3A_1105 = tpu.memref_slice %arg3[%add3A_23] : memref<20128xf32, #tpu.memory_space<hbm>> -> memref<168xf32, #tpu.memory_space<hbm>>
      %dma_start3A_1106 = arith.constant 0 : i32
      %dma_start3A_1107 = tpu.memref_slice %arg5[%dma_start3A_1106] : memref<736xf32, #tpu.memory_space<vmem>> -> memref<168xf32, #tpu.memory_space<vmem>>
      %dma_start3A_1108 = tpu.memref_slice %arg3[%add3A_23] : memref<20128xf32, #tpu.memory_space<hbm>> -> memref<168xf32, #tpu.memory_space<hbm>>
      tpu.enqueue_dma source(%dma_start3A_1108 : memref<168xf32, #tpu.memory_space<hbm>>) target(%dma_start3A_1107 : memref<168xf32, #tpu.memory_space<vmem>>) target_semaphore(%run_scoped3A : memref<!tpu.dma_semaphore, #tpu.memory_space<semaphore_mem>>)
      %dma_wait3A = arith.constant 0 : i32
      %dma_wait3A_1109 = tpu.memref_slice %arg5[%dma_wait3A] : memref<736xf32, #tpu.memory_space<vmem>> -> memref<168xf32, #tpu.memory_space<vmem>>
      %dma_wait3A_1110 = tpu.memref_slice %arg3[%add3A_23] : memref<20128xf32, #tpu.memory_space<hbm>> -> memref<168xf32, #tpu.memory_space<hbm>>
      %dma_wait3A_1111 = arith.constant 0 : i32
      %dma_wait3A_1112 = tpu.memref_slice %arg5[%dma_wait3A_1111] : memref<736xf32, #tpu.memory_space<vmem>> -> memref<168xf32, #tpu.memory_space<vmem>>
      %dma_wait3A_1113 = tpu.memref_slice %arg3[%add3A_23] : memref<20128xf32, #tpu.memory_space<hbm>> -> memref<168xf32, #tpu.memory_space<hbm>>
      tpu.wait_dma2 semaphore(%run_scoped3A : memref<!tpu.dma_semaphore, #tpu.memory_space<semaphore_mem>>) src(%dma_wait3A_1113 : memref<168xf32, #tpu.memory_space<hbm>>) dst(%dma_wait3A_1112 : memref<168xf32, #tpu.memory_space<vmem>>)
      tpu.yield
    }) : () -> ()
    %add3A_24 = arith.constant 5032 : i32
    %add3A_25 = arith.addi %add3A_24, %mul3A_20 : i32
    "tpu.region"() ({
      %run_scoped3A = tpu.sem_alloc : memref<!tpu.dma_semaphore, #tpu.memory_space<semaphore_mem>>
      %dma_start3A_1103 = arith.constant 184 : i32
      %dma_start3A_1104 = tpu.memref_slice %arg5[%dma_start3A_1103] : memref<736xf32, #tpu.memory_space<vmem>> -> memref<168xf32, #tpu.memory_space<vmem>>
      %dma_start3A_1105 = tpu.memref_slice %arg3[%add3A_25] : memref<20128xf32, #tpu.memory_space<hbm>> -> memref<168xf32, #tpu.memory_space<hbm>>
      %dma_start3A_1106 = arith.constant 184 : i32
      %dma_start3A_1107 = tpu.memref_slice %arg5[%dma_start3A_1106] : memref<736xf32, #tpu.memory_space<vmem>> -> memref<168xf32, #tpu.memory_space<vmem>>
      %dma_start3A_1108 = tpu.memref_slice %arg3[%add3A_25] : memref<20128xf32, #tpu.memory_space<hbm>> -> memref<168xf32, #tpu.memory_space<hbm>>
      tpu.enqueue_dma source(%dma_start3A_1108 : memref<168xf32, #tpu.memory_space<hbm>>) target(%dma_start3A_1107 : memref<168xf32, #tpu.memory_space<vmem>>) target_semaphore(%run_scoped3A : memref<!tpu.dma_semaphore, #tpu.memory_space<semaphore_mem>>)
      %dma_wait3A = arith.constant 184 : i32
      %dma_wait3A_1109 = tpu.memref_slice %arg5[%dma_wait3A] : memref<736xf32, #tpu.memory_space<vmem>> -> memref<168xf32, #tpu.memory_space<vmem>>
      %dma_wait3A_1110 = tpu.memref_slice %arg3[%add3A_25] : memref<20128xf32, #tpu.memory_space<hbm>> -> memref<168xf32, #tpu.memory_space<hbm>>
      %dma_wait3A_1111 = arith.constant 184 : i32
      %dma_wait3A_1112 = tpu.memref_slice %arg5[%dma_wait3A_1111] : memref<736xf32, #tpu.memory_space<vmem>> -> memref<168xf32, #tpu.memory_space<vmem>>
      %dma_wait3A_1113 = tpu.memref_slice %arg3[%add3A_25] : memref<20128xf32, #tpu.memory_space<hbm>> -> memref<168xf32, #tpu.memory_space<hbm>>
      tpu.wait_dma2 semaphore(%run_scoped3A : memref<!tpu.dma_semaphore, #tpu.memory_space<semaphore_mem>>) src(%dma_wait3A_1113 : memref<168xf32, #tpu.memory_space<hbm>>) dst(%dma_wait3A_1112 : memref<168xf32, #tpu.memory_space<vmem>>)
      tpu.yield
    }) : () -> ()
    %add3A_26 = arith.constant 10064 : i32
    %add3A_27 = arith.addi %add3A_26, %mul3A_20 : i32
    "tpu.region"() ({
      %run_scoped3A = tpu.sem_alloc : memref<!tpu.dma_semaphore, #tpu.memory_space<semaphore_mem>>
      %dma_start3A_1103 = arith.constant 368 : i32
      %dma_start3A_1104 = tpu.memref_slice %arg5[%dma_start3A_1103] : memref<736xf32, #tpu.memory_space<vmem>> -> memref<168xf32, #tpu.memory_space<vmem>>
      %dma_start3A_1105 = tpu.memref_slice %arg3[%add3A_27] : memref<20128xf32, #tpu.memory_space<hbm>> -> memref<168xf32, #tpu.memory_space<hbm>>
      %dma_start3A_1106 = arith.constant 368 : i32
      %dma_start3A_1107 = tpu.memref_slice %arg5[%dma_start3A_1106] : memref<736xf32, #tpu.memory_space<vmem>> -> memref<168xf32, #tpu.memory_space<vmem>>
      %dma_start3A_1108 = tpu.memref_slice %arg3[%add3A_27] : memref<20128xf32, #tpu.memory_space<hbm>> -> memref<168xf32, #tpu.memory_space<hbm>>
      tpu.enqueue_dma source(%dma_start3A_1108 : memref<168xf32, #tpu.memory_space<hbm>>) target(%dma_start3A_1107 : memref<168xf32, #tpu.memory_space<vmem>>) target_semaphore(%run_scoped3A : memref<!tpu.dma_semaphore, #tpu.memory_space<semaphore_mem>>)
      %dma_wait3A = arith.constant 368 : i32
      %dma_wait3A_1109 = tpu.memref_slice %arg5[%dma_wait3A] : memref<736xf32, #tpu.memory_space<vmem>> -> memref<168xf32, #tpu.memory_space<vmem>>
      %dma_wait3A_1110 = tpu.memref_slice %arg3[%add3A_27] : memref<20128xf32, #tpu.memory_space<hbm>> -> memref<168xf32, #tpu.memory_space<hbm>>
      %dma_wait3A_1111 = arith.constant 368 : i32
      %dma_wait3A_1112 = tpu.memref_slice %arg5[%dma_wait3A_1111] : memref<736xf32, #tpu.memory_space<vmem>> -> memref<168xf32, #tpu.memory_space<vmem>>
      %dma_wait3A_1113 = tpu.memref_slice %arg3[%add3A_27] : memref<20128xf32, #tpu.memory_space<hbm>> -> memref<168xf32, #tpu.memory_space<hbm>>
      tpu.wait_dma2 semaphore(%run_scoped3A : memref<!tpu.dma_semaphore, #tpu.memory_space<semaphore_mem>>) src(%dma_wait3A_1113 : memref<168xf32, #tpu.memory_space<hbm>>) dst(%dma_wait3A_1112 : memref<168xf32, #tpu.memory_space<vmem>>)
      tpu.yield
    }) : () -> ()
    %add3A_28 = arith.constant 15096 : i32
    %add3A_29 = arith.addi %add3A_28, %mul3A_20 : i32
    "tpu.region"() ({
      %run_scoped3A = tpu.sem_alloc : memref<!tpu.dma_semaphore, #tpu.memory_space<semaphore_mem>>
      %dma_start3A_1103 = arith.constant 552 : i32
      %dma_start3A_1104 = tpu.memref_slice %arg5[%dma_start3A_1103] : memref<736xf32, #tpu.memory_space<vmem>> -> memref<168xf32, #tpu.memory_space<vmem>>
      %dma_start3A_1105 = tpu.memref_slice %arg3[%add3A_29] : memref<20128xf32, #tpu.memory_space<hbm>> -> memref<168xf32, #tpu.memory_space<hbm>>
      %dma_start3A_1106 = arith.constant 552 : i32
      %dma_start3A_1107 = tpu.memref_slice %arg5[%dma_start3A_1106] : memref<736xf32, #tpu.memory_space<vmem>> -> memref<168xf32, #tpu.memory_space<vmem>>
      %dma_start3A_1108 = tpu.memref_slice %arg3[%add3A_29] : memref<20128xf32, #tpu.memory_space<hbm>> -> memref<168xf32, #tpu.memory_space<hbm>>
      tpu.enqueue_dma source(%dma_start3A_1108 : memref<168xf32, #tpu.memory_space<hbm>>) target(%dma_start3A_1107 : memref<168xf32, #tpu.memory_space<vmem>>) target_semaphore(%run_scoped3A : memref<!tpu.dma_semaphore, #tpu.memory_space<semaphore_mem>>)
      %dma_wait3A = arith.constant 552 : i32
      %dma_wait3A_1109 = tpu.memref_slice %arg5[%dma_wait3A] : memref<736xf32, #tpu.memory_space<vmem>> -> memref<168xf32, #tpu.memory_space<vmem>>
      %dma_wait3A_1110 = tpu.memref_slice %arg3[%add3A_29] : memref<20128xf32, #tpu.memory_space<hbm>> -> memref<168xf32, #tpu.memory_space<hbm>>
      %dma_wait3A_1111 = arith.constant 552 : i32
      %dma_wait3A_1112 = tpu.memref_slice %arg5[%dma_wait3A_1111] : memref<736xf32, #tpu.memory_space<vmem>> -> memref<168xf32, #tpu.memory_space<vmem>>
      %dma_wait3A_1113 = tpu.memref_slice %arg3[%add3A_29] : memref<20128xf32, #tpu.memory_space<hbm>> -> memref<168xf32, #tpu.memory_space<hbm>>
      tpu.wait_dma2 semaphore(%run_scoped3A : memref<!tpu.dma_semaphore, #tpu.memory_space<semaphore_mem>>) src(%dma_wait3A_1113 : memref<168xf32, #tpu.memory_space<hbm>>) dst(%dma_wait3A_1112 : memref<168xf32, #tpu.memory_space<vmem>>)
      tpu.yield
    }) : () -> ()
    %iota3A = tpu.iota {dimensions = array<i32: 0>} : vector<16xi32>
    %add3A_30 = arith.constant 0 : i32
    %add3A_31 = arith.addi %add3A_30, %sub3A_21 : i32
    %add3A_32 = arith.constant 0 : i32
    %add3A_33 = arith.addi %add3A_31, %add3A_32 : i32
    %get3A = arith.index_cast %add3A_33 : i32 to index
    %get3A_34 = tpu.vector_load %arg5[%get3A] {strides = array<i32>} : memref<736xf32, #tpu.memory_space<vmem>>, vector<16xf32>,
    %slice3A = vector.extract_strided_slice %get3A_34 {offsets = [0], sizes = [1], strides = [1]} : vector<16xf32> to vector<1xf32>
    %squeeze3A = vector.extract %slice3A[0] : f32 from vector<1xf32>
    %mul3A_35 = arith.constant 6.250000e-02 : f32
    %mul3A_36 = arith.mulf %squeeze3A, %mul3A_35 : f32
    %add3A_37 = arith.constant 184 : i32
    %add3A_38 = arith.addi %add3A_37, %sub3A_21 : i32
    %add3A_39 = arith.constant 0 : i32
    %add3A_40 = arith.addi %add3A_38, %add3A_39 : i32
    %get3A_41 = arith.index_cast %add3A_40 : i32 to index
    %get3A_42 = tpu.vector_load %arg5[%get3A_41] {strides = array<i32>} : memref<736xf32, #tpu.memory_space<vmem>>, vector<16xf32>,
    %slice3A_43 = vector.extract_strided_slice %get3A_42 {offsets = [0], sizes = [1], strides = [1]} : vector<16xf32> to vector<1xf32>
    %squeeze3A_44 = vector.extract %slice3A_43[0] : f32 from vector<1xf32>
    %mul3A_45 = arith.constant 6.250000e-02 : f32
    %mul3A_46 = arith.mulf %squeeze3A_44, %mul3A_45 : f32
    %add3A_47 = arith.constant 368 : i32
    %add3A_48 = arith.addi %add3A_47, %sub3A_21 : i32
    %add3A_49 = arith.constant 0 : i32
    %add3A_50 = arith.addi %add3A_48, %add3A_49 : i32
    %get3A_51 = arith.index_cast %add3A_50 : i32 to index
    %get3A_52 = tpu.vector_load %arg5[%get3A_51] {strides = array<i32>} : memref<736xf32, #tpu.memory_space<vmem>>, vector<16xf32>,
    %slice3A_53 = vector.extract_strided_slice %get3A_52 {offsets = [0], sizes = [1], strides = [1]} : vector<16xf32> to vector<1xf32>
    %squeeze3A_54 = vector.extract %slice3A_53[0] : f32 from vector<1xf32>
    %mul3A_55 = arith.constant 6.250000e-02 : f32
    %mul3A_56 = arith.mulf %squeeze3A_54, %mul3A_55 : f32
    %add3A_57 = arith.constant 552 : i32
    %add3A_58 = arith.addi %add3A_57, %sub3A_21 : i32
    %add3A_59 = arith.constant 0 : i32
    %add3A_60 = arith.addi %add3A_58, %add3A_59 : i32
    %get3A_61 = arith.index_cast %add3A_60 : i32 to index
    %get3A_62 = tpu.vector_load %arg5[%get3A_61] {strides = array<i32>} : memref<736xf32, #tpu.memory_space<vmem>>, vector<16xf32>,
    %slice3A_63 = vector.extract_strided_slice %get3A_62 {offsets = [0], sizes = [1], strides = [1]} : vector<16xf32> to vector<1xf32>
    %squeeze3A_64 = vector.extract %slice3A_63[0] : f32 from vector<1xf32>
    %mul3A_65 = arith.constant 6.250000e-02 : f32
    %mul3A_66 = arith.mulf %squeeze3A_64, %mul3A_65 : f32
    %sub3A_67 = arith.subf %mul3A_56, %mul3A_36 : f32
    %max3A = arith.constant 0.000000e+00 : f32
    %max3A_68 = arith.maximumf %sub3A_67, %max3A : f32
    %mul3A_69 = arith.constant 0.142857149 : f32
    %mul3A_70 = arith.mulf %max3A_68, %mul3A_69 : f32
    %sub3A_71 = arith.subf %mul3A_66, %mul3A_46 : f32
    %max3A_72 = arith.constant 0.000000e+00 : f32
    %max3A_73 = arith.maximumf %sub3A_71, %max3A_72 : f32
    %mul3A_74 = arith.constant 0.142857149 : f32
    %mul3A_75 = arith.mulf %max3A_73, %mul3A_74 : f32
    %add3A_76 = arith.constant 0 : i32
    %add3A_77 = vector.broadcast %add3A_76 : i32 to vector<16xi32>
    %add3A_78 = arith.addi %iota3A, %add3A_77 : vector<16xi32>
    %shift_right_arithmetic3A = arith.constant 3 : i32
    %shift_right_arithmetic3A_79 = vector.broadcast %shift_right_arithmetic3A : i32 to vector<16xi32>
    %shift_right_arithmetic3A_80 = arith.shrsi %add3A_78, %shift_right_arithmetic3A_79 : vector<16xi32>
    %convert_element_type3A = arith.sitofp %shift_right_arithmetic3A_80 : vector<16xi32> to vector<16xf32>
    %and3A_81 = arith.constant 7 : i32
    %and3A_82 = vector.broadcast %and3A_81 : i32 to vector<16xi32>
    %and3A_83 = arith.andi %add3A_78, %and3A_82 : vector<16xi32>
    %convert_element_type3A_84 = arith.sitofp %and3A_83 : vector<16xi32> to vector<16xf32>
    %mul3A_85 = vector.broadcast %mul3A_75 : f32 to vector<16xf32>
    %mul3A_86 = arith.mulf %convert_element_type3A, %mul3A_85 : vector<16xf32>
    %add3A_87 = vector.broadcast %mul3A_46 : f32 to vector<16xf32>
    %add3A_88 = arith.addf %add3A_87, %mul3A_86 : vector<16xf32>
    %mul3A_89 = vector.broadcast %mul3A_70 : f32 to vector<16xf32>
    %mul3A_90 = arith.mulf %convert_element_type3A_84, %mul3A_89 : vector<16xf32>
    %add3A_91 = vector.broadcast %mul3A_36 : f32 to vector<16xf32>
    %add3A_92 = arith.addf %add3A_91, %mul3A_90 : vector<16xf32>
    %convert_element_type3A_93 = arith.fptosi %add3A_88 : vector<16xf32> to vector<16xi32>
    %jit3A_94 = arith.constant 0 : i32
    %jit3A_95 = arith.constant 62 : i32
    %max3A_96 = vector.broadcast %jit3A_94 : i32 to vector<16xi32>
    %max3A_97 = arith.maxsi %max3A_96, %convert_element_type3A_93 : vector<16xi32>
    %min3A = vector.broadcast %jit3A_95 : i32 to vector<16xi32>
    %min3A_98 = arith.minsi %min3A, %max3A_97 : vector<16xi32>
    %convert_element_type3A_99 = arith.fptosi %add3A_92 : vector<16xf32> to vector<16xi32>
    %jit3A_100 = arith.constant 0 : i32
    %jit3A_101 = arith.constant 62 : i32
    %max3A_102 = vector.broadcast %jit3A_100 : i32 to vector<16xi32>
    %max3A_103 = arith.maxsi %max3A_102, %convert_element_type3A_99 : vector<16xi32>
    %min3A_104 = vector.broadcast %jit3A_101 : i32 to vector<16xi32>
    %min3A_105 = arith.minsi %min3A_104, %max3A_103 : vector<16xi32>
    %convert_element_type3A_106 = arith.sitofp %min3A_98 : vector<16xi32> to vector<16xf32>
    %sub3A_107 = arith.subf %add3A_88, %convert_element_type3A_106 : vector<16xf32>
    %convert_element_type3A_108 = arith.sitofp %min3A_105 : vector<16xi32> to vector<16xf32>
    %sub3A_109 = arith.subf %add3A_92, %convert_element_type3A_108 : vector<16xf32>
    %ge3A = arith.constant 0.000000e+00 : f32
    %ge3A_110 = vector.broadcast %ge3A : f32 to vector<16xf32>
    %ge3A_111 = arith.cmpf oge, %add3A_88, %ge3A_110 : vector<16xf32>
    %lt3A = arith.constant 6.400000e+01 : f32
    %lt3A_112 = vector.broadcast %lt3A : f32 to vector<16xf32>
    %lt3A_113 = arith.cmpf olt, %add3A_88, %lt3A_112 : vector<16xf32>
    %and3A_114 = arith.andi %ge3A_111, %lt3A_113 : vector<16xi1>
    %ge3A_115 = arith.constant 0.000000e+00 : f32
    %ge3A_116 = vector.broadcast %ge3A_115 : f32 to vector<16xf32>
    %ge3A_117 = arith.cmpf oge, %add3A_92, %ge3A_116 : vector<16xf32>
    %and3A_118 = arith.andi %and3A_114, %ge3A_117 : vector<16xi1>
    %lt3A_119 = arith.constant 6.400000e+01 : f32
    %lt3A_120 = vector.broadcast %lt3A_119 : f32 to vector<16xf32>
    %lt3A_121 = arith.cmpf olt, %add3A_92, %lt3A_120 : vector<16xf32>
    %and3A_122 = arith.andi %and3A_118, %lt3A_121 : vector<16xi1>
    %jit3A_123 = arith.constant 2.500000e-01 : f32
    %jit3A_124 = arith.constant 0.000000e+00 : f32
    %broadcast_in_dim3A = vector.broadcast %jit3A_123 : f32 to vector<16xf32>
    %broadcast_in_dim3A_125 = vector.broadcast %jit3A_124 : f32 to vector<16xf32>
    %select_n3A_126 = arith.select %and3A_122, %broadcast_in_dim3A, %broadcast_in_dim3A_125 : vector<16xi1>, vector<16xf32>
    %mul3A_127 = arith.constant 64 : i32
    %mul3A_128 = vector.broadcast %mul3A_127 : i32 to vector<16xi32>
    %mul3A_129 = arith.muli %min3A_98, %mul3A_128 : vector<16xi32>
    %add3A_130 = arith.addi %mul3A_129, %min3A_105 : vector<16xi32>
    %swap3A = arith.constant 0 : i32
    %swap3A_131 = arith.constant 0 : i32
    %swap3A_132 = arith.index_cast %swap3A : i32 to index
    %swap3A_133 = arith.index_cast %swap3A_131 : i32 to index
    %swap3A_134 = arith.constant 0 : index
    %swap3A_135 = tpu.vector_load %arg6[%swap3A_132, %swap3A_133, %swap3A_134] {strides = array<i32>} : memref<2x2x128xi32, #tpu.memory_space<vmem>>, vector<16xi32>,
    tpu.vector_store %arg6[%swap3A_132, %swap3A_133, %swap3A_134], %add3A_130 {strides = array<i32>} : memref<2x2x128xi32, #tpu.memory_space<vmem>>, vector<16xi32>,
    %add3A_136 = arith.constant 1 : i32
    %add3A_137 = vector.broadcast %add3A_136 : i32 to vector<16xi32>
    %add3A_138 = arith.addi %add3A_130, %add3A_137 : vector<16xi32>
    %swap3A_139 = arith.constant 0 : i32
    %swap3A_140 = arith.constant 0 : i32
    %swap3A_141 = arith.index_cast %swap3A_139 : i32 to index
    %swap3A_142 = arith.index_cast %swap3A_140 : i32 to index
    %swap3A_143 = arith.constant 64 : index
    %swap3A_144 = tpu.vector_load %arg6[%swap3A_141, %swap3A_142, %swap3A_143] {strides = array<i32>} : memref<2x2x128xi32, #tpu.memory_space<vmem>>, vector<16xi32>,
    tpu.vector_store %arg6[%swap3A_141, %swap3A_142, %swap3A_143], %add3A_138 {strides = array<i32>} : memref<2x2x128xi32, #tpu.memory_space<vmem>>, vector<16xi32>,
    %add3A_145 = arith.constant 64 : i32
    %add3A_146 = vector.broadcast %add3A_145 : i32 to vector<16xi32>
    %add3A_147 = arith.addi %add3A_130, %add3A_146 : vector<16xi32>
    %swap3A_148 = arith.constant 0 : i32
    %swap3A_149 = arith.constant 1 : i32
    %swap3A_150 = arith.index_cast %swap3A_148 : i32 to index
    %swap3A_151 = arith.index_cast %swap3A_149 : i32 to index
    %swap3A_152 = arith.constant 0 : index
    %swap3A_153 = tpu.vector_load %arg6[%swap3A_150, %swap3A_151, %swap3A_152] {strides = array<i32>} : memref<2x2x128xi32, #tpu.memory_space<vmem>>, vector<16xi32>,
    tpu.vector_store %arg6[%swap3A_150, %swap3A_151, %swap3A_152], %add3A_147 {strides = array<i32>} : memref<2x2x128xi32, #tpu.memory_space<vmem>>, vector<16xi32>,
    %add3A_154 = arith.constant 64 : i32
    %add3A_155 = vector.broadcast %add3A_154 : i32 to vector<16xi32>
    %add3A_156 = arith.addi %add3A_130, %add3A_155 : vector<16xi32>
    %add3A_157 = arith.constant 1 : i32
    %add3A_158 = vector.broadcast %add3A_157 : i32 to vector<16xi32>
    %add3A_159 = arith.addi %add3A_156, %add3A_158 : vector<16xi32>
    %swap3A_160 = arith.constant 0 : i32
    %swap3A_161 = arith.constant 1 : i32
    %swap3A_162 = arith.index_cast %swap3A_160 : i32 to index
    %swap3A_163 = arith.index_cast %swap3A_161 : i32 to index
    %swap3A_164 = arith.constant 64 : index
    %swap3A_165 = tpu.vector_load %arg6[%swap3A_162, %swap3A_163, %swap3A_164] {strides = array<i32>} : memref<2x2x128xi32, #tpu.memory_space<vmem>>, vector<16xi32>,
    tpu.vector_store %arg6[%swap3A_162, %swap3A_163, %swap3A_164], %add3A_159 {strides = array<i32>} : memref<2x2x128xi32, #tpu.memory_space<vmem>>, vector<16xi32>,
    %mul3A_166 = arith.mulf %select_n3A_126, %sub3A_107 : vector<16xf32>
    %sub3A_167 = arith.subf %select_n3A_126, %mul3A_166 : vector<16xf32>
    %mul3A_168 = arith.mulf %select_n3A_126, %sub3A_107 : vector<16xf32>
    %mul3A_169 = arith.mulf %sub3A_167, %sub3A_109 : vector<16xf32>
    %sub3A_170 = arith.subf %sub3A_167, %mul3A_169 : vector<16xf32>
    %swap3A_171 = arith.constant 0 : index
    %swap3A_172 = tpu.vector_load %arg8[%swap3A_171] {strides = array<i32>} : memref<640xf32, #tpu.memory_space<vmem>>, vector<16xf32>,
    tpu.vector_store %arg8[%swap3A_171], %sub3A_170 {strides = array<i32>} : memref<640xf32, #tpu.memory_space<vmem>>, vector<16xf32>,
    %mul3A_173 = arith.mulf %sub3A_167, %sub3A_109 : vector<16xf32>
    %swap3A_174 = arith.constant 80 : index
    %swap3A_175 = tpu.vector_load %arg8[%swap3A_174] {strides = array<i32>} : memref<640xf32, #tpu.memory_space<vmem>>, vector<16xf32>,
    tpu.vector_store %arg8[%swap3A_174], %mul3A_173 {strides = array<i32>} : memref<640xf32, #tpu.memory_space<vmem>>, vector<16xf32>,
    %mul3A_176 = arith.mulf %mul3A_168, %sub3A_109 : vector<16xf32>
    %sub3A_177 = arith.subf %mul3A_168, %mul3A_176 : vector<16xf32>
    %swap3A_178 = arith.constant 160 : index
    %swap3A_179 = tpu.vector_load %arg8[%swap3A_178] {strides = array<i32>} : memref<640xf32, #tpu.memory_space<vmem>>, vector<16xf32>,
    tpu.vector_store %arg8[%swap3A_178], %sub3A_177 {strides = array<i32>} : memref<640xf32, #tpu.memory_space<vmem>>, vector<16xf32>,
    %mul3A_180 = arith.mulf %mul3A_168, %sub3A_109 : vector<16xf32>
    %swap3A_181 = arith.constant 240 : index
    %swap3A_182 = tpu.vector_load %arg8[%swap3A_181] {strides = array<i32>} : memref<640xf32, #tpu.memory_space<vmem>>, vector<16xf32>,
    tpu.vector_store %arg8[%swap3A_181], %mul3A_180 {strides = array<i32>} : memref<640xf32, #tpu.memory_space<vmem>>, vector<16xf32>,
    %add3A_183 = arith.constant 16 : i32
    %add3A_184 = vector.broadcast %add3A_183 : i32 to vector<16xi32>
    %add3A_185 = arith.addi %iota3A, %add3A_184 : vector<16xi32>
    %shift_right_arithmetic3A_186 = arith.constant 3 : i32
    %shift_right_arithmetic3A_187 = vector.broadcast %shift_right_arithmetic3A_186 : i32 to vector<16xi32>
    %shift_right_arithmetic3A_188 = arith.shrsi %add3A_185, %shift_right_arithmetic3A_187 : vector<16xi32>
    %convert_element_type3A_189 = arith.sitofp %shift_right_arithmetic3A_188 : vector<16xi32> to vector<16xf32>
    %and3A_190 = arith.constant 7 : i32
    %and3A_191 = vector.broadcast %and3A_190 : i32 to vector<16xi32>
    %and3A_192 = arith.andi %add3A_185, %and3A_191 : vector<16xi32>
    %convert_element_type3A_193 = arith.sitofp %and3A_192 : vector<16xi32> to vector<16xf32>
    %mul3A_194 = vector.broadcast %mul3A_75 : f32 to vector<16xf32>
    %mul3A_195 = arith.mulf %convert_element_type3A_189, %mul3A_194 : vector<16xf32>
    %add3A_196 = vector.broadcast %mul3A_46 : f32 to vector<16xf32>
    %add3A_197 = arith.addf %add3A_196, %mul3A_195 : vector<16xf32>
    %mul3A_198 = vector.broadcast %mul3A_70 : f32 to vector<16xf32>
    %mul3A_199 = arith.mulf %convert_element_type3A_193, %mul3A_198 : vector<16xf32>
    %add3A_200 = vector.broadcast %mul3A_36 : f32 to vector<16xf32>
    %add3A_201 = arith.addf %add3A_200, %mul3A_199 : vector<16xf32>
    %convert_element_type3A_202 = arith.fptosi %add3A_197 : vector<16xf32> to vector<16xi32>
    %jit3A_203 = arith.constant 0 : i32
    %jit3A_204 = arith.constant 62 : i32
    %max3A_205 = vector.broadcast %jit3A_203 : i32 to vector<16xi32>
    %max3A_206 = arith.maxsi %max3A_205, %convert_element_type3A_202 : vector<16xi32>
    %min3A_207 = vector.broadcast %jit3A_204 : i32 to vector<16xi32>
    %min3A_208 = arith.minsi %min3A_207, %max3A_206 : vector<16xi32>
    %convert_element_type3A_209 = arith.fptosi %add3A_201 : vector<16xf32> to vector<16xi32>
    %jit3A_210 = arith.constant 0 : i32
    %jit3A_211 = arith.constant 62 : i32
    %max3A_212 = vector.broadcast %jit3A_210 : i32 to vector<16xi32>
    %max3A_213 = arith.maxsi %max3A_212, %convert_element_type3A_209 : vector<16xi32>
    %min3A_214 = vector.broadcast %jit3A_211 : i32 to vector<16xi32>
    %min3A_215 = arith.minsi %min3A_214, %max3A_213 : vector<16xi32>
    %convert_element_type3A_216 = arith.sitofp %min3A_208 : vector<16xi32> to vector<16xf32>
    %sub3A_217 = arith.subf %add3A_197, %convert_element_type3A_216 : vector<16xf32>
    %convert_element_type3A_218 = arith.sitofp %min3A_215 : vector<16xi32> to vector<16xf32>
    %sub3A_219 = arith.subf %add3A_201, %convert_element_type3A_218 : vector<16xf32>
    %ge3A_220 = arith.constant 0.000000e+00 : f32
    %ge3A_221 = vector.broadcast %ge3A_220 : f32 to vector<16xf32>
    %ge3A_222 = arith.cmpf oge, %add3A_197, %ge3A_221 : vector<16xf32>
    %lt3A_223 = arith.constant 6.400000e+01 : f32
    %lt3A_224 = vector.broadcast %lt3A_223 : f32 to vector<16xf32>
    %lt3A_225 = arith.cmpf olt, %add3A_197, %lt3A_224 : vector<16xf32>
    %and3A_226 = arith.andi %ge3A_222, %lt3A_225 : vector<16xi1>
    %ge3A_227 = arith.constant 0.000000e+00 : f32
    %ge3A_228 = vector.broadcast %ge3A_227 : f32 to vector<16xf32>
    %ge3A_229 = arith.cmpf oge, %add3A_201, %ge3A_228 : vector<16xf32>
    %and3A_230 = arith.andi %and3A_226, %ge3A_229 : vector<16xi1>
    %lt3A_231 = arith.constant 6.400000e+01 : f32
    %lt3A_232 = vector.broadcast %lt3A_231 : f32 to vector<16xf32>
    %lt3A_233 = arith.cmpf olt, %add3A_201, %lt3A_232 : vector<16xf32>
    %and3A_234 = arith.andi %and3A_230, %lt3A_233 : vector<16xi1>
    %jit3A_235 = arith.constant 2.500000e-01 : f32
    %jit3A_236 = arith.constant 0.000000e+00 : f32
    %broadcast_in_dim3A_237 = vector.broadcast %jit3A_235 : f32 to vector<16xf32>
    %broadcast_in_dim3A_238 = vector.broadcast %jit3A_236 : f32 to vector<16xf32>
    %select_n3A_239 = arith.select %and3A_234, %broadcast_in_dim3A_237, %broadcast_in_dim3A_238 : vector<16xi1>, vector<16xf32>
    %mul3A_240 = arith.constant 64 : i32
    %mul3A_241 = vector.broadcast %mul3A_240 : i32 to vector<16xi32>
    %mul3A_242 = arith.muli %min3A_208, %mul3A_241 : vector<16xi32>
    %add3A_243 = arith.addi %mul3A_242, %min3A_215 : vector<16xi32>
    %swap3A_244 = arith.constant 0 : i32
    %swap3A_245 = arith.constant 0 : i32
    %swap3A_246 = arith.index_cast %swap3A_244 : i32 to index
    %swap3A_247 = arith.index_cast %swap3A_245 : i32 to index
    %swap3A_248 = arith.constant 16 : index
    %swap3A_249 = tpu.vector_load %arg6[%swap3A_246, %swap3A_247, %swap3A_248] {strides = array<i32>} : memref<2x2x128xi32, #tpu.memory_space<vmem>>, vector<16xi32>,
    tpu.vector_store %arg6[%swap3A_246, %swap3A_247, %swap3A_248], %add3A_243 {strides = array<i32>} : memref<2x2x128xi32, #tpu.memory_space<vmem>>, vector<16xi32>,
    %add3A_250 = arith.constant 1 : i32
    %add3A_251 = vector.broadcast %add3A_250 : i32 to vector<16xi32>
    %add3A_252 = arith.addi %add3A_243, %add3A_251 : vector<16xi32>
    %swap3A_253 = arith.constant 0 : i32
    %swap3A_254 = arith.constant 0 : i32
    %swap3A_255 = arith.index_cast %swap3A_253 : i32 to index
    %swap3A_256 = arith.index_cast %swap3A_254 : i32 to index
    %swap3A_257 = arith.constant 80 : index
    %swap3A_258 = tpu.vector_load %arg6[%swap3A_255, %swap3A_256, %swap3A_257] {strides = array<i32>} : memref<2x2x128xi32, #tpu.memory_space<vmem>>, vector<16xi32>,
    tpu.vector_store %arg6[%swap3A_255, %swap3A_256, %swap3A_257], %add3A_252 {strides = array<i32>} : memref<2x2x128xi32, #tpu.memory_space<vmem>>, vector<16xi32>,
    %add3A_259 = arith.constant 64 : i32
    %add3A_260 = vector.broadcast %add3A_259 : i32 to vector<16xi32>
    %add3A_261 = arith.addi %add3A_243, %add3A_260 : vector<16xi32>
    %swap3A_262 = arith.constant 0 : i32
    %swap3A_263 = arith.constant 1 : i32
    %swap3A_264 = arith.index_cast %swap3A_262 : i32 to index
    %swap3A_265 = arith.index_cast %swap3A_263 : i32 to index
    %swap3A_266 = arith.constant 16 : index
    %swap3A_267 = tpu.vector_load %arg6[%swap3A_264, %swap3A_265, %swap3A_266] {strides = array<i32>} : memref<2x2x128xi32, #tpu.memory_space<vmem>>, vector<16xi32>,
    tpu.vector_store %arg6[%swap3A_264, %swap3A_265, %swap3A_266], %add3A_261 {strides = array<i32>} : memref<2x2x128xi32, #tpu.memory_space<vmem>>, vector<16xi32>,
    %add3A_268 = arith.constant 64 : i32
    %add3A_269 = vector.broadcast %add3A_268 : i32 to vector<16xi32>
    %add3A_270 = arith.addi %add3A_243, %add3A_269 : vector<16xi32>
    %add3A_271 = arith.constant 1 : i32
    %add3A_272 = vector.broadcast %add3A_271 : i32 to vector<16xi32>
    %add3A_273 = arith.addi %add3A_270, %add3A_272 : vector<16xi32>
    %swap3A_274 = arith.constant 0 : i32
    %swap3A_275 = arith.constant 1 : i32
    %swap3A_276 = arith.index_cast %swap3A_274 : i32 to index
    %swap3A_277 = arith.index_cast %swap3A_275 : i32 to index
    %swap3A_278 = arith.constant 80 : index
    %swap3A_279 = tpu.vector_load %arg6[%swap3A_276, %swap3A_277, %swap3A_278] {strides = array<i32>} : memref<2x2x128xi32, #tpu.memory_space<vmem>>, vector<16xi32>,
    tpu.vector_store %arg6[%swap3A_276, %swap3A_277, %swap3A_278], %add3A_273 {strides = array<i32>} : memref<2x2x128xi32, #tpu.memory_space<vmem>>, vector<16xi32>,
    %mul3A_280 = arith.mulf %select_n3A_239, %sub3A_217 : vector<16xf32>
    %sub3A_281 = arith.subf %select_n3A_239, %mul3A_280 : vector<16xf32>
    %mul3A_282 = arith.mulf %select_n3A_239, %sub3A_217 : vector<16xf32>
    %mul3A_283 = arith.mulf %sub3A_281, %sub3A_219 : vector<16xf32>
    %sub3A_284 = arith.subf %sub3A_281, %mul3A_283 : vector<16xf32>
    %swap3A_285 = arith.constant 16 : index
    %swap3A_286 = tpu.vector_load %arg8[%swap3A_285] {strides = array<i32>} : memref<640xf32, #tpu.memory_space<vmem>>, vector<16xf32>,
    tpu.vector_store %arg8[%swap3A_285], %sub3A_284 {strides = array<i32>} : memref<640xf32, #tpu.memory_space<vmem>>, vector<16xf32>,
    %mul3A_287 = arith.mulf %sub3A_281, %sub3A_219 : vector<16xf32>
    %swap3A_288 = arith.constant 96 : index
    %swap3A_289 = tpu.vector_load %arg8[%swap3A_288] {strides = array<i32>} : memref<640xf32, #tpu.memory_space<vmem>>, vector<16xf32>,
    tpu.vector_store %arg8[%swap3A_288], %mul3A_287 {strides = array<i32>} : memref<640xf32, #tpu.memory_space<vmem>>, vector<16xf32>,
    %mul3A_290 = arith.mulf %mul3A_282, %sub3A_219 : vector<16xf32>
    %sub3A_291 = arith.subf %mul3A_282, %mul3A_290 : vector<16xf32>
    %swap3A_292 = arith.constant 176 : index
    %swap3A_293 = tpu.vector_load %arg8[%swap3A_292] {strides = array<i32>} : memref<640xf32, #tpu.memory_space<vmem>>, vector<16xf32>,
    tpu.vector_store %arg8[%swap3A_292], %sub3A_291 {strides = array<i32>} : memref<640xf32, #tpu.memory_space<vmem>>, vector<16xf32>,
    %mul3A_294 = arith.mulf %mul3A_282, %sub3A_219 : vector<16xf32>
    %swap3A_295 = arith.constant 256 : index
    %swap3A_296 = tpu.vector_load %arg8[%swap3A_295] {strides = array<i32>} : memref<640xf32, #tpu.memory_space<vmem>>, vector<16xf32>,
    tpu.vector_store %arg8[%swap3A_295], %mul3A_294 {strides = array<i32>} : memref<640xf32, #tpu.memory_space<vmem>>, vector<16xf32>,
    %add3A_297 = arith.constant 32 : i32
    %add3A_298 = vector.broadcast %add3A_297 : i32 to vector<16xi32>
    %add3A_299 = arith.addi %iota3A, %add3A_298 : vector<16xi32>
    %shift_right_arithmetic3A_300 = arith.constant 3 : i32
    %shift_right_arithmetic3A_301 = vector.broadcast %shift_right_arithmetic3A_300 : i32 to vector<16xi32>
    %shift_right_arithmetic3A_302 = arith.shrsi %add3A_299, %shift_right_arithmetic3A_301 : vector<16xi32>
    %convert_element_type3A_303 = arith.sitofp %shift_right_arithmetic3A_302 : vector<16xi32> to vector<16xf32>
    %and3A_304 = arith.constant 7 : i32
    %and3A_305 = vector.broadcast %and3A_304 : i32 to vector<16xi32>
    %and3A_306 = arith.andi %add3A_299, %and3A_305 : vector<16xi32>
    %convert_element_type3A_307 = arith.sitofp %and3A_306 : vector<16xi32> to vector<16xf32>
    %mul3A_308 = vector.broadcast %mul3A_75 : f32 to vector<16xf32>
    %mul3A_309 = arith.mulf %convert_element_type3A_303, %mul3A_308 : vector<16xf32>
    %add3A_310 = vector.broadcast %mul3A_46 : f32 to vector<16xf32>
    %add3A_311 = arith.addf %add3A_310, %mul3A_309 : vector<16xf32>
    %mul3A_312 = vector.broadcast %mul3A_70 : f32 to vector<16xf32>
    %mul3A_313 = arith.mulf %convert_element_type3A_307, %mul3A_312 : vector<16xf32>
    %add3A_314 = vector.broadcast %mul3A_36 : f32 to vector<16xf32>
    %add3A_315 = arith.addf %add3A_314, %mul3A_313 : vector<16xf32>
    %convert_element_type3A_316 = arith.fptosi %add3A_311 : vector<16xf32> to vector<16xi32>
    %jit3A_317 = arith.constant 0 : i32
    %jit3A_318 = arith.constant 62 : i32
    %max3A_319 = vector.broadcast %jit3A_317 : i32 to vector<16xi32>
    %max3A_320 = arith.maxsi %max3A_319, %convert_element_type3A_316 : vector<16xi32>
    %min3A_321 = vector.broadcast %jit3A_318 : i32 to vector<16xi32>
    %min3A_322 = arith.minsi %min3A_321, %max3A_320 : vector<16xi32>
    %convert_element_type3A_323 = arith.fptosi %add3A_315 : vector<16xf32> to vector<16xi32>
    %jit3A_324 = arith.constant 0 : i32
    %jit3A_325 = arith.constant 62 : i32
    %max3A_326 = vector.broadcast %jit3A_324 : i32 to vector<16xi32>
    %max3A_327 = arith.maxsi %max3A_326, %convert_element_type3A_323 : vector<16xi32>
    %min3A_328 = vector.broadcast %jit3A_325 : i32 to vector<16xi32>
    %min3A_329 = arith.minsi %min3A_328, %max3A_327 : vector<16xi32>
    %convert_element_type3A_330 = arith.sitofp %min3A_322 : vector<16xi32> to vector<16xf32>
    %sub3A_331 = arith.subf %add3A_311, %convert_element_type3A_330 : vector<16xf32>
    %convert_element_type3A_332 = arith.sitofp %min3A_329 : vector<16xi32> to vector<16xf32>
    %sub3A_333 = arith.subf %add3A_315, %convert_element_type3A_332 : vector<16xf32>
    %ge3A_334 = arith.constant 0.000000e+00 : f32
    %ge3A_335 = vector.broadcast %ge3A_334 : f32 to vector<16xf32>
    %ge3A_336 = arith.cmpf oge, %add3A_311, %ge3A_335 : vector<16xf32>
    %lt3A_337 = arith.constant 6.400000e+01 : f32
    %lt3A_338 = vector.broadcast %lt3A_337 : f32 to vector<16xf32>
    %lt3A_339 = arith.cmpf olt, %add3A_311, %lt3A_338 : vector<16xf32>
    %and3A_340 = arith.andi %ge3A_336, %lt3A_339 : vector<16xi1>
    %ge3A_341 = arith.constant 0.000000e+00 : f32
    %ge3A_342 = vector.broadcast %ge3A_341 : f32 to vector<16xf32>
    %ge3A_343 = arith.cmpf oge, %add3A_315, %ge3A_342 : vector<16xf32>
    %and3A_344 = arith.andi %and3A_340, %ge3A_343 : vector<16xi1>
    %lt3A_345 = arith.constant 6.400000e+01 : f32
    %lt3A_346 = vector.broadcast %lt3A_345 : f32 to vector<16xf32>
    %lt3A_347 = arith.cmpf olt, %add3A_315, %lt3A_346 : vector<16xf32>
    %and3A_348 = arith.andi %and3A_344, %lt3A_347 : vector<16xi1>
    %jit3A_349 = arith.constant 2.500000e-01 : f32
    %jit3A_350 = arith.constant 0.000000e+00 : f32
    %broadcast_in_dim3A_351 = vector.broadcast %jit3A_349 : f32 to vector<16xf32>
    %broadcast_in_dim3A_352 = vector.broadcast %jit3A_350 : f32 to vector<16xf32>
    %select_n3A_353 = arith.select %and3A_348, %broadcast_in_dim3A_351, %broadcast_in_dim3A_352 : vector<16xi1>, vector<16xf32>
    %mul3A_354 = arith.constant 64 : i32
    %mul3A_355 = vector.broadcast %mul3A_354 : i32 to vector<16xi32>
    %mul3A_356 = arith.muli %min3A_322, %mul3A_355 : vector<16xi32>
    %add3A_357 = arith.addi %mul3A_356, %min3A_329 : vector<16xi32>
    %swap3A_358 = arith.constant 0 : i32
    %swap3A_359 = arith.constant 0 : i32
    %swap3A_360 = arith.index_cast %swap3A_358 : i32 to index
    %swap3A_361 = arith.index_cast %swap3A_359 : i32 to index
    %swap3A_362 = arith.constant 32 : index
    %swap3A_363 = tpu.vector_load %arg6[%swap3A_360, %swap3A_361, %swap3A_362] {strides = array<i32>} : memref<2x2x128xi32, #tpu.memory_space<vmem>>, vector<16xi32>,
    tpu.vector_store %arg6[%swap3A_360, %swap3A_361, %swap3A_362], %add3A_357 {strides = array<i32>} : memref<2x2x128xi32, #tpu.memory_space<vmem>>, vector<16xi32>,
    %add3A_364 = arith.constant 1 : i32
    %add3A_365 = vector.broadcast %add3A_364 : i32 to vector<16xi32>
    %add3A_366 = arith.addi %add3A_357, %add3A_365 : vector<16xi32>
    %swap3A_367 = arith.constant 0 : i32
    %swap3A_368 = arith.constant 0 : i32
    %swap3A_369 = arith.index_cast %swap3A_367 : i32 to index
    %swap3A_370 = arith.index_cast %swap3A_368 : i32 to index
    %swap3A_371 = arith.constant 96 : index
    %swap3A_372 = tpu.vector_load %arg6[%swap3A_369, %swap3A_370, %swap3A_371] {strides = array<i32>} : memref<2x2x128xi32, #tpu.memory_space<vmem>>, vector<16xi32>,
    tpu.vector_store %arg6[%swap3A_369, %swap3A_370, %swap3A_371], %add3A_366 {strides = array<i32>} : memref<2x2x128xi32, #tpu.memory_space<vmem>>, vector<16xi32>,
    %add3A_373 = arith.constant 64 : i32
    %add3A_374 = vector.broadcast %add3A_373 : i32 to vector<16xi32>
    %add3A_375 = arith.addi %add3A_357, %add3A_374 : vector<16xi32>
    %swap3A_376 = arith.constant 0 : i32
    %swap3A_377 = arith.constant 1 : i32
    %swap3A_378 = arith.index_cast %swap3A_376 : i32 to index
    %swap3A_379 = arith.index_cast %swap3A_377 : i32 to index
    %swap3A_380 = arith.constant 32 : index
    %swap3A_381 = tpu.vector_load %arg6[%swap3A_378, %swap3A_379, %swap3A_380] {strides = array<i32>} : memref<2x2x128xi32, #tpu.memory_space<vmem>>, vector<16xi32>,
    tpu.vector_store %arg6[%swap3A_378, %swap3A_379, %swap3A_380], %add3A_375 {strides = array<i32>} : memref<2x2x128xi32, #tpu.memory_space<vmem>>, vector<16xi32>,
    %add3A_382 = arith.constant 64 : i32
    %add3A_383 = vector.broadcast %add3A_382 : i32 to vector<16xi32>
    %add3A_384 = arith.addi %add3A_357, %add3A_383 : vector<16xi32>
    %add3A_385 = arith.constant 1 : i32
    %add3A_386 = vector.broadcast %add3A_385 : i32 to vector<16xi32>
    %add3A_387 = arith.addi %add3A_384, %add3A_386 : vector<16xi32>
    %swap3A_388 = arith.constant 0 : i32
    %swap3A_389 = arith.constant 1 : i32
    %swap3A_390 = arith.index_cast %swap3A_388 : i32 to index
    %swap3A_391 = arith.index_cast %swap3A_389 : i32 to index
    %swap3A_392 = arith.constant 96 : index
    %swap3A_393 = tpu.vector_load %arg6[%swap3A_390, %swap3A_391, %swap3A_392] {strides = array<i32>} : memref<2x2x128xi32, #tpu.memory_space<vmem>>, vector<16xi32>,
    tpu.vector_store %arg6[%swap3A_390, %swap3A_391, %swap3A_392], %add3A_387 {strides = array<i32>} : memref<2x2x128xi32, #tpu.memory_space<vmem>>, vector<16xi32>,
    %mul3A_394 = arith.mulf %select_n3A_353, %sub3A_331 : vector<16xf32>
    %sub3A_395 = arith.subf %select_n3A_353, %mul3A_394 : vector<16xf32>
    %mul3A_396 = arith.mulf %select_n3A_353, %sub3A_331 : vector<16xf32>
    %mul3A_397 = arith.mulf %sub3A_395, %sub3A_333 : vector<16xf32>
    %sub3A_398 = arith.subf %sub3A_395, %mul3A_397 : vector<16xf32>
    %swap3A_399 = arith.constant 32 : index
    %swap3A_400 = tpu.vector_load %arg8[%swap3A_399] {strides = array<i32>} : memref<640xf32, #tpu.memory_space<vmem>>, vector<16xf32>,
    tpu.vector_store %arg8[%swap3A_399], %sub3A_398 {strides = array<i32>} : memref<640xf32, #tpu.memory_space<vmem>>, vector<16xf32>,
    %mul3A_401 = arith.mulf %sub3A_395, %sub3A_333 : vector<16xf32>
    %swap3A_402 = arith.constant 112 : index
    %swap3A_403 = tpu.vector_load %arg8[%swap3A_402] {strides = array<i32>} : memref<640xf32, #tpu.memory_space<vmem>>, vector<16xf32>,
    tpu.vector_store %arg8[%swap3A_402], %mul3A_401 {strides = array<i32>} : memref<640xf32, #tpu.memory_space<vmem>>, vector<16xf32>,
    %mul3A_404 = arith.mulf %mul3A_396, %sub3A_333 : vector<16xf32>
    %sub3A_405 = arith.subf %mul3A_396, %mul3A_404 : vector<16xf32>
    %swap3A_406 = arith.constant 192 : index
    %swap3A_407 = tpu.vector_load %arg8[%swap3A_406] {strides = array<i32>} : memref<640xf32, #tpu.memory_space<vmem>>, vector<16xf32>,
    tpu.vector_store %arg8[%swap3A_406], %sub3A_405 {strides = array<i32>} : memref<640xf32, #tpu.memory_space<vmem>>, vector<16xf32>,
    %mul3A_408 = arith.mulf %mul3A_396, %sub3A_333 : vector<16xf32>
    %swap3A_409 = arith.constant 272 : index
    %swap3A_410 = tpu.vector_load %arg8[%swap3A_409] {strides = array<i32>} : memref<640xf32, #tpu.memory_space<vmem>>, vector<16xf32>,
    tpu.vector_store %arg8[%swap3A_409], %mul3A_408 {strides = array<i32>} : memref<640xf32, #tpu.memory_space<vmem>>, vector<16xf32>,
    %add3A_411 = arith.constant 48 : i32
    %add3A_412 = vector.broadcast %add3A_411 : i32 to vector<16xi32>
    %add3A_413 = arith.addi %iota3A, %add3A_412 : vector<16xi32>
    %shift_right_arithmetic3A_414 = arith.constant 3 : i32
    %shift_right_arithmetic3A_415 = vector.broadcast %shift_right_arithmetic3A_414 : i32 to vector<16xi32>
    %shift_right_arithmetic3A_416 = arith.shrsi %add3A_413, %shift_right_arithmetic3A_415 : vector<16xi32>
    %convert_element_type3A_417 = arith.sitofp %shift_right_arithmetic3A_416 : vector<16xi32> to vector<16xf32>
    %and3A_418 = arith.constant 7 : i32
    %and3A_419 = vector.broadcast %and3A_418 : i32 to vector<16xi32>
    %and3A_420 = arith.andi %add3A_413, %and3A_419 : vector<16xi32>
    %convert_element_type3A_421 = arith.sitofp %and3A_420 : vector<16xi32> to vector<16xf32>
    %mul3A_422 = vector.broadcast %mul3A_75 : f32 to vector<16xf32>
    %mul3A_423 = arith.mulf %convert_element_type3A_417, %mul3A_422 : vector<16xf32>
    %add3A_424 = vector.broadcast %mul3A_46 : f32 to vector<16xf32>
    %add3A_425 = arith.addf %add3A_424, %mul3A_423 : vector<16xf32>
    %mul3A_426 = vector.broadcast %mul3A_70 : f32 to vector<16xf32>
    %mul3A_427 = arith.mulf %convert_element_type3A_421, %mul3A_426 : vector<16xf32>
    %add3A_428 = vector.broadcast %mul3A_36 : f32 to vector<16xf32>
    %add3A_429 = arith.addf %add3A_428, %mul3A_427 : vector<16xf32>
    %convert_element_type3A_430 = arith.fptosi %add3A_425 : vector<16xf32> to vector<16xi32>
    %jit3A_431 = arith.constant 0 : i32
    %jit3A_432 = arith.constant 62 : i32
    %max3A_433 = vector.broadcast %jit3A_431 : i32 to vector<16xi32>
    %max3A_434 = arith.maxsi %max3A_433, %convert_element_type3A_430 : vector<16xi32>
    %min3A_435 = vector.broadcast %jit3A_432 : i32 to vector<16xi32>
    %min3A_436 = arith.minsi %min3A_435, %max3A_434 : vector<16xi32>
    %convert_element_type3A_437 = arith.fptosi %add3A_429 : vector<16xf32> to vector<16xi32>
    %jit3A_438 = arith.constant 0 : i32
    %jit3A_439 = arith.constant 62 : i32
    %max3A_440 = vector.broadcast %jit3A_438 : i32 to vector<16xi32>
    %max3A_441 = arith.maxsi %max3A_440, %convert_element_type3A_437 : vector<16xi32>
    %min3A_442 = vector.broadcast %jit3A_439 : i32 to vector<16xi32>
    %min3A_443 = arith.minsi %min3A_442, %max3A_441 : vector<16xi32>
    %convert_element_type3A_444 = arith.sitofp %min3A_436 : vector<16xi32> to vector<16xf32>
    %sub3A_445 = arith.subf %add3A_425, %convert_element_type3A_444 : vector<16xf32>
    %convert_element_type3A_446 = arith.sitofp %min3A_443 : vector<16xi32> to vector<16xf32>
    %sub3A_447 = arith.subf %add3A_429, %convert_element_type3A_446 : vector<16xf32>
    %ge3A_448 = arith.constant 0.000000e+00 : f32
    %ge3A_449 = vector.broadcast %ge3A_448 : f32 to vector<16xf32>
    %ge3A_450 = arith.cmpf oge, %add3A_425, %ge3A_449 : vector<16xf32>
    %lt3A_451 = arith.constant 6.400000e+01 : f32
    %lt3A_452 = vector.broadcast %lt3A_451 : f32 to vector<16xf32>
    %lt3A_453 = arith.cmpf olt, %add3A_425, %lt3A_452 : vector<16xf32>
    %and3A_454 = arith.andi %ge3A_450, %lt3A_453 : vector<16xi1>
    %ge3A_455 = arith.constant 0.000000e+00 : f32
    %ge3A_456 = vector.broadcast %ge3A_455 : f32 to vector<16xf32>
    %ge3A_457 = arith.cmpf oge, %add3A_429, %ge3A_456 : vector<16xf32>
    %and3A_458 = arith.andi %and3A_454, %ge3A_457 : vector<16xi1>
    %lt3A_459 = arith.constant 6.400000e+01 : f32
    %lt3A_460 = vector.broadcast %lt3A_459 : f32 to vector<16xf32>
    %lt3A_461 = arith.cmpf olt, %add3A_429, %lt3A_460 : vector<16xf32>
    %and3A_462 = arith.andi %and3A_458, %lt3A_461 : vector<16xi1>
    %jit3A_463 = arith.constant 2.500000e-01 : f32
    %jit3A_464 = arith.constant 0.000000e+00 : f32
    %broadcast_in_dim3A_465 = vector.broadcast %jit3A_463 : f32 to vector<16xf32>
    %broadcast_in_dim3A_466 = vector.broadcast %jit3A_464 : f32 to vector<16xf32>
    %select_n3A_467 = arith.select %and3A_462, %broadcast_in_dim3A_465, %broadcast_in_dim3A_466 : vector<16xi1>, vector<16xf32>
    %mul3A_468 = arith.constant 64 : i32
    %mul3A_469 = vector.broadcast %mul3A_468 : i32 to vector<16xi32>
    %mul3A_470 = arith.muli %min3A_436, %mul3A_469 : vector<16xi32>
    %add3A_471 = arith.addi %mul3A_470, %min3A_443 : vector<16xi32>
    %swap3A_472 = arith.constant 0 : i32
    %swap3A_473 = arith.constant 0 : i32
    %swap3A_474 = arith.index_cast %swap3A_472 : i32 to index
    %swap3A_475 = arith.index_cast %swap3A_473 : i32 to index
    %swap3A_476 = arith.constant 48 : index
    %swap3A_477 = tpu.vector_load %arg6[%swap3A_474, %swap3A_475, %swap3A_476] {strides = array<i32>} : memref<2x2x128xi32, #tpu.memory_space<vmem>>, vector<16xi32>,
    tpu.vector_store %arg6[%swap3A_474, %swap3A_475, %swap3A_476], %add3A_471 {strides = array<i32>} : memref<2x2x128xi32, #tpu.memory_space<vmem>>, vector<16xi32>,
    %add3A_478 = arith.constant 1 : i32
    %add3A_479 = vector.broadcast %add3A_478 : i32 to vector<16xi32>
    %add3A_480 = arith.addi %add3A_471, %add3A_479 : vector<16xi32>
    %swap3A_481 = arith.constant 0 : i32
    %swap3A_482 = arith.constant 0 : i32
    %swap3A_483 = arith.index_cast %swap3A_481 : i32 to index
    %swap3A_484 = arith.index_cast %swap3A_482 : i32 to index
    %swap3A_485 = arith.constant 112 : index
    %swap3A_486 = tpu.vector_load %arg6[%swap3A_483, %swap3A_484, %swap3A_485] {strides = array<i32>} : memref<2x2x128xi32, #tpu.memory_space<vmem>>, vector<16xi32>,
    tpu.vector_store %arg6[%swap3A_483, %swap3A_484, %swap3A_485], %add3A_480 {strides = array<i32>} : memref<2x2x128xi32, #tpu.memory_space<vmem>>, vector<16xi32>,
    %add3A_487 = arith.constant 64 : i32
    %add3A_488 = vector.broadcast %add3A_487 : i32 to vector<16xi32>
    %add3A_489 = arith.addi %add3A_471, %add3A_488 : vector<16xi32>
    %swap3A_490 = arith.constant 0 : i32
    %swap3A_491 = arith.constant 1 : i32
    %swap3A_492 = arith.index_cast %swap3A_490 : i32 to index
    %swap3A_493 = arith.index_cast %swap3A_491 : i32 to index
    %swap3A_494 = arith.constant 48 : index
    %swap3A_495 = tpu.vector_load %arg6[%swap3A_492, %swap3A_493, %swap3A_494] {strides = array<i32>} : memref<2x2x128xi32, #tpu.memory_space<vmem>>, vector<16xi32>,
    tpu.vector_store %arg6[%swap3A_492, %swap3A_493, %swap3A_494], %add3A_489 {strides = array<i32>} : memref<2x2x128xi32, #tpu.memory_space<vmem>>, vector<16xi32>,
    %add3A_496 = arith.constant 64 : i32
    %add3A_497 = vector.broadcast %add3A_496 : i32 to vector<16xi32>
    %add3A_498 = arith.addi %add3A_471, %add3A_497 : vector<16xi32>
    %add3A_499 = arith.constant 1 : i32
    %add3A_500 = vector.broadcast %add3A_499 : i32 to vector<16xi32>
    %add3A_501 = arith.addi %add3A_498, %add3A_500 : vector<16xi32>
    %swap3A_502 = arith.constant 0 : i32
    %swap3A_503 = arith.constant 1 : i32
    %swap3A_504 = arith.index_cast %swap3A_502 : i32 to index
    %swap3A_505 = arith.index_cast %swap3A_503 : i32 to index
    %swap3A_506 = arith.constant 112 : index
    %swap3A_507 = tpu.vector_load %arg6[%swap3A_504, %swap3A_505, %swap3A_506] {strides = array<i32>} : memref<2x2x128xi32, #tpu.memory_space<vmem>>, vector<16xi32>,
    tpu.vector_store %arg6[%swap3A_504, %swap3A_505, %swap3A_506], %add3A_501 {strides = array<i32>} : memref<2x2x128xi32, #tpu.memory_space<vmem>>, vector<16xi32>,
    %mul3A_508 = arith.mulf %select_n3A_467, %sub3A_445 : vector<16xf32>
    %sub3A_509 = arith.subf %select_n3A_467, %mul3A_508 : vector<16xf32>
    %mul3A_510 = arith.mulf %select_n3A_467, %sub3A_445 : vector<16xf32>
    %mul3A_511 = arith.mulf %sub3A_509, %sub3A_447 : vector<16xf32>
    %sub3A_512 = arith.subf %sub3A_509, %mul3A_511 : vector<16xf32>
    %swap3A_513 = arith.constant 48 : index
    %swap3A_514 = tpu.vector_load %arg8[%swap3A_513] {strides = array<i32>} : memref<640xf32, #tpu.memory_space<vmem>>, vector<16xf32>,
    tpu.vector_store %arg8[%swap3A_513], %sub3A_512 {strides = array<i32>} : memref<640xf32, #tpu.memory_space<vmem>>, vector<16xf32>,
    %mul3A_515 = arith.mulf %sub3A_509, %sub3A_447 : vector<16xf32>
    %swap3A_516 = arith.constant 128 : index
    %swap3A_517 = tpu.vector_load %arg8[%swap3A_516] {strides = array<i32>} : memref<640xf32, #tpu.memory_space<vmem>>, vector<16xf32>,
    tpu.vector_store %arg8[%swap3A_516], %mul3A_515 {strides = array<i32>} : memref<640xf32, #tpu.memory_space<vmem>>, vector<16xf32>,
    %mul3A_518 = arith.mulf %mul3A_510, %sub3A_447 : vector<16xf32>
    %sub3A_519 = arith.subf %mul3A_510, %mul3A_518 : vector<16xf32>
    %swap3A_520 = arith.constant 208 : index
    %swap3A_521 = tpu.vector_load %arg8[%swap3A_520] {strides = array<i32>} : memref<640xf32, #tpu.memory_space<vmem>>, vector<16xf32>,
    tpu.vector_store %arg8[%swap3A_520], %sub3A_519 {strides = array<i32>} : memref<640xf32, #tpu.memory_space<vmem>>, vector<16xf32>,
    %mul3A_522 = arith.mulf %mul3A_510, %sub3A_447 : vector<16xf32>
    %swap3A_523 = arith.constant 288 : index
    %swap3A_524 = tpu.vector_load %arg8[%swap3A_523] {strides = array<i32>} : memref<640xf32, #tpu.memory_space<vmem>>, vector<16xf32>,
    tpu.vector_store %arg8[%swap3A_523], %mul3A_522 {strides = array<i32>} : memref<640xf32, #tpu.memory_space<vmem>>, vector<16xf32>,
    %dma_start3A = arith.constant 0 : i32
    %dma_start3A_525 = arith.constant 0 : i32
    %dma_start3A_526 = arith.constant 0 : i32
    %dma_start3A_527 = arith.constant 0 : i32
    %dma_start3A_528 = arith.constant 0 : i32
    %dma_start3A_529 = arith.constant 0 : i32
    %dma_start3A_530 = tpu.memref_slice %arg7[%dma_start3A_526, %dma_start3A_528, %dma_start3A_529] : memref<2x256x128xf32, #tpu.memory_space<vmem>> -> memref<1x128x128xf32, #tpu.memory_space<vmem>>
    %dma_start3A_531 = tpu.memref_squeeze %dma_start3A_530 : memref<1x128x128xf32, #tpu.memory_space<vmem>> -> memref<128x128xf32, #tpu.memory_space<vmem>>
    %dma_start3A_532 = arith.constant 0 : i32
    %dma_start3A_533 = tpu.memref_slice %arg6[%dma_start3A, %dma_start3A_525, %dma_start3A_532] : memref<2x2x128xi32, #tpu.memory_space<vmem>> -> memref<1x1x128xi32, #tpu.memory_space<vmem>>
    %dma_start3A_534 = tpu.memref_squeeze %dma_start3A_533 : memref<1x1x128xi32, #tpu.memory_space<vmem>> -> memref<128xi32, #tpu.memory_space<vmem>>
    %dma_start3A_535 = arith.constant 0 : i32
    %dma_start3A_536 = arith.constant 0 : i32
    %dma_start3A_537 = tpu.memref_slice %arg2[%dma_start3A_535, %dma_start3A_536] : memref<4096x128xf32, #tpu.memory_space<hbm>> -> memref<4096x128xf32, #tpu.memory_space<hbm>>
    %dma_start3A_538 = tpu.memref_slice %arg12[%dma_start3A_527] : memref<2x!tpu.dma_semaphore, #tpu.memory_space<semaphore_mem>> -> memref<1x!tpu.dma_semaphore, #tpu.memory_space<semaphore_mem>>
    %dma_start3A_539 = tpu.memref_squeeze %dma_start3A_538 : memref<1x!tpu.dma_semaphore, #tpu.memory_space<semaphore_mem>> -> memref<!tpu.dma_semaphore, #tpu.memory_space<semaphore_mem>>
    tpu.enqueue_indirect_dma source(%dma_start3A_537 : memref<4096x128xf32, #tpu.memory_space<hbm>>) target(%dma_start3A_531 : memref<128x128xf32, #tpu.memory_space<vmem>>) offsets(%dma_start3A_534 : memref<128xi32, #tpu.memory_space<vmem>>) semaphore(%dma_start3A_539 : memref<!tpu.dma_semaphore, #tpu.memory_space<semaphore_mem>>)
    %dma_start3A_540 = arith.constant 0 : i32
    %dma_start3A_541 = arith.constant 1 : i32
    %dma_start3A_542 = arith.constant 0 : i32
    %dma_start3A_543 = arith.constant 0 : i32
    %dma_start3A_544 = arith.constant 128 : i32
    %dma_start3A_545 = arith.constant 0 : i32
    %dma_start3A_546 = tpu.memref_slice %arg7[%dma_start3A_542, %dma_start3A_544, %dma_start3A_545] : memref<2x256x128xf32, #tpu.memory_space<vmem>> -> memref<1x128x128xf32, #tpu.memory_space<vmem>>
    %dma_start3A_547 = tpu.memref_squeeze %dma_start3A_546 : memref<1x128x128xf32, #tpu.memory_space<vmem>> -> memref<128x128xf32, #tpu.memory_space<vmem>>
    %dma_start3A_548 = arith.constant 0 : i32
    %dma_start3A_549 = tpu.memref_slice %arg6[%dma_start3A_540, %dma_start3A_541, %dma_start3A_548] : memref<2x2x128xi32, #tpu.memory_space<vmem>> -> memref<1x1x128xi32, #tpu.memory_space<vmem>>
    %dma_start3A_550 = tpu.memref_squeeze %dma_start3A_549 : memref<1x1x128xi32, #tpu.memory_space<vmem>> -> memref<128xi32, #tpu.memory_space<vmem>>
    %dma_start3A_551 = arith.constant 0 : i32
    %dma_start3A_552 = arith.constant 0 : i32
    %dma_start3A_553 = tpu.memref_slice %arg2[%dma_start3A_551, %dma_start3A_552] : memref<4096x128xf32, #tpu.memory_space<hbm>> -> memref<4096x128xf32, #tpu.memory_space<hbm>>
    %dma_start3A_554 = tpu.memref_slice %arg12[%dma_start3A_543] : memref<2x!tpu.dma_semaphore, #tpu.memory_space<semaphore_mem>> -> memref<1x!tpu.dma_semaphore, #tpu.memory_space<semaphore_mem>>
    %dma_start3A_555 = tpu.memref_squeeze %dma_start3A_554 : memref<1x!tpu.dma_semaphore, #tpu.memory_space<semaphore_mem>> -> memref<!tpu.dma_semaphore, #tpu.memory_space<semaphore_mem>>
    tpu.enqueue_indirect_dma source(%dma_start3A_553 : memref<4096x128xf32, #tpu.memory_space<hbm>>) target(%dma_start3A_547 : memref<128x128xf32, #tpu.memory_space<vmem>>) offsets(%dma_start3A_550 : memref<128xi32, #tpu.memory_space<vmem>>) semaphore(%dma_start3A_555 : memref<!tpu.dma_semaphore, #tpu.memory_space<semaphore_mem>>)
    %add3A_556 = arith.constant 0 : i32
    %add3A_557 = arith.addi %add3A_556, %sub3A_21 : i32
    %add3A_558 = arith.constant 1 : i32
    %add3A_559 = arith.addi %add3A_557, %add3A_558 : i32
    %get3A_560 = arith.index_cast %add3A_559 : i32 to index
    %get3A_561 = tpu.vector_load %arg5[%get3A_560] {strides = array<i32>} : memref<736xf32, #tpu.memory_space<vmem>>, vector<16xf32>,
    %slice3A_562 = vector.extract_strided_slice %get3A_561 {offsets = [0], sizes = [1], strides = [1]} : vector<16xf32> to vector<1xf32>
    %squeeze3A_563 = vector.extract %slice3A_562[0] : f32 from vector<1xf32>
    %mul3A_564 = arith.constant 6.250000e-02 : f32
    %mul3A_565 = arith.mulf %squeeze3A_563, %mul3A_564 : f32
    %add3A_566 = arith.constant 184 : i32
    %add3A_567 = arith.addi %add3A_566, %sub3A_21 : i32
    %add3A_568 = arith.constant 1 : i32
    %add3A_569 = arith.addi %add3A_567, %add3A_568 : i32
    %get3A_570 = arith.index_cast %add3A_569 : i32 to index
    %get3A_571 = tpu.vector_load %arg5[%get3A_570] {strides = array<i32>} : memref<736xf32, #tpu.memory_space<vmem>>, vector<16xf32>,
    %slice3A_572 = vector.extract_strided_slice %get3A_571 {offsets = [0], sizes = [1], strides = [1]} : vector<16xf32> to vector<1xf32>
    %squeeze3A_573 = vector.extract %slice3A_572[0] : f32 from vector<1xf32>
    %mul3A_574 = arith.constant 6.250000e-02 : f32
    %mul3A_575 = arith.mulf %squeeze3A_573, %mul3A_574 : f32
    %add3A_576 = arith.constant 368 : i32
    %add3A_577 = arith.addi %add3A_576, %sub3A_21 : i32
    %add3A_578 = arith.constant 1 : i32
    %add3A_579 = arith.addi %add3A_577, %add3A_578 : i32
    %get3A_580 = arith.index_cast %add3A_579 : i32 to index
    %get3A_581 = tpu.vector_load %arg5[%get3A_580] {strides = array<i32>} : memref<736xf32, #tpu.memory_space<vmem>>, vector<16xf32>,
    %slice3A_582 = vector.extract_strided_slice %get3A_581 {offsets = [0], sizes = [1], strides = [1]} : vector<16xf32> to vector<1xf32>
    %squeeze3A_583 = vector.extract %slice3A_582[0] : f32 from vector<1xf32>
    %mul3A_584 = arith.constant 6.250000e-02 : f32
    %mul3A_585 = arith.mulf %squeeze3A_583, %mul3A_584 : f32
    %add3A_586 = arith.constant 552 : i32
    %add3A_587 = arith.addi %add3A_586, %sub3A_21 : i32
    %add3A_588 = arith.constant 1 : i32
    %add3A_589 = arith.addi %add3A_587, %add3A_588 : i32
    %get3A_590 = arith.index_cast %add3A_589 : i32 to index
    %get3A_591 = tpu.vector_load %arg5[%get3A_590] {strides = array<i32>} : memref<736xf32, #tpu.memory_space<vmem>>, vector<16xf32>,
    %slice3A_592 = vector.extract_strided_slice %get3A_591 {offsets = [0], sizes = [1], strides = [1]} : vector<16xf32> to vector<1xf32>
    %squeeze3A_593 = vector.extract %slice3A_592[0] : f32 from vector<1xf32>
    %mul3A_594 = arith.constant 6.250000e-02 : f32
    %mul3A_595 = arith.mulf %squeeze3A_593, %mul3A_594 : f32
    %sub3A_596 = arith.subf %mul3A_585, %mul3A_565 : f32
    %max3A_597 = arith.constant 0.000000e+00 : f32
    %max3A_598 = arith.maximumf %sub3A_596, %max3A_597 : f32
    %mul3A_599 = arith.constant 0.142857149 : f32
    %mul3A_600 = arith.mulf %max3A_598, %mul3A_599 : f32
    %sub3A_601 = arith.subf %mul3A_595, %mul3A_575 : f32
    %max3A_602 = arith.constant 0.000000e+00 : f32
    %max3A_603 = arith.maximumf %sub3A_601, %max3A_602 : f32
    %mul3A_604 = arith.constant 0.142857149 : f32
    %mul3A_605 = arith.mulf %max3A_603, %mul3A_604 : f32
    %add3A_606 = arith.constant 0 : i32
    %add3A_607 = vector.broadcast %add3A_606 : i32 to vector<16xi32>
    %add3A_608 = arith.addi %iota3A, %add3A_607 : vector<16xi32>
    %shift_right_arithmetic3A_609 = arith.constant 3 : i32
    %shift_right_arithmetic3A_610 = vector.broadcast %shift_right_arithmetic3A_609 : i32 to vector<16xi32>
    %shift_right_arithmetic3A_611 = arith.shrsi %add3A_608, %shift_right_arithmetic3A_610 : vector<16xi32>
    %convert_element_type3A_612 = arith.sitofp %shift_right_arithmetic3A_611 : vector<16xi32> to vector<16xf32>
    %and3A_613 = arith.constant 7 : i32
    %and3A_614 = vector.broadcast %and3A_613 : i32 to vector<16xi32>
    %and3A_615 = arith.andi %add3A_608, %and3A_614 : vector<16xi32>
    %convert_element_type3A_616 = arith.sitofp %and3A_615 : vector<16xi32> to vector<16xf32>
    %mul3A_617 = vector.broadcast %mul3A_605 : f32 to vector<16xf32>
    %mul3A_618 = arith.mulf %convert_element_type3A_612, %mul3A_617 : vector<16xf32>
    %add3A_619 = vector.broadcast %mul3A_575 : f32 to vector<16xf32>
    %add3A_620 = arith.addf %add3A_619, %mul3A_618 : vector<16xf32>
    %mul3A_621 = vector.broadcast %mul3A_600 : f32 to vector<16xf32>
    %mul3A_622 = arith.mulf %convert_element_type3A_616, %mul3A_621 : vector<16xf32>
    %add3A_623 = vector.broadcast %mul3A_565 : f32 to vector<16xf32>
    %add3A_624 = arith.addf %add3A_623, %mul3A_622 : vector<16xf32>
    %convert_element_type3A_625 = arith.fptosi %add3A_620 : vector<16xf32> to vector<16xi32>
    %jit3A_626 = arith.constant 0 : i32
    %jit3A_627 = arith.constant 62 : i32
    %max3A_628 = vector.broadcast %jit3A_626 : i32 to vector<16xi32>
    %max3A_629 = arith.maxsi %max3A_628, %convert_element_type3A_625 : vector<16xi32>
    %min3A_630 = vector.broadcast %jit3A_627 : i32 to vector<16xi32>
    %min3A_631 = arith.minsi %min3A_630, %max3A_629 : vector<16xi32>
    %convert_element_type3A_632 = arith.fptosi %add3A_624 : vector<16xf32> to vector<16xi32>
    %jit3A_633 = arith.constant 0 : i32
    %jit3A_634 = arith.constant 62 : i32
    %max3A_635 = vector.broadcast %jit3A_633 : i32 to vector<16xi32>
    %max3A_636 = arith.maxsi %max3A_635, %convert_element_type3A_632 : vector<16xi32>
    %min3A_637 = vector.broadcast %jit3A_634 : i32 to vector<16xi32>
    %min3A_638 = arith.minsi %min3A_637, %max3A_636 : vector<16xi32>
    %convert_element_type3A_639 = arith.sitofp %min3A_631 : vector<16xi32> to vector<16xf32>
    %sub3A_640 = arith.subf %add3A_620, %convert_element_type3A_639 : vector<16xf32>
    %convert_element_type3A_641 = arith.sitofp %min3A_638 : vector<16xi32> to vector<16xf32>
    %sub3A_642 = arith.subf %add3A_624, %convert_element_type3A_641 : vector<16xf32>
    %ge3A_643 = arith.constant 0.000000e+00 : f32
    %ge3A_644 = vector.broadcast %ge3A_643 : f32 to vector<16xf32>
    %ge3A_645 = arith.cmpf oge, %add3A_620, %ge3A_644 : vector<16xf32>
    %lt3A_646 = arith.constant 6.400000e+01 : f32
    %lt3A_647 = vector.broadcast %lt3A_646 : f32 to vector<16xf32>
    %lt3A_648 = arith.cmpf olt, %add3A_620, %lt3A_647 : vector<16xf32>
    %and3A_649 = arith.andi %ge3A_645, %lt3A_648 : vector<16xi1>
    %ge3A_650 = arith.constant 0.000000e+00 : f32
    %ge3A_651 = vector.broadcast %ge3A_650 : f32 to vector<16xf32>
    %ge3A_652 = arith.cmpf oge, %add3A_624, %ge3A_651 : vector<16xf32>
    %and3A_653 = arith.andi %and3A_649, %ge3A_652 : vector<16xi1>
    %lt3A_654 = arith.constant 6.400000e+01 : f32
    %lt3A_655 = vector.broadcast %lt3A_654 : f32 to vector<16xf32>
    %lt3A_656 = arith.cmpf olt, %add3A_624, %lt3A_655 : vector<16xf32>
    %and3A_657 = arith.andi %and3A_653, %lt3A_656 : vector<16xi1>
    %jit3A_658 = arith.constant 2.500000e-01 : f32
    %jit3A_659 = arith.constant 0.000000e+00 : f32
    %broadcast_in_dim3A_660 = vector.broadcast %jit3A_658 : f32 to vector<16xf32>
    %broadcast_in_dim3A_661 = vector.broadcast %jit3A_659 : f32 to vector<16xf32>
    %select_n3A_662 = arith.select %and3A_657, %broadcast_in_dim3A_660, %broadcast_in_dim3A_661 : vector<16xi1>, vector<16xf32>
    %mul3A_663 = arith.constant 64 : i32
    %mul3A_664 = vector.broadcast %mul3A_663 : i32 to vector<16xi32>
    %mul3A_665 = arith.muli %min3A_631, %mul3A_664 : vector<16xi32>
    %add3A_666 = arith.addi %mul3A_665, %min3A_638 : vector<16xi32>
    %swap3A_667 = arith.constant 1 : i32
    %swap3A_668 = arith.constant 0 : i32
    %swap3A_669 = arith.index_cast %swap3A_667 : i32 to index
    %swap3A_670 = arith.index_cast %swap3A_668 : i32 to index
    %swap3A_671 = arith.constant 0 : index
    %swap3A_672 = tpu.vector_load %arg6[%swap3A_669, %swap3A_670, %swap3A_671] {strides = array<i32>} : memref<2x2x128xi32, #tpu.memory_space<vmem>>, vector<16xi32>,
    tpu.vector_store %arg6[%swap3A_669, %swap3A_670, %swap3A_671], %add3A_666 {strides = array<i32>} : memref<2x2x128xi32, #tpu.memory_space<vmem>>, vector<16xi32>,
    %add3A_673 = arith.constant 1 : i32
    %add3A_674 = vector.broadcast %add3A_673 : i32 to vector<16xi32>
    %add3A_675 = arith.addi %add3A_666, %add3A_674 : vector<16xi32>
    %swap3A_676 = arith.constant 1 : i32
    %swap3A_677 = arith.constant 0 : i32
    %swap3A_678 = arith.index_cast %swap3A_676 : i32 to index
    %swap3A_679 = arith.index_cast %swap3A_677 : i32 to index
    %swap3A_680 = arith.constant 64 : index
    %swap3A_681 = tpu.vector_load %arg6[%swap3A_678, %swap3A_679, %swap3A_680] {strides = array<i32>} : memref<2x2x128xi32, #tpu.memory_space<vmem>>, vector<16xi32>,
    tpu.vector_store %arg6[%swap3A_678, %swap3A_679, %swap3A_680], %add3A_675 {strides = array<i32>} : memref<2x2x128xi32, #tpu.memory_space<vmem>>, vector<16xi32>,
    %add3A_682 = arith.constant 64 : i32
    %add3A_683 = vector.broadcast %add3A_682 : i32 to vector<16xi32>
    %add3A_684 = arith.addi %add3A_666, %add3A_683 : vector<16xi32>
    %swap3A_685 = arith.constant 1 : i32
    %swap3A_686 = arith.constant 1 : i32
    %swap3A_687 = arith.index_cast %swap3A_685 : i32 to index
    %swap3A_688 = arith.index_cast %swap3A_686 : i32 to index
    %swap3A_689 = arith.constant 0 : index
    %swap3A_690 = tpu.vector_load %arg6[%swap3A_687, %swap3A_688, %swap3A_689] {strides = array<i32>} : memref<2x2x128xi32, #tpu.memory_space<vmem>>, vector<16xi32>,
    tpu.vector_store %arg6[%swap3A_687, %swap3A_688, %swap3A_689], %add3A_684 {strides = array<i32>} : memref<2x2x128xi32, #tpu.memory_space<vmem>>, vector<16xi32>,
    %add3A_691 = arith.constant 64 : i32
    %add3A_692 = vector.broadcast %add3A_691 : i32 to vector<16xi32>
    %add3A_693 = arith.addi %add3A_666, %add3A_692 : vector<16xi32>
    %add3A_694 = arith.constant 1 : i32
    %add3A_695 = vector.broadcast %add3A_694 : i32 to vector<16xi32>
    %add3A_696 = arith.addi %add3A_693, %add3A_695 : vector<16xi32>
    %swap3A_697 = arith.constant 1 : i32
    %swap3A_698 = arith.constant 1 : i32
    %swap3A_699 = arith.index_cast %swap3A_697 : i32 to index
    %swap3A_700 = arith.index_cast %swap3A_698 : i32 to index
    %swap3A_701 = arith.constant 64 : index
    %swap3A_702 = tpu.vector_load %arg6[%swap3A_699, %swap3A_700, %swap3A_701] {strides = array<i32>} : memref<2x2x128xi32, #tpu.memory_space<vmem>>, vector<16xi32>,
    tpu.vector_store %arg6[%swap3A_699, %swap3A_700, %swap3A_701], %add3A_696 {strides = array<i32>} : memref<2x2x128xi32, #tpu.memory_space<vmem>>, vector<16xi32>,
    %mul3A_703 = arith.mulf %select_n3A_662, %sub3A_640 : vector<16xf32>
    %sub3A_704 = arith.subf %select_n3A_662, %mul3A_703 : vector<16xf32>
    %mul3A_705 = arith.mulf %select_n3A_662, %sub3A_640 : vector<16xf32>
    %mul3A_706 = arith.mulf %sub3A_704, %sub3A_642 : vector<16xf32>
    %sub3A_707 = arith.subf %sub3A_704, %mul3A_706 : vector<16xf32>
    %swap3A_708 = arith.constant 320 : index
    %swap3A_709 = tpu.vector_load %arg8[%swap3A_708] {strides = array<i32>} : memref<640xf32, #tpu.memory_space<vmem>>, vector<16xf32>,
    tpu.vector_store %arg8[%swap3A_708], %sub3A_707 {strides = array<i32>} : memref<640xf32, #tpu.memory_space<vmem>>, vector<16xf32>,
    %mul3A_710 = arith.mulf %sub3A_704, %sub3A_642 : vector<16xf32>
    %swap3A_711 = arith.constant 400 : index
    %swap3A_712 = tpu.vector_load %arg8[%swap3A_711] {strides = array<i32>} : memref<640xf32, #tpu.memory_space<vmem>>, vector<16xf32>,
    tpu.vector_store %arg8[%swap3A_711], %mul3A_710 {strides = array<i32>} : memref<640xf32, #tpu.memory_space<vmem>>, vector<16xf32>,
    %mul3A_713 = arith.mulf %mul3A_705, %sub3A_642 : vector<16xf32>
    %sub3A_714 = arith.subf %mul3A_705, %mul3A_713 : vector<16xf32>
    %swap3A_715 = arith.constant 480 : index
    %swap3A_716 = tpu.vector_load %arg8[%swap3A_715] {strides = array<i32>} : memref<640xf32, #tpu.memory_space<vmem>>, vector<16xf32>,
    tpu.vector_store %arg8[%swap3A_715], %sub3A_714 {strides = array<i32>} : memref<640xf32, #tpu.memory_space<vmem>>, vector<16xf32>,
    %mul3A_717 = arith.mulf %mul3A_705, %sub3A_642 : vector<16xf32>
    %swap3A_718 = arith.constant 560 : index
    %swap3A_719 = tpu.vector_load %arg8[%swap3A_718] {strides = array<i32>} : memref<640xf32, #tpu.memory_space<vmem>>, vector<16xf32>,
    tpu.vector_store %arg8[%swap3A_718], %mul3A_717 {strides = array<i32>} : memref<640xf32, #tpu.memory_space<vmem>>, vector<16xf32>,
    %add3A_720 = arith.constant 16 : i32
    %add3A_721 = vector.broadcast %add3A_720 : i32 to vector<16xi32>
    %add3A_722 = arith.addi %iota3A, %add3A_721 : vector<16xi32>
    %shift_right_arithmetic3A_723 = arith.constant 3 : i32
    %shift_right_arithmetic3A_724 = vector.broadcast %shift_right_arithmetic3A_723 : i32 to vector<16xi32>
    %shift_right_arithmetic3A_725 = arith.shrsi %add3A_722, %shift_right_arithmetic3A_724 : vector<16xi32>
    %convert_element_type3A_726 = arith.sitofp %shift_right_arithmetic3A_725 : vector<16xi32> to vector<16xf32>
    %and3A_727 = arith.constant 7 : i32
    %and3A_728 = vector.broadcast %and3A_727 : i32 to vector<16xi32>
    %and3A_729 = arith.andi %add3A_722, %and3A_728 : vector<16xi32>
    %convert_element_type3A_730 = arith.sitofp %and3A_729 : vector<16xi32> to vector<16xf32>
    %mul3A_731 = vector.broadcast %mul3A_605 : f32 to vector<16xf32>
    %mul3A_732 = arith.mulf %convert_element_type3A_726, %mul3A_731 : vector<16xf32>
    %add3A_733 = vector.broadcast %mul3A_575 : f32 to vector<16xf32>
    %add3A_734 = arith.addf %add3A_733, %mul3A_732 : vector<16xf32>
    %mul3A_735 = vector.broadcast %mul3A_600 : f32 to vector<16xf32>
    %mul3A_736 = arith.mulf %convert_element_type3A_730, %mul3A_735 : vector<16xf32>
    %add3A_737 = vector.broadcast %mul3A_565 : f32 to vector<16xf32>
    %add3A_738 = arith.addf %add3A_737, %mul3A_736 : vector<16xf32>
    %convert_element_type3A_739 = arith.fptosi %add3A_734 : vector<16xf32> to vector<16xi32>
    %jit3A_740 = arith.constant 0 : i32
    %jit3A_741 = arith.constant 62 : i32
    %max3A_742 = vector.broadcast %jit3A_740 : i32 to vector<16xi32>
    %max3A_743 = arith.maxsi %max3A_742, %convert_element_type3A_739 : vector<16xi32>
    %min3A_744 = vector.broadcast %jit3A_741 : i32 to vector<16xi32>
    %min3A_745 = arith.minsi %min3A_744, %max3A_743 : vector<16xi32>
    %convert_element_type3A_746 = arith.fptosi %add3A_738 : vector<16xf32> to vector<16xi32>
    %jit3A_747 = arith.constant 0 : i32
    %jit3A_748 = arith.constant 62 : i32
    %max3A_749 = vector.broadcast %jit3A_747 : i32 to vector<16xi32>
    %max3A_750 = arith.maxsi %max3A_749, %convert_element_type3A_746 : vector<16xi32>
    %min3A_751 = vector.broadcast %jit3A_748 : i32 to vector<16xi32>
    %min3A_752 = arith.minsi %min3A_751, %max3A_750 : vector<16xi32>
    %convert_element_type3A_753 = arith.sitofp %min3A_745 : vector<16xi32> to vector<16xf32>
    %sub3A_754 = arith.subf %add3A_734, %convert_element_type3A_753 : vector<16xf32>
    %convert_element_type3A_755 = arith.sitofp %min3A_752 : vector<16xi32> to vector<16xf32>
    %sub3A_756 = arith.subf %add3A_738, %convert_element_type3A_755 : vector<16xf32>
    %ge3A_757 = arith.constant 0.000000e+00 : f32
    %ge3A_758 = vector.broadcast %ge3A_757 : f32 to vector<16xf32>
    %ge3A_759 = arith.cmpf oge, %add3A_734, %ge3A_758 : vector<16xf32>
    %lt3A_760 = arith.constant 6.400000e+01 : f32
    %lt3A_761 = vector.broadcast %lt3A_760 : f32 to vector<16xf32>
    %lt3A_762 = arith.cmpf olt, %add3A_734, %lt3A_761 : vector<16xf32>
    %and3A_763 = arith.andi %ge3A_759, %lt3A_762 : vector<16xi1>
    %ge3A_764 = arith.constant 0.000000e+00 : f32
    %ge3A_765 = vector.broadcast %ge3A_764 : f32 to vector<16xf32>
    %ge3A_766 = arith.cmpf oge, %add3A_738, %ge3A_765 : vector<16xf32>
    %and3A_767 = arith.andi %and3A_763, %ge3A_766 : vector<16xi1>
    %lt3A_768 = arith.constant 6.400000e+01 : f32
    %lt3A_769 = vector.broadcast %lt3A_768 : f32 to vector<16xf32>
    %lt3A_770 = arith.cmpf olt, %add3A_738, %lt3A_769 : vector<16xf32>
    %and3A_771 = arith.andi %and3A_767, %lt3A_770 : vector<16xi1>
    %jit3A_772 = arith.constant 2.500000e-01 : f32
    %jit3A_773 = arith.constant 0.000000e+00 : f32
    %broadcast_in_dim3A_774 = vector.broadcast %jit3A_772 : f32 to vector<16xf32>
    %broadcast_in_dim3A_775 = vector.broadcast %jit3A_773 : f32 to vector<16xf32>
    %select_n3A_776 = arith.select %and3A_771, %broadcast_in_dim3A_774, %broadcast_in_dim3A_775 : vector<16xi1>, vector<16xf32>
    %mul3A_777 = arith.constant 64 : i32
    %mul3A_778 = vector.broadcast %mul3A_777 : i32 to vector<16xi32>
    %mul3A_779 = arith.muli %min3A_745, %mul3A_778 : vector<16xi32>
    %add3A_780 = arith.addi %mul3A_779, %min3A_752 : vector<16xi32>
    %swap3A_781 = arith.constant 1 : i32
    %swap3A_782 = arith.constant 0 : i32
    %swap3A_783 = arith.index_cast %swap3A_781 : i32 to index
    %swap3A_784 = arith.index_cast %swap3A_782 : i32 to index
    %swap3A_785 = arith.constant 16 : index
    %swap3A_786 = tpu.vector_load %arg6[%swap3A_783, %swap3A_784, %swap3A_785] {strides = array<i32>} : memref<2x2x128xi32, #tpu.memory_space<vmem>>, vector<16xi32>,
    tpu.vector_store %arg6[%swap3A_783, %swap3A_784, %swap3A_785], %add3A_780 {strides = array<i32>} : memref<2x2x128xi32, #tpu.memory_space<vmem>>, vector<16xi32>,
    %add3A_787 = arith.constant 1 : i32
    %add3A_788 = vector.broadcast %add3A_787 : i32 to vector<16xi32>
    %add3A_789 = arith.addi %add3A_780, %add3A_788 : vector<16xi32>
    %swap3A_790 = arith.constant 1 : i32
    %swap3A_791 = arith.constant 0 : i32
    %swap3A_792 = arith.index_cast %swap3A_790 : i32 to index
    %swap3A_793 = arith.index_cast %swap3A_791 : i32 to index
    %swap3A_794 = arith.constant 80 : index
    %swap3A_795 = tpu.vector_load %arg6[%swap3A_792, %swap3A_793, %swap3A_794] {strides = array<i32>} : memref<2x2x128xi32, #tpu.memory_space<vmem>>, vector<16xi32>,
    tpu.vector_store %arg6[%swap3A_792, %swap3A_793, %swap3A_794], %add3A_789 {strides = array<i32>} : memref<2x2x128xi32, #tpu.memory_space<vmem>>, vector<16xi32>,
    %add3A_796 = arith.constant 64 : i32
    %add3A_797 = vector.broadcast %add3A_796 : i32 to vector<16xi32>
    %add3A_798 = arith.addi %add3A_780, %add3A_797 : vector<16xi32>
    %swap3A_799 = arith.constant 1 : i32
    %swap3A_800 = arith.constant 1 : i32
    %swap3A_801 = arith.index_cast %swap3A_799 : i32 to index
    %swap3A_802 = arith.index_cast %swap3A_800 : i32 to index
    %swap3A_803 = arith.constant 16 : index
    %swap3A_804 = tpu.vector_load %arg6[%swap3A_801, %swap3A_802, %swap3A_803] {strides = array<i32>} : memref<2x2x128xi32, #tpu.memory_space<vmem>>, vector<16xi32>,
    tpu.vector_store %arg6[%swap3A_801, %swap3A_802, %swap3A_803], %add3A_798 {strides = array<i32>} : memref<2x2x128xi32, #tpu.memory_space<vmem>>, vector<16xi32>,
    %add3A_805 = arith.constant 64 : i32
    %add3A_806 = vector.broadcast %add3A_805 : i32 to vector<16xi32>
    %add3A_807 = arith.addi %add3A_780, %add3A_806 : vector<16xi32>
    %add3A_808 = arith.constant 1 : i32
    %add3A_809 = vector.broadcast %add3A_808 : i32 to vector<16xi32>
    %add3A_810 = arith.addi %add3A_807, %add3A_809 : vector<16xi32>
    %swap3A_811 = arith.constant 1 : i32
    %swap3A_812 = arith.constant 1 : i32
    %swap3A_813 = arith.index_cast %swap3A_811 : i32 to index
    %swap3A_814 = arith.index_cast %swap3A_812 : i32 to index
    %swap3A_815 = arith.constant 80 : index
    %swap3A_816 = tpu.vector_load %arg6[%swap3A_813, %swap3A_814, %swap3A_815] {strides = array<i32>} : memref<2x2x128xi32, #tpu.memory_space<vmem>>, vector<16xi32>,
    tpu.vector_store %arg6[%swap3A_813, %swap3A_814, %swap3A_815], %add3A_810 {strides = array<i32>} : memref<2x2x128xi32, #tpu.memory_space<vmem>>, vector<16xi32>,
    %mul3A_817 = arith.mulf %select_n3A_776, %sub3A_754 : vector<16xf32>
    %sub3A_818 = arith.subf %select_n3A_776, %mul3A_817 : vector<16xf32>
    %mul3A_819 = arith.mulf %select_n3A_776, %sub3A_754 : vector<16xf32>
    %mul3A_820 = arith.mulf %sub3A_818, %sub3A_756 : vector<16xf32>
    %sub3A_821 = arith.subf %sub3A_818, %mul3A_820 : vector<16xf32>
    %swap3A_822 = arith.constant 336 : index
    %swap3A_823 = tpu.vector_load %arg8[%swap3A_822] {strides = array<i32>} : memref<640xf32, #tpu.memory_space<vmem>>, vector<16xf32>,
    tpu.vector_store %arg8[%swap3A_822], %sub3A_821 {strides = array<i32>} : memref<640xf32, #tpu.memory_space<vmem>>, vector<16xf32>,
    %mul3A_824 = arith.mulf %sub3A_818, %sub3A_756 : vector<16xf32>
    %swap3A_825 = arith.constant 416 : index
    %swap3A_826 = tpu.vector_load %arg8[%swap3A_825] {strides = array<i32>} : memref<640xf32, #tpu.memory_space<vmem>>, vector<16xf32>,
    tpu.vector_store %arg8[%swap3A_825], %mul3A_824 {strides = array<i32>} : memref<640xf32, #tpu.memory_space<vmem>>, vector<16xf32>,
    %mul3A_827 = arith.mulf %mul3A_819, %sub3A_756 : vector<16xf32>
    %sub3A_828 = arith.subf %mul3A_819, %mul3A_827 : vector<16xf32>
    %swap3A_829 = arith.constant 496 : index
    %swap3A_830 = tpu.vector_load %arg8[%swap3A_829] {strides = array<i32>} : memref<640xf32, #tpu.memory_space<vmem>>, vector<16xf32>,
    tpu.vector_store %arg8[%swap3A_829], %sub3A_828 {strides = array<i32>} : memref<640xf32, #tpu.memory_space<vmem>>, vector<16xf32>,
    %mul3A_831 = arith.mulf %mul3A_819, %sub3A_756 : vector<16xf32>
    %swap3A_832 = arith.constant 576 : index
    %swap3A_833 = tpu.vector_load %arg8[%swap3A_832] {strides = array<i32>} : memref<640xf32, #tpu.memory_space<vmem>>, vector<16xf32>,
    tpu.vector_store %arg8[%swap3A_832], %mul3A_831 {strides = array<i32>} : memref<640xf32, #tpu.memory_space<vmem>>, vector<16xf32>,
    %add3A_834 = arith.constant 32 : i32
    %add3A_835 = vector.broadcast %add3A_834 : i32 to vector<16xi32>
    %add3A_836 = arith.addi %iota3A, %add3A_835 : vector<16xi32>
    %shift_right_arithmetic3A_837 = arith.constant 3 : i32
    %shift_right_arithmetic3A_838 = vector.broadcast %shift_right_arithmetic3A_837 : i32 to vector<16xi32>
    %shift_right_arithmetic3A_839 = arith.shrsi %add3A_836, %shift_right_arithmetic3A_838 : vector<16xi32>
    %convert_element_type3A_840 = arith.sitofp %shift_right_arithmetic3A_839 : vector<16xi32> to vector<16xf32>
    %and3A_841 = arith.constant 7 : i32
    %and3A_842 = vector.broadcast %and3A_841 : i32 to vector<16xi32>
    %and3A_843 = arith.andi %add3A_836, %and3A_842 : vector<16xi32>
    %convert_element_type3A_844 = arith.sitofp %and3A_843 : vector<16xi32> to vector<16xf32>
    %mul3A_845 = vector.broadcast %mul3A_605 : f32 to vector<16xf32>
    %mul3A_846 = arith.mulf %convert_element_type3A_840, %mul3A_845 : vector<16xf32>
    %add3A_847 = vector.broadcast %mul3A_575 : f32 to vector<16xf32>
    %add3A_848 = arith.addf %add3A_847, %mul3A_846 : vector<16xf32>
    %mul3A_849 = vector.broadcast %mul3A_600 : f32 to vector<16xf32>
    %mul3A_850 = arith.mulf %convert_element_type3A_844, %mul3A_849 : vector<16xf32>
    %add3A_851 = vector.broadcast %mul3A_565 : f32 to vector<16xf32>
    %add3A_852 = arith.addf %add3A_851, %mul3A_850 : vector<16xf32>
    %convert_element_type3A_853 = arith.fptosi %add3A_848 : vector<16xf32> to vector<16xi32>
    %jit3A_854 = arith.constant 0 : i32
    %jit3A_855 = arith.constant 62 : i32
    %max3A_856 = vector.broadcast %jit3A_854 : i32 to vector<16xi32>
    %max3A_857 = arith.maxsi %max3A_856, %convert_element_type3A_853 : vector<16xi32>
    %min3A_858 = vector.broadcast %jit3A_855 : i32 to vector<16xi32>
    %min3A_859 = arith.minsi %min3A_858, %max3A_857 : vector<16xi32>
    %convert_element_type3A_860 = arith.fptosi %add3A_852 : vector<16xf32> to vector<16xi32>
    %jit3A_861 = arith.constant 0 : i32
    %jit3A_862 = arith.constant 62 : i32
    %max3A_863 = vector.broadcast %jit3A_861 : i32 to vector<16xi32>
    %max3A_864 = arith.maxsi %max3A_863, %convert_element_type3A_860 : vector<16xi32>
    %min3A_865 = vector.broadcast %jit3A_862 : i32 to vector<16xi32>
    %min3A_866 = arith.minsi %min3A_865, %max3A_864 : vector<16xi32>
    %convert_element_type3A_867 = arith.sitofp %min3A_859 : vector<16xi32> to vector<16xf32>
    %sub3A_868 = arith.subf %add3A_848, %convert_element_type3A_867 : vector<16xf32>
    %convert_element_type3A_869 = arith.sitofp %min3A_866 : vector<16xi32> to vector<16xf32>
    %sub3A_870 = arith.subf %add3A_852, %convert_element_type3A_869 : vector<16xf32>
    %ge3A_871 = arith.constant 0.000000e+00 : f32
    %ge3A_872 = vector.broadcast %ge3A_871 : f32 to vector<16xf32>
    %ge3A_873 = arith.cmpf oge, %add3A_848, %ge3A_872 : vector<16xf32>
    %lt3A_874 = arith.constant 6.400000e+01 : f32
    %lt3A_875 = vector.broadcast %lt3A_874 : f32 to vector<16xf32>
    %lt3A_876 = arith.cmpf olt, %add3A_848, %lt3A_875 : vector<16xf32>
    %and3A_877 = arith.andi %ge3A_873, %lt3A_876 : vector<16xi1>
    %ge3A_878 = arith.constant 0.000000e+00 : f32
    %ge3A_879 = vector.broadcast %ge3A_878 : f32 to vector<16xf32>
    %ge3A_880 = arith.cmpf oge, %add3A_852, %ge3A_879 : vector<16xf32>
    %and3A_881 = arith.andi %and3A_877, %ge3A_880 : vector<16xi1>
    %lt3A_882 = arith.constant 6.400000e+01 : f32
    %lt3A_883 = vector.broadcast %lt3A_882 : f32 to vector<16xf32>
    %lt3A_884 = arith.cmpf olt, %add3A_852, %lt3A_883 : vector<16xf32>
    %and3A_885 = arith.andi %and3A_881, %lt3A_884 : vector<16xi1>
    %jit3A_886 = arith.constant 2.500000e-01 : f32
    %jit3A_887 = arith.constant 0.000000e+00 : f32
    %broadcast_in_dim3A_888 = vector.broadcast %jit3A_886 : f32 to vector<16xf32>
    %broadcast_in_dim3A_889 = vector.broadcast %jit3A_887 : f32 to vector<16xf32>
    %select_n3A_890 = arith.select %and3A_885, %broadcast_in_dim3A_888, %broadcast_in_dim3A_889 : vector<16xi1>, vector<16xf32>
    %mul3A_891 = arith.constant 64 : i32
    %mul3A_892 = vector.broadcast %mul3A_891 : i32 to vector<16xi32>
    %mul3A_893 = arith.muli %min3A_859, %mul3A_892 : vector<16xi32>
    %add3A_894 = arith.addi %mul3A_893, %min3A_866 : vector<16xi32>
    %swap3A_895 = arith.constant 1 : i32
    %swap3A_896 = arith.constant 0 : i32
    %swap3A_897 = arith.index_cast %swap3A_895 : i32 to index
    %swap3A_898 = arith.index_cast %swap3A_896 : i32 to index
    %swap3A_899 = arith.constant 32 : index
    %swap3A_900 = tpu.vector_load %arg6[%swap3A_897, %swap3A_898, %swap3A_899] {strides = array<i32>} : memref<2x2x128xi32, #tpu.memory_space<vmem>>, vector<16xi32>,
    tpu.vector_store %arg6[%swap3A_897, %swap3A_898, %swap3A_899], %add3A_894 {strides = array<i32>} : memref<2x2x128xi32, #tpu.memory_space<vmem>>, vector<16xi32>,
    %add3A_901 = arith.constant 1 : i32
    %add3A_902 = vector.broadcast %add3A_901 : i32 to vector<16xi32>
    %add3A_903 = arith.addi %add3A_894, %add3A_902 : vector<16xi32>
    %swap3A_904 = arith.constant 1 : i32
    %swap3A_905 = arith.constant 0 : i32
    %swap3A_906 = arith.index_cast %swap3A_904 : i32 to index
    %swap3A_907 = arith.index_cast %swap3A_905 : i32 to index
    %swap3A_908 = arith.constant 96 : index
    %swap3A_909 = tpu.vector_load %arg6[%swap3A_906, %swap3A_907, %swap3A_908] {strides = array<i32>} : memref<2x2x128xi32, #tpu.memory_space<vmem>>, vector<16xi32>,
    tpu.vector_store %arg6[%swap3A_906, %swap3A_907, %swap3A_908], %add3A_903 {strides = array<i32>} : memref<2x2x128xi32, #tpu.memory_space<vmem>>, vector<16xi32>,
    %add3A_910 = arith.constant 64 : i32
    %add3A_911 = vector.broadcast %add3A_910 : i32 to vector<16xi32>
    %add3A_912 = arith.addi %add3A_894, %add3A_911 : vector<16xi32>
    %swap3A_913 = arith.constant 1 : i32
    %swap3A_914 = arith.constant 1 : i32
    %swap3A_915 = arith.index_cast %swap3A_913 : i32 to index
    %swap3A_916 = arith.index_cast %swap3A_914 : i32 to index
    %swap3A_917 = arith.constant 32 : index
    %swap3A_918 = tpu.vector_load %arg6[%swap3A_915, %swap3A_916, %swap3A_917] {strides = array<i32>} : memref<2x2x128xi32, #tpu.memory_space<vmem>>, vector<16xi32>,
    tpu.vector_store %arg6[%swap3A_915, %swap3A_916, %swap3A_917], %add3A_912 {strides = array<i32>} : memref<2x2x128xi32, #tpu.memory_space<vmem>>, vector<16xi32>,
    %add3A_919 = arith.constant 64 : i32
    %add3A_920 = vector.broadcast %add3A_919 : i32 to vector<16xi32>
    %add3A_921 = arith.addi %add3A_894, %add3A_920 : vector<16xi32>
    %add3A_922 = arith.constant 1 : i32
    %add3A_923 = vector.broadcast %add3A_922 : i32 to vector<16xi32>
    %add3A_924 = arith.addi %add3A_921, %add3A_923 : vector<16xi32>
    %swap3A_925 = arith.constant 1 : i32
    %swap3A_926 = arith.constant 1 : i32
    %swap3A_927 = arith.index_cast %swap3A_925 : i32 to index
    %swap3A_928 = arith.index_cast %swap3A_926 : i32 to index
    %swap3A_929 = arith.constant 96 : index
    %swap3A_930 = tpu.vector_load %arg6[%swap3A_927, %swap3A_928, %swap3A_929] {strides = array<i32>} : memref<2x2x128xi32, #tpu.memory_space<vmem>>, vector<16xi32>,
    tpu.vector_store %arg6[%swap3A_927, %swap3A_928, %swap3A_929], %add3A_924 {strides = array<i32>} : memref<2x2x128xi32, #tpu.memory_space<vmem>>, vector<16xi32>,
    %mul3A_931 = arith.mulf %select_n3A_890, %sub3A_868 : vector<16xf32>
    %sub3A_932 = arith.subf %select_n3A_890, %mul3A_931 : vector<16xf32>
    %mul3A_933 = arith.mulf %select_n3A_890, %sub3A_868 : vector<16xf32>
    %mul3A_934 = arith.mulf %sub3A_932, %sub3A_870 : vector<16xf32>
    %sub3A_935 = arith.subf %sub3A_932, %mul3A_934 : vector<16xf32>
    %swap3A_936 = arith.constant 352 : index
    %swap3A_937 = tpu.vector_load %arg8[%swap3A_936] {strides = array<i32>} : memref<640xf32, #tpu.memory_space<vmem>>, vector<16xf32>,
    tpu.vector_store %arg8[%swap3A_936], %sub3A_935 {strides = array<i32>} : memref<640xf32, #tpu.memory_space<vmem>>, vector<16xf32>,
    %mul3A_938 = arith.mulf %sub3A_932, %sub3A_870 : vector<16xf32>
    %swap3A_939 = arith.constant 432 : index
    %swap3A_940 = tpu.vector_load %arg8[%swap3A_939] {strides = array<i32>} : memref<640xf32, #tpu.memory_space<vmem>>, vector<16xf32>,
    tpu.vector_store %arg8[%swap3A_939], %mul3A_938 {strides = array<i32>} : memref<640xf32, #tpu.memory_space<vmem>>, vector<16xf32>,
    %mul3A_941 = arith.mulf %mul3A_933, %sub3A_870 : vector<16xf32>
    %sub3A_942 = arith.subf %mul3A_933, %mul3A_941 : vector<16xf32>
    %swap3A_943 = arith.constant 512 : index
    %swap3A_944 = tpu.vector_load %arg8[%swap3A_943] {strides = array<i32>} : memref<640xf32, #tpu.memory_space<vmem>>, vector<16xf32>,
    tpu.vector_store %arg8[%swap3A_943], %sub3A_942 {strides = array<i32>} : memref<640xf32, #tpu.memory_space<vmem>>, vector<16xf32>,
    %mul3A_945 = arith.mulf %mul3A_933, %sub3A_870 : vector<16xf32>
    %swap3A_946 = arith.constant 592 : index
    %swap3A_947 = tpu.vector_load %arg8[%swap3A_946] {strides = array<i32>} : memref<640xf32, #tpu.memory_space<vmem>>, vector<16xf32>,
    tpu.vector_store %arg8[%swap3A_946], %mul3A_945 {strides = array<i32>} : memref<640xf32, #tpu.memory_space<vmem>>, vector<16xf32>,
    %add3A_948 = arith.constant 48 : i32
    %add3A_949 = vector.broadcast %add3A_948 : i32 to vector<16xi32>
    %add3A_950 = arith.addi %iota3A, %add3A_949 : vector<16xi32>
    %shift_right_arithmetic3A_951 = arith.constant 3 : i32
    %shift_right_arithmetic3A_952 = vector.broadcast %shift_right_arithmetic3A_951 : i32 to vector<16xi32>
    %shift_right_arithmetic3A_953 = arith.shrsi %add3A_950, %shift_right_arithmetic3A_952 : vector<16xi32>
    %convert_element_type3A_954 = arith.sitofp %shift_right_arithmetic3A_953 : vector<16xi32> to vector<16xf32>
    %and3A_955 = arith.constant 7 : i32
    %and3A_956 = vector.broadcast %and3A_955 : i32 to vector<16xi32>
    %and3A_957 = arith.andi %add3A_950, %and3A_956 : vector<16xi32>
    %convert_element_type3A_958 = arith.sitofp %and3A_957 : vector<16xi32> to vector<16xf32>
    %mul3A_959 = vector.broadcast %mul3A_605 : f32 to vector<16xf32>
    %mul3A_960 = arith.mulf %convert_element_type3A_954, %mul3A_959 : vector<16xf32>
    %add3A_961 = vector.broadcast %mul3A_575 : f32 to vector<16xf32>
    %add3A_962 = arith.addf %add3A_961, %mul3A_960 : vector<16xf32>
    %mul3A_963 = vector.broadcast %mul3A_600 : f32 to vector<16xf32>
    %mul3A_964 = arith.mulf %convert_element_type3A_958, %mul3A_963 : vector<16xf32>
    %add3A_965 = vector.broadcast %mul3A_565 : f32 to vector<16xf32>
    %add3A_966 = arith.addf %add3A_965, %mul3A_964 : vector<16xf32>
    %convert_element_type3A_967 = arith.fptosi %add3A_962 : vector<16xf32> to vector<16xi32>
    %jit3A_968 = arith.constant 0 : i32
    %jit3A_969 = arith.constant 62 : i32
    %max3A_970 = vector.broadcast %jit3A_968 : i32 to vector<16xi32>
    %max3A_971 = arith.maxsi %max3A_970, %convert_element_type3A_967 : vector<16xi32>
    %min3A_972 = vector.broadcast %jit3A_969 : i32 to vector<16xi32>
    %min3A_973 = arith.minsi %min3A_972, %max3A_971 : vector<16xi32>
    %convert_element_type3A_974 = arith.fptosi %add3A_966 : vector<16xf32> to vector<16xi32>
    %jit3A_975 = arith.constant 0 : i32
    %jit3A_976 = arith.constant 62 : i32
    %max3A_977 = vector.broadcast %jit3A_975 : i32 to vector<16xi32>
    %max3A_978 = arith.maxsi %max3A_977, %convert_element_type3A_974 : vector<16xi32>
    %min3A_979 = vector.broadcast %jit3A_976 : i32 to vector<16xi32>
    %min3A_980 = arith.minsi %min3A_979, %max3A_978 : vector<16xi32>
    %convert_element_type3A_981 = arith.sitofp %min3A_973 : vector<16xi32> to vector<16xf32>
    %sub3A_982 = arith.subf %add3A_962, %convert_element_type3A_981 : vector<16xf32>
    %convert_element_type3A_983 = arith.sitofp %min3A_980 : vector<16xi32> to vector<16xf32>
    %sub3A_984 = arith.subf %add3A_966, %convert_element_type3A_983 : vector<16xf32>
    %ge3A_985 = arith.constant 0.000000e+00 : f32
    %ge3A_986 = vector.broadcast %ge3A_985 : f32 to vector<16xf32>
    %ge3A_987 = arith.cmpf oge, %add3A_962, %ge3A_986 : vector<16xf32>
    %lt3A_988 = arith.constant 6.400000e+01 : f32
    %lt3A_989 = vector.broadcast %lt3A_988 : f32 to vector<16xf32>
    %lt3A_990 = arith.cmpf olt, %add3A_962, %lt3A_989 : vector<16xf32>
    %and3A_991 = arith.andi %ge3A_987, %lt3A_990 : vector<16xi1>
    %ge3A_992 = arith.constant 0.000000e+00 : f32
    %ge3A_993 = vector.broadcast %ge3A_992 : f32 to vector<16xf32>
    %ge3A_994 = arith.cmpf oge, %add3A_966, %ge3A_993 : vector<16xf32>
    %and3A_995 = arith.andi %and3A_991, %ge3A_994 : vector<16xi1>
    %lt3A_996 = arith.constant 6.400000e+01 : f32
    %lt3A_997 = vector.broadcast %lt3A_996 : f32 to vector<16xf32>
    %lt3A_998 = arith.cmpf olt, %add3A_966, %lt3A_997 : vector<16xf32>
    %and3A_999 = arith.andi %and3A_995, %lt3A_998 : vector<16xi1>
    %jit3A_1000 = arith.constant 2.500000e-01 : f32
    %jit3A_1001 = arith.constant 0.000000e+00 : f32
    %broadcast_in_dim3A_1002 = vector.broadcast %jit3A_1000 : f32 to vector<16xf32>
    %broadcast_in_dim3A_1003 = vector.broadcast %jit3A_1001 : f32 to vector<16xf32>
    %select_n3A_1004 = arith.select %and3A_999, %broadcast_in_dim3A_1002, %broadcast_in_dim3A_1003 : vector<16xi1>, vector<16xf32>
    %mul3A_1005 = arith.constant 64 : i32
    %mul3A_1006 = vector.broadcast %mul3A_1005 : i32 to vector<16xi32>
    %mul3A_1007 = arith.muli %min3A_973, %mul3A_1006 : vector<16xi32>
    %add3A_1008 = arith.addi %mul3A_1007, %min3A_980 : vector<16xi32>
    %swap3A_1009 = arith.constant 1 : i32
    %swap3A_1010 = arith.constant 0 : i32
    %swap3A_1011 = arith.index_cast %swap3A_1009 : i32 to index
    %swap3A_1012 = arith.index_cast %swap3A_1010 : i32 to index
    %swap3A_1013 = arith.constant 48 : index
    %swap3A_1014 = tpu.vector_load %arg6[%swap3A_1011, %swap3A_1012, %swap3A_1013] {strides = array<i32>} : memref<2x2x128xi32, #tpu.memory_space<vmem>>, vector<16xi32>,
    tpu.vector_store %arg6[%swap3A_1011, %swap3A_1012, %swap3A_1013], %add3A_1008 {strides = array<i32>} : memref<2x2x128xi32, #tpu.memory_space<vmem>>, vector<16xi32>,
    %add3A_1015 = arith.constant 1 : i32
    %add3A_1016 = vector.broadcast %add3A_1015 : i32 to vector<16xi32>
    %add3A_1017 = arith.addi %add3A_1008, %add3A_1016 : vector<16xi32>
    %swap3A_1018 = arith.constant 1 : i32
    %swap3A_1019 = arith.constant 0 : i32
    %swap3A_1020 = arith.index_cast %swap3A_1018 : i32 to index
    %swap3A_1021 = arith.index_cast %swap3A_1019 : i32 to index
    %swap3A_1022 = arith.constant 112 : index
    %swap3A_1023 = tpu.vector_load %arg6[%swap3A_1020, %swap3A_1021, %swap3A_1022] {strides = array<i32>} : memref<2x2x128xi32, #tpu.memory_space<vmem>>, vector<16xi32>,
    tpu.vector_store %arg6[%swap3A_1020, %swap3A_1021, %swap3A_1022], %add3A_1017 {strides = array<i32>} : memref<2x2x128xi32, #tpu.memory_space<vmem>>, vector<16xi32>,
    %add3A_1024 = arith.constant 64 : i32
    %add3A_1025 = vector.broadcast %add3A_1024 : i32 to vector<16xi32>
    %add3A_1026 = arith.addi %add3A_1008, %add3A_1025 : vector<16xi32>
    %swap3A_1027 = arith.constant 1 : i32
    %swap3A_1028 = arith.constant 1 : i32
    %swap3A_1029 = arith.index_cast %swap3A_1027 : i32 to index
    %swap3A_1030 = arith.index_cast %swap3A_1028 : i32 to index
    %swap3A_1031 = arith.constant 48 : index
    %swap3A_1032 = tpu.vector_load %arg6[%swap3A_1029, %swap3A_1030, %swap3A_1031] {strides = array<i32>} : memref<2x2x128xi32, #tpu.memory_space<vmem>>, vector<16xi32>,
    tpu.vector_store %arg6[%swap3A_1029, %swap3A_1030, %swap3A_1031], %add3A_1026 {strides = array<i32>} : memref<2x2x128xi32, #tpu.memory_space<vmem>>, vector<16xi32>,
    %add3A_1033 = arith.constant 64 : i32
    %add3A_1034 = vector.broadcast %add3A_1033 : i32 to vector<16xi32>
    %add3A_1035 = arith.addi %add3A_1008, %add3A_1034 : vector<16xi32>
    %add3A_1036 = arith.constant 1 : i32
    %add3A_1037 = vector.broadcast %add3A_1036 : i32 to vector<16xi32>
    %add3A_1038 = arith.addi %add3A_1035, %add3A_1037 : vector<16xi32>
    %swap3A_1039 = arith.constant 1 : i32
    %swap3A_1040 = arith.constant 1 : i32
    %swap3A_1041 = arith.index_cast %swap3A_1039 : i32 to index
    %swap3A_1042 = arith.index_cast %swap3A_1040 : i32 to index
    %swap3A_1043 = arith.constant 112 : index
    %swap3A_1044 = tpu.vector_load %arg6[%swap3A_1041, %swap3A_1042, %swap3A_1043] {strides = array<i32>} : memref<2x2x128xi32, #tpu.memory_space<vmem>>, vector<16xi32>,
    tpu.vector_store %arg6[%swap3A_1041, %swap3A_1042, %swap3A_1043], %add3A_1038 {strides = array<i32>} : memref<2x2x128xi32, #tpu.memory_space<vmem>>, vector<16xi32>,
    %mul3A_1045 = arith.mulf %select_n3A_1004, %sub3A_982 : vector<16xf32>
    %sub3A_1046 = arith.subf %select_n3A_1004, %mul3A_1045 : vector<16xf32>
    %mul3A_1047 = arith.mulf %select_n3A_1004, %sub3A_982 : vector<16xf32>
    %mul3A_1048 = arith.mulf %sub3A_1046, %sub3A_984 : vector<16xf32>
    %sub3A_1049 = arith.subf %sub3A_1046, %mul3A_1048 : vector<16xf32>
    %swap3A_1050 = arith.constant 368 : index
    %swap3A_1051 = tpu.vector_load %arg8[%swap3A_1050] {strides = array<i32>} : memref<640xf32, #tpu.memory_space<vmem>>, vector<16xf32>,
    tpu.vector_store %arg8[%swap3A_1050], %sub3A_1049 {strides = array<i32>} : memref<640xf32, #tpu.memory_space<vmem>>, vector<16xf32>,
    %mul3A_1052 = arith.mulf %sub3A_1046, %sub3A_984 : vector<16xf32>
    %swap3A_1053 = arith.constant 448 : index
    %swap3A_1054 = tpu.vector_load %arg8[%swap3A_1053] {strides = array<i32>} : memref<640xf32, #tpu.memory_space<vmem>>, vector<16xf32>,
    tpu.vector_store %arg8[%swap3A_1053], %mul3A_1052 {strides = array<i32>} : memref<640xf32, #tpu.memory_space<vmem>>, vector<16xf32>,
    %mul3A_1055 = arith.mulf %mul3A_1047, %sub3A_984 : vector<16xf32>
    %sub3A_1056 = arith.subf %mul3A_1047, %mul3A_1055 : vector<16xf32>
    %swap3A_1057 = arith.constant 528 : index
    %swap3A_1058 = tpu.vector_load %arg8[%swap3A_1057] {strides = array<i32>} : memref<640xf32, #tpu.memory_space<vmem>>, vector<16xf32>,
    tpu.vector_store %arg8[%swap3A_1057], %sub3A_1056 {strides = array<i32>} : memref<640xf32, #tpu.memory_space<vmem>>, vector<16xf32>,
    %mul3A_1059 = arith.mulf %mul3A_1047, %sub3A_984 : vector<16xf32>
    %swap3A_1060 = arith.constant 608 : index
    %swap3A_1061 = tpu.vector_load %arg8[%swap3A_1060] {strides = array<i32>} : memref<640xf32, #tpu.memory_space<vmem>>, vector<16xf32>,
    tpu.vector_store %arg8[%swap3A_1060], %mul3A_1059 {strides = array<i32>} : memref<640xf32, #tpu.memory_space<vmem>>, vector<16xf32>,
    %dma_start3A_1062 = arith.constant 1 : i32
    %dma_start3A_1063 = arith.constant 0 : i32
    %dma_start3A_1064 = arith.constant 1 : i32
    %dma_start3A_1065 = arith.constant 1 : i32
    %dma_start3A_1066 = arith.constant 0 : i32
    %dma_start3A_1067 = arith.constant 0 : i32
    %dma_start3A_1068 = tpu.memref_slice %arg7[%dma_start3A_1064, %dma_start3A_1066, %dma_start3A_1067] : memref<2x256x128xf32, #tpu.memory_space<vmem>> -> memref<1x128x128xf32, #tpu.memory_space<vmem>>
    %dma_start3A_1069 = tpu.memref_squeeze %dma_start3A_1068 : memref<1x128x128xf32, #tpu.memory_space<vmem>> -> memref<128x128xf32, #tpu.memory_space<vmem>>
    %dma_start3A_1070 = arith.constant 0 : i32
    %dma_start3A_1071 = tpu.memref_slice %arg6[%dma_start3A_1062, %dma_start3A_1063, %dma_start3A_1070] : memref<2x2x128xi32, #tpu.memory_space<vmem>> -> memref<1x1x128xi32, #tpu.memory_space<vmem>>
    %dma_start3A_1072 = tpu.memref_squeeze %dma_start3A_1071 : memref<1x1x128xi32, #tpu.memory_space<vmem>> -> memref<128xi32, #tpu.memory_space<vmem>>
    %dma_start3A_1073 = arith.constant 0 : i32
    %dma_start3A_1074 = arith.constant 0 : i32
    %dma_start3A_1075 = tpu.memref_slice %arg2[%dma_start3A_1073, %dma_start3A_1074] : memref<4096x128xf32, #tpu.memory_space<hbm>> -> memref<4096x128xf32, #tpu.memory_space<hbm>>
    %dma_start3A_1076 = tpu.memref_slice %arg12[%dma_start3A_1065] : memref<2x!tpu.dma_semaphore, #tpu.memory_space<semaphore_mem>> -> memref<1x!tpu.dma_semaphore, #tpu.memory_space<semaphore_mem>>
    %dma_start3A_1077 = tpu.memref_squeeze %dma_start3A_1076 : memref<1x!tpu.dma_semaphore, #tpu.memory_space<semaphore_mem>> -> memref<!tpu.dma_semaphore, #tpu.memory_space<semaphore_mem>>
    tpu.enqueue_indirect_dma source(%dma_start3A_1075 : memref<4096x128xf32, #tpu.memory_space<hbm>>) target(%dma_start3A_1069 : memref<128x128xf32, #tpu.memory_space<vmem>>) offsets(%dma_start3A_1072 : memref<128xi32, #tpu.memory_space<vmem>>) semaphore(%dma_start3A_1077 : memref<!tpu.dma_semaphore, #tpu.memory_space<semaphore_mem>>)
    %dma_start3A_1078 = arith.constant 1 : i32
    %dma_start3A_1079 = arith.constant 1 : i32
    %dma_start3A_1080 = arith.constant 1 : i32
    %dma_start3A_1081 = arith.constant 1 : i32
    %dma_start3A_1082 = arith.constant 128 : i32
    %dma_start3A_1083 = arith.constant 0 : i32
    %dma_start3A_1084 = tpu.memref_slice %arg7[%dma_start3A_1080, %dma_start3A_1082, %dma_start3A_1083] : memref<2x256x128xf32, #tpu.memory_space<vmem>> -> memref<1x128x128xf32, #tpu.memory_space<vmem>>
    %dma_start3A_1085 = tpu.memref_squeeze %dma_start3A_1084 : memref<1x128x128xf32, #tpu.memory_space<vmem>> -> memref<128x128xf32, #tpu.memory_space<vmem>>
    %dma_start3A_1086 = arith.constant 0 : i32
    %dma_start3A_1087 = tpu.memref_slice %arg6[%dma_start3A_1078, %dma_start3A_1079, %dma_start3A_1086] : memref<2x2x128xi32, #tpu.memory_space<vmem>> -> memref<1x1x128xi32, #tpu.memory_space<vmem>>
    %dma_start3A_1088 = tpu.memref_squeeze %dma_start3A_1087 : memref<1x1x128xi32, #tpu.memory_space<vmem>> -> memref<128xi32, #tpu.memory_space<vmem>>
    %dma_start3A_1089 = arith.constant 0 : i32
    %dma_start3A_1090 = arith.constant 0 : i32
    %dma_start3A_1091 = tpu.memref_slice %arg2[%dma_start3A_1089, %dma_start3A_1090] : memref<4096x128xf32, #tpu.memory_space<hbm>> -> memref<4096x128xf32, #tpu.memory_space<hbm>>
    %dma_start3A_1092 = tpu.memref_slice %arg12[%dma_start3A_1081] : memref<2x!tpu.dma_semaphore, #tpu.memory_space<semaphore_mem>> -> memref<1x!tpu.dma_semaphore, #tpu.memory_space<semaphore_mem>>
    %dma_start3A_1093 = tpu.memref_squeeze %dma_start3A_1092 : memref<1x!tpu.dma_semaphore, #tpu.memory_space<semaphore_mem>> -> memref<!tpu.dma_semaphore, #tpu.memory_space<semaphore_mem>>
    tpu.enqueue_indirect_dma source(%dma_start3A_1091 : memref<4096x128xf32, #tpu.memory_space<hbm>>) target(%dma_start3A_1085 : memref<128x128xf32, #tpu.memory_space<vmem>>) offsets(%dma_start3A_1088 : memref<128xi32, #tpu.memory_space<vmem>>) semaphore(%dma_start3A_1093 : memref<!tpu.dma_semaphore, #tpu.memory_space<semaphore_mem>>)
    %scan3A = arith.constant 0 : i32
    %scan3A_1094 = arith.constant 0 : i32
    %scan3A_1095 = arith.constant 79 : i32
    %scan3A_1096 = arith.addi %scan3A_1094, %scan3A_1095 : i32
    %scan3A_1097 = arith.constant 1 : i32
    scf.for %scan3A_1103 = %scan3A_1094 to %scan3A_1096 step %scan3A_1097  : i32 {
      %mul3A_1104 = arith.constant 2 : i32
      %mul3A_1105 = arith.muli %scan3A_1103, %mul3A_1104 : i32
      %add3A_1106 = arith.constant 0 : i32
      %add3A_1107 = arith.addi %mul3A_1105, %add3A_1106 : i32
      %add3A_1108 = arith.addi %mul3A_2, %add3A_1107 : i32
      %lt3A_1109 = arith.constant 157 : i32
      %lt3A_1110 = arith.cmpi slt, %add3A_1107, %lt3A_1109 : i32
      %convert_element_type3A_1111 = arith.extui %lt3A_1110 : i1 to i32
      %cond3A = arith.constant 0 : i32
      %cond3A_1112 = arith.cmpi ne, %convert_element_type3A_1111, %cond3A : i32
      scf.if %cond3A_1112 {
        %dma_wait3A = arith.constant 0 : i32
        %dma_wait3A_1123 = arith.constant 0 : i32
        %dma_wait3A_1124 = arith.constant 0 : i32
        %dma_wait3A_1125 = arith.constant 0 : i32
        %dma_wait3A_1126 = arith.constant 0 : i32
        %dma_wait3A_1127 = arith.constant 0 : i32
        %dma_wait3A_1128 = tpu.memref_slice %arg7[%dma_wait3A_1124, %dma_wait3A_1126, %dma_wait3A_1127] : memref<2x256x128xf32, #tpu.memory_space<vmem>> -> memref<1x128x128xf32, #tpu.memory_space<vmem>>
        %dma_wait3A_1129 = tpu.memref_squeeze %dma_wait3A_1128 : memref<1x128x128xf32, #tpu.memory_space<vmem>> -> memref<128x128xf32, #tpu.memory_space<vmem>>
        %dma_wait3A_1130 = arith.constant 0 : i32
        %dma_wait3A_1131 = tpu.memref_slice %arg6[%dma_wait3A, %dma_wait3A_1123, %dma_wait3A_1130] : memref<2x2x128xi32, #tpu.memory_space<vmem>> -> memref<1x1x128xi32, #tpu.memory_space<vmem>>
        %dma_wait3A_1132 = tpu.memref_squeeze %dma_wait3A_1131 : memref<1x1x128xi32, #tpu.memory_space<vmem>> -> memref<128xi32, #tpu.memory_space<vmem>>
        %dma_wait3A_1133 = arith.constant 0 : i32
        %dma_wait3A_1134 = arith.constant 0 : i32
        %dma_wait3A_1135 = tpu.memref_slice %arg2[%dma_wait3A_1133, %dma_wait3A_1134] : memref<4096x128xf32, #tpu.memory_space<hbm>> -> memref<4096x128xf32, #tpu.memory_space<hbm>>
        %dma_wait3A_1136 = tpu.memref_slice %arg12[%dma_wait3A_1125] : memref<2x!tpu.dma_semaphore, #tpu.memory_space<semaphore_mem>> -> memref<1x!tpu.dma_semaphore, #tpu.memory_space<semaphore_mem>>
        %dma_wait3A_1137 = tpu.memref_squeeze %dma_wait3A_1136 : memref<1x!tpu.dma_semaphore, #tpu.memory_space<semaphore_mem>> -> memref<!tpu.dma_semaphore, #tpu.memory_space<semaphore_mem>>
        tpu.wait_indirect_dma semaphore(%dma_wait3A_1137 : memref<!tpu.dma_semaphore, #tpu.memory_space<semaphore_mem>>) src(%dma_wait3A_1135 : memref<4096x128xf32, #tpu.memory_space<hbm>>) dst(%dma_wait3A_1129 : memref<128x128xf32, #tpu.memory_space<vmem>>)
        %dma_wait3A_1138 = arith.constant 0 : i32
        %dma_wait3A_1139 = arith.constant 1 : i32
        %dma_wait3A_1140 = arith.constant 0 : i32
        %dma_wait3A_1141 = arith.constant 0 : i32
        %dma_wait3A_1142 = arith.constant 128 : i32
        %dma_wait3A_1143 = arith.constant 0 : i32
        %dma_wait3A_1144 = tpu.memref_slice %arg7[%dma_wait3A_1140, %dma_wait3A_1142, %dma_wait3A_1143] : memref<2x256x128xf32, #tpu.memory_space<vmem>> -> memref<1x128x128xf32, #tpu.memory_space<vmem>>
        %dma_wait3A_1145 = tpu.memref_squeeze %dma_wait3A_1144 : memref<1x128x128xf32, #tpu.memory_space<vmem>> -> memref<128x128xf32, #tpu.memory_space<vmem>>
        %dma_wait3A_1146 = arith.constant 0 : i32
        %dma_wait3A_1147 = tpu.memref_slice %arg6[%dma_wait3A_1138, %dma_wait3A_1139, %dma_wait3A_1146] : memref<2x2x128xi32, #tpu.memory_space<vmem>> -> memref<1x1x128xi32, #tpu.memory_space<vmem>>
        %dma_wait3A_1148 = tpu.memref_squeeze %dma_wait3A_1147 : memref<1x1x128xi32, #tpu.memory_space<vmem>> -> memref<128xi32, #tpu.memory_space<vmem>>
        %dma_wait3A_1149 = arith.constant 0 : i32
        %dma_wait3A_1150 = arith.constant 0 : i32
        %dma_wait3A_1151 = tpu.memref_slice %arg2[%dma_wait3A_1149, %dma_wait3A_1150] : memref<4096x128xf32, #tpu.memory_space<hbm>> -> memref<4096x128xf32, #tpu.memory_space<hbm>>
        %dma_wait3A_1152 = tpu.memref_slice %arg12[%dma_wait3A_1141] : memref<2x!tpu.dma_semaphore, #tpu.memory_space<semaphore_mem>> -> memref<1x!tpu.dma_semaphore, #tpu.memory_space<semaphore_mem>>
        %dma_wait3A_1153 = tpu.memref_squeeze %dma_wait3A_1152 : memref<1x!tpu.dma_semaphore, #tpu.memory_space<semaphore_mem>> -> memref<!tpu.dma_semaphore, #tpu.memory_space<semaphore_mem>>
        tpu.wait_indirect_dma semaphore(%dma_wait3A_1153 : memref<!tpu.dma_semaphore, #tpu.memory_space<semaphore_mem>>) src(%dma_wait3A_1151 : memref<4096x128xf32, #tpu.memory_space<hbm>>) dst(%dma_wait3A_1145 : memref<128x128xf32, #tpu.memory_space<vmem>>)
        %lt3A_1154 = arith.constant 155 : i32
        %lt3A_1155 = arith.cmpi slt, %add3A_1107, %lt3A_1154 : i32
        %convert_element_type3A_1156 = arith.extui %lt3A_1155 : i1 to i32
        %cond3A_1157 = arith.constant 0 : i32
        %cond3A_1158 = arith.cmpi ne, %convert_element_type3A_1156, %cond3A_1157 : i32
        scf.if %cond3A_1158 {
          %add3A_1159 = arith.constant 2 : i32
          %add3A_1160 = arith.addi %add3A_1107, %add3A_1159 : i32
          %add3A_1161 = arith.constant 0 : i32
          %add3A_1162 = arith.addi %add3A_1161, %sub3A_21 : i32
          %add3A_1163 = arith.addi %add3A_1162, %add3A_1160 : i32
          %get3A_1164 = arith.index_cast %add3A_1163 : i32 to index
          %get3A_1165 = tpu.vector_load %arg5[%get3A_1164] {strides = array<i32>} : memref<736xf32, #tpu.memory_space<vmem>>, vector<16xf32>,
          %slice3A_1166 = vector.extract_strided_slice %get3A_1165 {offsets = [0], sizes = [1], strides = [1]} : vector<16xf32> to vector<1xf32>
          %squeeze3A_1167 = vector.extract %slice3A_1166[0] : f32 from vector<1xf32>
          %mul3A_1168 = arith.constant 6.250000e-02 : f32
          %mul3A_1169 = arith.mulf %squeeze3A_1167, %mul3A_1168 : f32
          %add3A_1170 = arith.constant 184 : i32
          %add3A_1171 = arith.addi %add3A_1170, %sub3A_21 : i32
          %add3A_1172 = arith.addi %add3A_1171, %add3A_1160 : i32
          %get3A_1173 = arith.index_cast %add3A_1172 : i32 to index
          %get3A_1174 = tpu.vector_load %arg5[%get3A_1173] {strides = array<i32>} : memref<736xf32, #tpu.memory_space<vmem>>, vector<16xf32>,
          %slice3A_1175 = vector.extract_strided_slice %get3A_1174 {offsets = [0], sizes = [1], strides = [1]} : vector<16xf32> to vector<1xf32>
          %squeeze3A_1176 = vector.extract %slice3A_1175[0] : f32 from vector<1xf32>
          %mul3A_1177 = arith.constant 6.250000e-02 : f32
          %mul3A_1178 = arith.mulf %squeeze3A_1176, %mul3A_1177 : f32
          %add3A_1179 = arith.constant 368 : i32
          %add3A_1180 = arith.addi %add3A_1179, %sub3A_21 : i32
          %add3A_1181 = arith.addi %add3A_1180, %add3A_1160 : i32
          %get3A_1182 = arith.index_cast %add3A_1181 : i32 to index
          %get3A_1183 = tpu.vector_load %arg5[%get3A_1182] {strides = array<i32>} : memref<736xf32, #tpu.memory_space<vmem>>, vector<16xf32>,
          %slice3A_1184 = vector.extract_strided_slice %get3A_1183 {offsets = [0], sizes = [1], strides = [1]} : vector<16xf32> to vector<1xf32>
          %squeeze3A_1185 = vector.extract %slice3A_1184[0] : f32 from vector<1xf32>
          %mul3A_1186 = arith.constant 6.250000e-02 : f32
          %mul3A_1187 = arith.mulf %squeeze3A_1185, %mul3A_1186 : f32
          %add3A_1188 = arith.constant 552 : i32
          %add3A_1189 = arith.addi %add3A_1188, %sub3A_21 : i32
          %add3A_1190 = arith.addi %add3A_1189, %add3A_1160 : i32
          %get3A_1191 = arith.index_cast %add3A_1190 : i32 to index
          %get3A_1192 = tpu.vector_load %arg5[%get3A_1191] {strides = array<i32>} : memref<736xf32, #tpu.memory_space<vmem>>, vector<16xf32>,
          %slice3A_1193 = vector.extract_strided_slice %get3A_1192 {offsets = [0], sizes = [1], strides = [1]} : vector<16xf32> to vector<1xf32>
          %squeeze3A_1194 = vector.extract %slice3A_1193[0] : f32 from vector<1xf32>
          %mul3A_1195 = arith.constant 6.250000e-02 : f32
          %mul3A_1196 = arith.mulf %squeeze3A_1194, %mul3A_1195 : f32
          %sub3A_1197 = arith.subf %mul3A_1187, %mul3A_1169 : f32
          %max3A_1198 = arith.constant 0.000000e+00 : f32
          %max3A_1199 = arith.maximumf %sub3A_1197, %max3A_1198 : f32
          %mul3A_1200 = arith.constant 0.142857149 : f32
          %mul3A_1201 = arith.mulf %max3A_1199, %mul3A_1200 : f32
          %sub3A_1202 = arith.subf %mul3A_1196, %mul3A_1178 : f32
          %max3A_1203 = arith.constant 0.000000e+00 : f32
          %max3A_1204 = arith.maximumf %sub3A_1202, %max3A_1203 : f32
          %mul3A_1205 = arith.constant 0.142857149 : f32
          %mul3A_1206 = arith.mulf %max3A_1204, %mul3A_1205 : f32
          %add3A_1207 = arith.constant 0 : i32
          %add3A_1208 = vector.broadcast %add3A_1207 : i32 to vector<16xi32>
          %add3A_1209 = arith.addi %iota3A, %add3A_1208 : vector<16xi32>
          %shift_right_arithmetic3A_1210 = arith.constant 3 : i32
          %shift_right_arithmetic3A_1211 = vector.broadcast %shift_right_arithmetic3A_1210 : i32 to vector<16xi32>
          %shift_right_arithmetic3A_1212 = arith.shrsi %add3A_1209, %shift_right_arithmetic3A_1211 : vector<16xi32>
          %convert_element_type3A_1213 = arith.sitofp %shift_right_arithmetic3A_1212 : vector<16xi32> to vector<16xf32>
          %and3A_1214 = arith.constant 7 : i32
          %and3A_1215 = vector.broadcast %and3A_1214 : i32 to vector<16xi32>
          %and3A_1216 = arith.andi %add3A_1209, %and3A_1215 : vector<16xi32>
          %convert_element_type3A_1217 = arith.sitofp %and3A_1216 : vector<16xi32> to vector<16xf32>
          %mul3A_1218 = vector.broadcast %mul3A_1206 : f32 to vector<16xf32>
          %mul3A_1219 = arith.mulf %convert_element_type3A_1213, %mul3A_1218 : vector<16xf32>
          %add3A_1220 = vector.broadcast %mul3A_1178 : f32 to vector<16xf32>
          %add3A_1221 = arith.addf %add3A_1220, %mul3A_1219 : vector<16xf32>
          %mul3A_1222 = vector.broadcast %mul3A_1201 : f32 to vector<16xf32>
          %mul3A_1223 = arith.mulf %convert_element_type3A_1217, %mul3A_1222 : vector<16xf32>
          %add3A_1224 = vector.broadcast %mul3A_1169 : f32 to vector<16xf32>
          %add3A_1225 = arith.addf %add3A_1224, %mul3A_1223 : vector<16xf32>
          %convert_element_type3A_1226 = arith.fptosi %add3A_1221 : vector<16xf32> to vector<16xi32>
          %jit3A_1227 = arith.constant 0 : i32
          %jit3A_1228 = arith.constant 62 : i32
          %max3A_1229 = vector.broadcast %jit3A_1227 : i32 to vector<16xi32>
          %max3A_1230 = arith.maxsi %max3A_1229, %convert_element_type3A_1226 : vector<16xi32>
          %min3A_1231 = vector.broadcast %jit3A_1228 : i32 to vector<16xi32>
          %min3A_1232 = arith.minsi %min3A_1231, %max3A_1230 : vector<16xi32>
          %convert_element_type3A_1233 = arith.fptosi %add3A_1225 : vector<16xf32> to vector<16xi32>
          %jit3A_1234 = arith.constant 0 : i32
          %jit3A_1235 = arith.constant 62 : i32
          %max3A_1236 = vector.broadcast %jit3A_1234 : i32 to vector<16xi32>
          %max3A_1237 = arith.maxsi %max3A_1236, %convert_element_type3A_1233 : vector<16xi32>
          %min3A_1238 = vector.broadcast %jit3A_1235 : i32 to vector<16xi32>
          %min3A_1239 = arith.minsi %min3A_1238, %max3A_1237 : vector<16xi32>
          %convert_element_type3A_1240 = arith.sitofp %min3A_1232 : vector<16xi32> to vector<16xf32>
          %sub3A_1241 = arith.subf %add3A_1221, %convert_element_type3A_1240 : vector<16xf32>
          %convert_element_type3A_1242 = arith.sitofp %min3A_1239 : vector<16xi32> to vector<16xf32>
          %sub3A_1243 = arith.subf %add3A_1225, %convert_element_type3A_1242 : vector<16xf32>
          %ge3A_1244 = arith.constant 0.000000e+00 : f32
          %ge3A_1245 = vector.broadcast %ge3A_1244 : f32 to vector<16xf32>
          %ge3A_1246 = arith.cmpf oge, %add3A_1221, %ge3A_1245 : vector<16xf32>
          %lt3A_1247 = arith.constant 6.400000e+01 : f32
          %lt3A_1248 = vector.broadcast %lt3A_1247 : f32 to vector<16xf32>
          %lt3A_1249 = arith.cmpf olt, %add3A_1221, %lt3A_1248 : vector<16xf32>
          %and3A_1250 = arith.andi %ge3A_1246, %lt3A_1249 : vector<16xi1>
          %ge3A_1251 = arith.constant 0.000000e+00 : f32
          %ge3A_1252 = vector.broadcast %ge3A_1251 : f32 to vector<16xf32>
          %ge3A_1253 = arith.cmpf oge, %add3A_1225, %ge3A_1252 : vector<16xf32>
          %and3A_1254 = arith.andi %and3A_1250, %ge3A_1253 : vector<16xi1>
          %lt3A_1255 = arith.constant 6.400000e+01 : f32
          %lt3A_1256 = vector.broadcast %lt3A_1255 : f32 to vector<16xf32>
          %lt3A_1257 = arith.cmpf olt, %add3A_1225, %lt3A_1256 : vector<16xf32>
          %and3A_1258 = arith.andi %and3A_1254, %lt3A_1257 : vector<16xi1>
          %jit3A_1259 = arith.constant 2.500000e-01 : f32
          %jit3A_1260 = arith.constant 0.000000e+00 : f32
          %broadcast_in_dim3A_1261 = vector.broadcast %jit3A_1259 : f32 to vector<16xf32>
          %broadcast_in_dim3A_1262 = vector.broadcast %jit3A_1260 : f32 to vector<16xf32>
          %select_n3A_1263 = arith.select %and3A_1258, %broadcast_in_dim3A_1261, %broadcast_in_dim3A_1262 : vector<16xi1>, vector<16xf32>
          %mul3A_1264 = arith.constant 64 : i32
          %mul3A_1265 = vector.broadcast %mul3A_1264 : i32 to vector<16xi32>
          %mul3A_1266 = arith.muli %min3A_1232, %mul3A_1265 : vector<16xi32>
          %add3A_1267 = arith.addi %mul3A_1266, %min3A_1239 : vector<16xi32>
          %swap3A_1268 = arith.constant 0 : i32
          %swap3A_1269 = arith.constant 0 : i32
          %swap3A_1270 = arith.index_cast %swap3A_1268 : i32 to index
          %swap3A_1271 = arith.index_cast %swap3A_1269 : i32 to index
          %swap3A_1272 = arith.constant 0 : index
          %swap3A_1273 = tpu.vector_load %arg6[%swap3A_1270, %swap3A_1271, %swap3A_1272] {strides = array<i32>} : memref<2x2x128xi32, #tpu.memory_space<vmem>>, vector<16xi32>,
          tpu.vector_store %arg6[%swap3A_1270, %swap3A_1271, %swap3A_1272], %add3A_1267 {strides = array<i32>} : memref<2x2x128xi32, #tpu.memory_space<vmem>>, vector<16xi32>,
          %add3A_1274 = arith.constant 1 : i32
          %add3A_1275 = vector.broadcast %add3A_1274 : i32 to vector<16xi32>
          %add3A_1276 = arith.addi %add3A_1267, %add3A_1275 : vector<16xi32>
          %swap3A_1277 = arith.constant 0 : i32
          %swap3A_1278 = arith.constant 0 : i32
          %swap3A_1279 = arith.index_cast %swap3A_1277 : i32 to index
          %swap3A_1280 = arith.index_cast %swap3A_1278 : i32 to index
          %swap3A_1281 = arith.constant 64 : index
          %swap3A_1282 = tpu.vector_load %arg6[%swap3A_1279, %swap3A_1280, %swap3A_1281] {strides = array<i32>} : memref<2x2x128xi32, #tpu.memory_space<vmem>>, vector<16xi32>,
          tpu.vector_store %arg6[%swap3A_1279, %swap3A_1280, %swap3A_1281], %add3A_1276 {strides = array<i32>} : memref<2x2x128xi32, #tpu.memory_space<vmem>>, vector<16xi32>,
          %add3A_1283 = arith.constant 64 : i32
          %add3A_1284 = vector.broadcast %add3A_1283 : i32 to vector<16xi32>
          %add3A_1285 = arith.addi %add3A_1267, %add3A_1284 : vector<16xi32>
          %swap3A_1286 = arith.constant 0 : i32
          %swap3A_1287 = arith.constant 1 : i32
          %swap3A_1288 = arith.index_cast %swap3A_1286 : i32 to index
          %swap3A_1289 = arith.index_cast %swap3A_1287 : i32 to index
          %swap3A_1290 = arith.constant 0 : index
          %swap3A_1291 = tpu.vector_load %arg6[%swap3A_1288, %swap3A_1289, %swap3A_1290] {strides = array<i32>} : memref<2x2x128xi32, #tpu.memory_space<vmem>>, vector<16xi32>,
          tpu.vector_store %arg6[%swap3A_1288, %swap3A_1289, %swap3A_1290], %add3A_1285 {strides = array<i32>} : memref<2x2x128xi32, #tpu.memory_space<vmem>>, vector<16xi32>,
          %add3A_1292 = arith.constant 64 : i32
          %add3A_1293 = vector.broadcast %add3A_1292 : i32 to vector<16xi32>
          %add3A_1294 = arith.addi %add3A_1267, %add3A_1293 : vector<16xi32>
          %add3A_1295 = arith.constant 1 : i32
          %add3A_1296 = vector.broadcast %add3A_1295 : i32 to vector<16xi32>
          %add3A_1297 = arith.addi %add3A_1294, %add3A_1296 : vector<16xi32>
          %swap3A_1298 = arith.constant 0 : i32
          %swap3A_1299 = arith.constant 1 : i32
          %swap3A_1300 = arith.index_cast %swap3A_1298 : i32 to index
          %swap3A_1301 = arith.index_cast %swap3A_1299 : i32 to index
          %swap3A_1302 = arith.constant 64 : index
          %swap3A_1303 = tpu.vector_load %arg6[%swap3A_1300, %swap3A_1301, %swap3A_1302] {strides = array<i32>} : memref<2x2x128xi32, #tpu.memory_space<vmem>>, vector<16xi32>,
          tpu.vector_store %arg6[%swap3A_1300, %swap3A_1301, %swap3A_1302], %add3A_1297 {strides = array<i32>} : memref<2x2x128xi32, #tpu.memory_space<vmem>>, vector<16xi32>,
          %mul3A_1304 = arith.mulf %select_n3A_1263, %sub3A_1241 : vector<16xf32>
          %sub3A_1305 = arith.subf %select_n3A_1263, %mul3A_1304 : vector<16xf32>
          %mul3A_1306 = arith.mulf %select_n3A_1263, %sub3A_1241 : vector<16xf32>
          %mul3A_1307 = arith.mulf %sub3A_1305, %sub3A_1243 : vector<16xf32>
          %sub3A_1308 = arith.subf %sub3A_1305, %mul3A_1307 : vector<16xf32>
          %swap3A_1309 = arith.constant 0 : index
          %swap3A_1310 = tpu.vector_load %arg8[%swap3A_1309] {strides = array<i32>} : memref<640xf32, #tpu.memory_space<vmem>>, vector<16xf32>,
          tpu.vector_store %arg8[%swap3A_1309], %sub3A_1308 {strides = array<i32>} : memref<640xf32, #tpu.memory_space<vmem>>, vector<16xf32>,
          %mul3A_1311 = arith.mulf %sub3A_1305, %sub3A_1243 : vector<16xf32>
          %swap3A_1312 = arith.constant 80 : index
          %swap3A_1313 = tpu.vector_load %arg8[%swap3A_1312] {strides = array<i32>} : memref<640xf32, #tpu.memory_space<vmem>>, vector<16xf32>,
          tpu.vector_store %arg8[%swap3A_1312], %mul3A_1311 {strides = array<i32>} : memref<640xf32, #tpu.memory_space<vmem>>, vector<16xf32>,
          %mul3A_1314 = arith.mulf %mul3A_1306, %sub3A_1243 : vector<16xf32>
          %sub3A_1315 = arith.subf %mul3A_1306, %mul3A_1314 : vector<16xf32>
          %swap3A_1316 = arith.constant 160 : index
          %swap3A_1317 = tpu.vector_load %arg8[%swap3A_1316] {strides = array<i32>} : memref<640xf32, #tpu.memory_space<vmem>>, vector<16xf32>,
          tpu.vector_store %arg8[%swap3A_1316], %sub3A_1315 {strides = array<i32>} : memref<640xf32, #tpu.memory_space<vmem>>, vector<16xf32>,
          %mul3A_1318 = arith.mulf %mul3A_1306, %sub3A_1243 : vector<16xf32>
          %swap3A_1319 = arith.constant 240 : index
          %swap3A_1320 = tpu.vector_load %arg8[%swap3A_1319] {strides = array<i32>} : memref<640xf32, #tpu.memory_space<vmem>>, vector<16xf32>,
          tpu.vector_store %arg8[%swap3A_1319], %mul3A_1318 {strides = array<i32>} : memref<640xf32, #tpu.memory_space<vmem>>, vector<16xf32>,
          %add3A_1321 = arith.constant 16 : i32
          %add3A_1322 = vector.broadcast %add3A_1321 : i32 to vector<16xi32>
          %add3A_1323 = arith.addi %iota3A, %add3A_1322 : vector<16xi32>
          %shift_right_arithmetic3A_1324 = arith.constant 3 : i32
          %shift_right_arithmetic3A_1325 = vector.broadcast %shift_right_arithmetic3A_1324 : i32 to vector<16xi32>
          %shift_right_arithmetic3A_1326 = arith.shrsi %add3A_1323, %shift_right_arithmetic3A_1325 : vector<16xi32>
          %convert_element_type3A_1327 = arith.sitofp %shift_right_arithmetic3A_1326 : vector<16xi32> to vector<16xf32>
          %and3A_1328 = arith.constant 7 : i32
          %and3A_1329 = vector.broadcast %and3A_1328 : i32 to vector<16xi32>
          %and3A_1330 = arith.andi %add3A_1323, %and3A_1329 : vector<16xi32>
          %convert_element_type3A_1331 = arith.sitofp %and3A_1330 : vector<16xi32> to vector<16xf32>
          %mul3A_1332 = vector.broadcast %mul3A_1206 : f32 to vector<16xf32>
          %mul3A_1333 = arith.mulf %convert_element_type3A_1327, %mul3A_1332 : vector<16xf32>
          %add3A_1334 = vector.broadcast %mul3A_1178 : f32 to vector<16xf32>
          %add3A_1335 = arith.addf %add3A_1334, %mul3A_1333 : vector<16xf32>
          %mul3A_1336 = vector.broadcast %mul3A_1201 : f32 to vector<16xf32>
          %mul3A_1337 = arith.mulf %convert_element_type3A_1331, %mul3A_1336 : vector<16xf32>
          %add3A_1338 = vector.broadcast %mul3A_1169 : f32 to vector<16xf32>
          %add3A_1339 = arith.addf %add3A_1338, %mul3A_1337 : vector<16xf32>
          %convert_element_type3A_1340 = arith.fptosi %add3A_1335 : vector<16xf32> to vector<16xi32>
          %jit3A_1341 = arith.constant 0 : i32
          %jit3A_1342 = arith.constant 62 : i32
          %max3A_1343 = vector.broadcast %jit3A_1341 : i32 to vector<16xi32>
          %max3A_1344 = arith.maxsi %max3A_1343, %convert_element_type3A_1340 : vector<16xi32>
          %min3A_1345 = vector.broadcast %jit3A_1342 : i32 to vector<16xi32>
          %min3A_1346 = arith.minsi %min3A_1345, %max3A_1344 : vector<16xi32>
          %convert_element_type3A_1347 = arith.fptosi %add3A_1339 : vector<16xf32> to vector<16xi32>
          %jit3A_1348 = arith.constant 0 : i32
          %jit3A_1349 = arith.constant 62 : i32
          %max3A_1350 = vector.broadcast %jit3A_1348 : i32 to vector<16xi32>
          %max3A_1351 = arith.maxsi %max3A_1350, %convert_element_type3A_1347 : vector<16xi32>
          %min3A_1352 = vector.broadcast %jit3A_1349 : i32 to vector<16xi32>
          %min3A_1353 = arith.minsi %min3A_1352, %max3A_1351 : vector<16xi32>
          %convert_element_type3A_1354 = arith.sitofp %min3A_1346 : vector<16xi32> to vector<16xf32>
          %sub3A_1355 = arith.subf %add3A_1335, %convert_element_type3A_1354 : vector<16xf32>
          %convert_element_type3A_1356 = arith.sitofp %min3A_1353 : vector<16xi32> to vector<16xf32>
          %sub3A_1357 = arith.subf %add3A_1339, %convert_element_type3A_1356 : vector<16xf32>
          %ge3A_1358 = arith.constant 0.000000e+00 : f32
          %ge3A_1359 = vector.broadcast %ge3A_1358 : f32 to vector<16xf32>
          %ge3A_1360 = arith.cmpf oge, %add3A_1335, %ge3A_1359 : vector<16xf32>
          %lt3A_1361 = arith.constant 6.400000e+01 : f32
          %lt3A_1362 = vector.broadcast %lt3A_1361 : f32 to vector<16xf32>
          %lt3A_1363 = arith.cmpf olt, %add3A_1335, %lt3A_1362 : vector<16xf32>
          %and3A_1364 = arith.andi %ge3A_1360, %lt3A_1363 : vector<16xi1>
          %ge3A_1365 = arith.constant 0.000000e+00 : f32
          %ge3A_1366 = vector.broadcast %ge3A_1365 : f32 to vector<16xf32>
          %ge3A_1367 = arith.cmpf oge, %add3A_1339, %ge3A_1366 : vector<16xf32>
          %and3A_1368 = arith.andi %and3A_1364, %ge3A_1367 : vector<16xi1>
          %lt3A_1369 = arith.constant 6.400000e+01 : f32
          %lt3A_1370 = vector.broadcast %lt3A_1369 : f32 to vector<16xf32>
          %lt3A_1371 = arith.cmpf olt, %add3A_1339, %lt3A_1370 : vector<16xf32>
          %and3A_1372 = arith.andi %and3A_1368, %lt3A_1371 : vector<16xi1>
          %jit3A_1373 = arith.constant 2.500000e-01 : f32
          %jit3A_1374 = arith.constant 0.000000e+00 : f32
          %broadcast_in_dim3A_1375 = vector.broadcast %jit3A_1373 : f32 to vector<16xf32>
          %broadcast_in_dim3A_1376 = vector.broadcast %jit3A_1374 : f32 to vector<16xf32>
          %select_n3A_1377 = arith.select %and3A_1372, %broadcast_in_dim3A_1375, %broadcast_in_dim3A_1376 : vector<16xi1>, vector<16xf32>
          %mul3A_1378 = arith.constant 64 : i32
          %mul3A_1379 = vector.broadcast %mul3A_1378 : i32 to vector<16xi32>
          %mul3A_1380 = arith.muli %min3A_1346, %mul3A_1379 : vector<16xi32>
          %add3A_1381 = arith.addi %mul3A_1380, %min3A_1353 : vector<16xi32>
          %swap3A_1382 = arith.constant 0 : i32
          %swap3A_1383 = arith.constant 0 : i32
          %swap3A_1384 = arith.index_cast %swap3A_1382 : i32 to index
          %swap3A_1385 = arith.index_cast %swap3A_1383 : i32 to index
          %swap3A_1386 = arith.constant 16 : index
          %swap3A_1387 = tpu.vector_load %arg6[%swap3A_1384, %swap3A_1385, %swap3A_1386] {strides = array<i32>} : memref<2x2x128xi32, #tpu.memory_space<vmem>>, vector<16xi32>,
          tpu.vector_store %arg6[%swap3A_1384, %swap3A_1385, %swap3A_1386], %add3A_1381 {strides = array<i32>} : memref<2x2x128xi32, #tpu.memory_space<vmem>>, vector<16xi32>,
          %add3A_1388 = arith.constant 1 : i32
          %add3A_1389 = vector.broadcast %add3A_1388 : i32 to vector<16xi32>
          %add3A_1390 = arith.addi %add3A_1381, %add3A_1389 : vector<16xi32>
          %swap3A_1391 = arith.constant 0 : i32
          %swap3A_1392 = arith.constant 0 : i32
          %swap3A_1393 = arith.index_cast %swap3A_1391 : i32 to index
          %swap3A_1394 = arith.index_cast %swap3A_1392 : i32 to index
          %swap3A_1395 = arith.constant 80 : index
          %swap3A_1396 = tpu.vector_load %arg6[%swap3A_1393, %swap3A_1394, %swap3A_1395] {strides = array<i32>} : memref<2x2x128xi32, #tpu.memory_space<vmem>>, vector<16xi32>,
          tpu.vector_store %arg6[%swap3A_1393, %swap3A_1394, %swap3A_1395], %add3A_1390 {strides = array<i32>} : memref<2x2x128xi32, #tpu.memory_space<vmem>>, vector<16xi32>,
          %add3A_1397 = arith.constant 64 : i32
          %add3A_1398 = vector.broadcast %add3A_1397 : i32 to vector<16xi32>
          %add3A_1399 = arith.addi %add3A_1381, %add3A_1398 : vector<16xi32>
          %swap3A_1400 = arith.constant 0 : i32
          %swap3A_1401 = arith.constant 1 : i32
          %swap3A_1402 = arith.index_cast %swap3A_1400 : i32 to index
          %swap3A_1403 = arith.index_cast %swap3A_1401 : i32 to index
          %swap3A_1404 = arith.constant 16 : index
          %swap3A_1405 = tpu.vector_load %arg6[%swap3A_1402, %swap3A_1403, %swap3A_1404] {strides = array<i32>} : memref<2x2x128xi32, #tpu.memory_space<vmem>>, vector<16xi32>,
          tpu.vector_store %arg6[%swap3A_1402, %swap3A_1403, %swap3A_1404], %add3A_1399 {strides = array<i32>} : memref<2x2x128xi32, #tpu.memory_space<vmem>>, vector<16xi32>,
          %add3A_1406 = arith.constant 64 : i32
          %add3A_1407 = vector.broadcast %add3A_1406 : i32 to vector<16xi32>
          %add3A_1408 = arith.addi %add3A_1381, %add3A_1407 : vector<16xi32>
          %add3A_1409 = arith.constant 1 : i32
          %add3A_1410 = vector.broadcast %add3A_1409 : i32 to vector<16xi32>
          %add3A_1411 = arith.addi %add3A_1408, %add3A_1410 : vector<16xi32>
          %swap3A_1412 = arith.constant 0 : i32
          %swap3A_1413 = arith.constant 1 : i32
          %swap3A_1414 = arith.index_cast %swap3A_1412 : i32 to index
          %swap3A_1415 = arith.index_cast %swap3A_1413 : i32 to index
          %swap3A_1416 = arith.constant 80 : index
          %swap3A_1417 = tpu.vector_load %arg6[%swap3A_1414, %swap3A_1415, %swap3A_1416] {strides = array<i32>} : memref<2x2x128xi32, #tpu.memory_space<vmem>>, vector<16xi32>,
          tpu.vector_store %arg6[%swap3A_1414, %swap3A_1415, %swap3A_1416], %add3A_1411 {strides = array<i32>} : memref<2x2x128xi32, #tpu.memory_space<vmem>>, vector<16xi32>,
          %mul3A_1418 = arith.mulf %select_n3A_1377, %sub3A_1355 : vector<16xf32>
          %sub3A_1419 = arith.subf %select_n3A_1377, %mul3A_1418 : vector<16xf32>
          %mul3A_1420 = arith.mulf %select_n3A_1377, %sub3A_1355 : vector<16xf32>
          %mul3A_1421 = arith.mulf %sub3A_1419, %sub3A_1357 : vector<16xf32>
          %sub3A_1422 = arith.subf %sub3A_1419, %mul3A_1421 : vector<16xf32>
          %swap3A_1423 = arith.constant 16 : index
          %swap3A_1424 = tpu.vector_load %arg8[%swap3A_1423] {strides = array<i32>} : memref<640xf32, #tpu.memory_space<vmem>>, vector<16xf32>,
          tpu.vector_store %arg8[%swap3A_1423], %sub3A_1422 {strides = array<i32>} : memref<640xf32, #tpu.memory_space<vmem>>, vector<16xf32>,
          %mul3A_1425 = arith.mulf %sub3A_1419, %sub3A_1357 : vector<16xf32>
          %swap3A_1426 = arith.constant 96 : index
          %swap3A_1427 = tpu.vector_load %arg8[%swap3A_1426] {strides = array<i32>} : memref<640xf32, #tpu.memory_space<vmem>>, vector<16xf32>,
          tpu.vector_store %arg8[%swap3A_1426], %mul3A_1425 {strides = array<i32>} : memref<640xf32, #tpu.memory_space<vmem>>, vector<16xf32>,
          %mul3A_1428 = arith.mulf %mul3A_1420, %sub3A_1357 : vector<16xf32>
          %sub3A_1429 = arith.subf %mul3A_1420, %mul3A_1428 : vector<16xf32>
          %swap3A_1430 = arith.constant 176 : index
          %swap3A_1431 = tpu.vector_load %arg8[%swap3A_1430] {strides = array<i32>} : memref<640xf32, #tpu.memory_space<vmem>>, vector<16xf32>,
          tpu.vector_store %arg8[%swap3A_1430], %sub3A_1429 {strides = array<i32>} : memref<640xf32, #tpu.memory_space<vmem>>, vector<16xf32>,
          %mul3A_1432 = arith.mulf %mul3A_1420, %sub3A_1357 : vector<16xf32>
          %swap3A_1433 = arith.constant 256 : index
          %swap3A_1434 = tpu.vector_load %arg8[%swap3A_1433] {strides = array<i32>} : memref<640xf32, #tpu.memory_space<vmem>>, vector<16xf32>,
          tpu.vector_store %arg8[%swap3A_1433], %mul3A_1432 {strides = array<i32>} : memref<640xf32, #tpu.memory_space<vmem>>, vector<16xf32>,
          %add3A_1435 = arith.constant 32 : i32
          %add3A_1436 = vector.broadcast %add3A_1435 : i32 to vector<16xi32>
          %add3A_1437 = arith.addi %iota3A, %add3A_1436 : vector<16xi32>
          %shift_right_arithmetic3A_1438 = arith.constant 3 : i32
          %shift_right_arithmetic3A_1439 = vector.broadcast %shift_right_arithmetic3A_1438 : i32 to vector<16xi32>
          %shift_right_arithmetic3A_1440 = arith.shrsi %add3A_1437, %shift_right_arithmetic3A_1439 : vector<16xi32>
          %convert_element_type3A_1441 = arith.sitofp %shift_right_arithmetic3A_1440 : vector<16xi32> to vector<16xf32>
          %and3A_1442 = arith.constant 7 : i32
          %and3A_1443 = vector.broadcast %and3A_1442 : i32 to vector<16xi32>
          %and3A_1444 = arith.andi %add3A_1437, %and3A_1443 : vector<16xi32>
          %convert_element_type3A_1445 = arith.sitofp %and3A_1444 : vector<16xi32> to vector<16xf32>
          %mul3A_1446 = vector.broadcast %mul3A_1206 : f32 to vector<16xf32>
          %mul3A_1447 = arith.mulf %convert_element_type3A_1441, %mul3A_1446 : vector<16xf32>
          %add3A_1448 = vector.broadcast %mul3A_1178 : f32 to vector<16xf32>
          %add3A_1449 = arith.addf %add3A_1448, %mul3A_1447 : vector<16xf32>
          %mul3A_1450 = vector.broadcast %mul3A_1201 : f32 to vector<16xf32>
          %mul3A_1451 = arith.mulf %convert_element_type3A_1445, %mul3A_1450 : vector<16xf32>
          %add3A_1452 = vector.broadcast %mul3A_1169 : f32 to vector<16xf32>
          %add3A_1453 = arith.addf %add3A_1452, %mul3A_1451 : vector<16xf32>
          %convert_element_type3A_1454 = arith.fptosi %add3A_1449 : vector<16xf32> to vector<16xi32>
          %jit3A_1455 = arith.constant 0 : i32
          %jit3A_1456 = arith.constant 62 : i32
          %max3A_1457 = vector.broadcast %jit3A_1455 : i32 to vector<16xi32>
          %max3A_1458 = arith.maxsi %max3A_1457, %convert_element_type3A_1454 : vector<16xi32>
          %min3A_1459 = vector.broadcast %jit3A_1456 : i32 to vector<16xi32>
          %min3A_1460 = arith.minsi %min3A_1459, %max3A_1458 : vector<16xi32>
          %convert_element_type3A_1461 = arith.fptosi %add3A_1453 : vector<16xf32> to vector<16xi32>
          %jit3A_1462 = arith.constant 0 : i32
          %jit3A_1463 = arith.constant 62 : i32
          %max3A_1464 = vector.broadcast %jit3A_1462 : i32 to vector<16xi32>
          %max3A_1465 = arith.maxsi %max3A_1464, %convert_element_type3A_1461 : vector<16xi32>
          %min3A_1466 = vector.broadcast %jit3A_1463 : i32 to vector<16xi32>
          %min3A_1467 = arith.minsi %min3A_1466, %max3A_1465 : vector<16xi32>
          %convert_element_type3A_1468 = arith.sitofp %min3A_1460 : vector<16xi32> to vector<16xf32>
          %sub3A_1469 = arith.subf %add3A_1449, %convert_element_type3A_1468 : vector<16xf32>
          %convert_element_type3A_1470 = arith.sitofp %min3A_1467 : vector<16xi32> to vector<16xf32>
          %sub3A_1471 = arith.subf %add3A_1453, %convert_element_type3A_1470 : vector<16xf32>
          %ge3A_1472 = arith.constant 0.000000e+00 : f32
          %ge3A_1473 = vector.broadcast %ge3A_1472 : f32 to vector<16xf32>
          %ge3A_1474 = arith.cmpf oge, %add3A_1449, %ge3A_1473 : vector<16xf32>
          %lt3A_1475 = arith.constant 6.400000e+01 : f32
          %lt3A_1476 = vector.broadcast %lt3A_1475 : f32 to vector<16xf32>
          %lt3A_1477 = arith.cmpf olt, %add3A_1449, %lt3A_1476 : vector<16xf32>
          %and3A_1478 = arith.andi %ge3A_1474, %lt3A_1477 : vector<16xi1>
          %ge3A_1479 = arith.constant 0.000000e+00 : f32
          %ge3A_1480 = vector.broadcast %ge3A_1479 : f32 to vector<16xf32>
          %ge3A_1481 = arith.cmpf oge, %add3A_1453, %ge3A_1480 : vector<16xf32>
          %and3A_1482 = arith.andi %and3A_1478, %ge3A_1481 : vector<16xi1>
          %lt3A_1483 = arith.constant 6.400000e+01 : f32
          %lt3A_1484 = vector.broadcast %lt3A_1483 : f32 to vector<16xf32>
          %lt3A_1485 = arith.cmpf olt, %add3A_1453, %lt3A_1484 : vector<16xf32>
          %and3A_1486 = arith.andi %and3A_1482, %lt3A_1485 : vector<16xi1>
          %jit3A_1487 = arith.constant 2.500000e-01 : f32
          %jit3A_1488 = arith.constant 0.000000e+00 : f32
          %broadcast_in_dim3A_1489 = vector.broadcast %jit3A_1487 : f32 to vector<16xf32>
          %broadcast_in_dim3A_1490 = vector.broadcast %jit3A_1488 : f32 to vector<16xf32>
          %select_n3A_1491 = arith.select %and3A_1486, %broadcast_in_dim3A_1489, %broadcast_in_dim3A_1490 : vector<16xi1>, vector<16xf32>
          %mul3A_1492 = arith.constant 64 : i32
          %mul3A_1493 = vector.broadcast %mul3A_1492 : i32 to vector<16xi32>
          %mul3A_1494 = arith.muli %min3A_1460, %mul3A_1493 : vector<16xi32>
          %add3A_1495 = arith.addi %mul3A_1494, %min3A_1467 : vector<16xi32>
          %swap3A_1496 = arith.constant 0 : i32
          %swap3A_1497 = arith.constant 0 : i32
          %swap3A_1498 = arith.index_cast %swap3A_1496 : i32 to index
          %swap3A_1499 = arith.index_cast %swap3A_1497 : i32 to index
          %swap3A_1500 = arith.constant 32 : index
          %swap3A_1501 = tpu.vector_load %arg6[%swap3A_1498, %swap3A_1499, %swap3A_1500] {strides = array<i32>} : memref<2x2x128xi32, #tpu.memory_space<vmem>>, vector<16xi32>,
          tpu.vector_store %arg6[%swap3A_1498, %swap3A_1499, %swap3A_1500], %add3A_1495 {strides = array<i32>} : memref<2x2x128xi32, #tpu.memory_space<vmem>>, vector<16xi32>,
          %add3A_1502 = arith.constant 1 : i32
          %add3A_1503 = vector.broadcast %add3A_1502 : i32 to vector<16xi32>
          %add3A_1504 = arith.addi %add3A_1495, %add3A_1503 : vector<16xi32>
          %swap3A_1505 = arith.constant 0 : i32
          %swap3A_1506 = arith.constant 0 : i32
          %swap3A_1507 = arith.index_cast %swap3A_1505 : i32 to index
          %swap3A_1508 = arith.index_cast %swap3A_1506 : i32 to index
          %swap3A_1509 = arith.constant 96 : index
          %swap3A_1510 = tpu.vector_load %arg6[%swap3A_1507, %swap3A_1508, %swap3A_1509] {strides = array<i32>} : memref<2x2x128xi32, #tpu.memory_space<vmem>>, vector<16xi32>,
          tpu.vector_store %arg6[%swap3A_1507, %swap3A_1508, %swap3A_1509], %add3A_1504 {strides = array<i32>} : memref<2x2x128xi32, #tpu.memory_space<vmem>>, vector<16xi32>,
          %add3A_1511 = arith.constant 64 : i32
          %add3A_1512 = vector.broadcast %add3A_1511 : i32 to vector<16xi32>
          %add3A_1513 = arith.addi %add3A_1495, %add3A_1512 : vector<16xi32>
          %swap3A_1514 = arith.constant 0 : i32
          %swap3A_1515 = arith.constant 1 : i32
          %swap3A_1516 = arith.index_cast %swap3A_1514 : i32 to index
          %swap3A_1517 = arith.index_cast %swap3A_1515 : i32 to index
          %swap3A_1518 = arith.constant 32 : index
          %swap3A_1519 = tpu.vector_load %arg6[%swap3A_1516, %swap3A_1517, %swap3A_1518] {strides = array<i32>} : memref<2x2x128xi32, #tpu.memory_space<vmem>>, vector<16xi32>,
          tpu.vector_store %arg6[%swap3A_1516, %swap3A_1517, %swap3A_1518], %add3A_1513 {strides = array<i32>} : memref<2x2x128xi32, #tpu.memory_space<vmem>>, vector<16xi32>,
          %add3A_1520 = arith.constant 64 : i32
          %add3A_1521 = vector.broadcast %add3A_1520 : i32 to vector<16xi32>
          %add3A_1522 = arith.addi %add3A_1495, %add3A_1521 : vector<16xi32>
          %add3A_1523 = arith.constant 1 : i32
          %add3A_1524 = vector.broadcast %add3A_1523 : i32 to vector<16xi32>
          %add3A_1525 = arith.addi %add3A_1522, %add3A_1524 : vector<16xi32>
          %swap3A_1526 = arith.constant 0 : i32
          %swap3A_1527 = arith.constant 1 : i32
          %swap3A_1528 = arith.index_cast %swap3A_1526 : i32 to index
          %swap3A_1529 = arith.index_cast %swap3A_1527 : i32 to index
          %swap3A_1530 = arith.constant 96 : index
          %swap3A_1531 = tpu.vector_load %arg6[%swap3A_1528, %swap3A_1529, %swap3A_1530] {strides = array<i32>} : memref<2x2x128xi32, #tpu.memory_space<vmem>>, vector<16xi32>,
          tpu.vector_store %arg6[%swap3A_1528, %swap3A_1529, %swap3A_1530], %add3A_1525 {strides = array<i32>} : memref<2x2x128xi32, #tpu.memory_space<vmem>>, vector<16xi32>,
          %mul3A_1532 = arith.mulf %select_n3A_1491, %sub3A_1469 : vector<16xf32>
          %sub3A_1533 = arith.subf %select_n3A_1491, %mul3A_1532 : vector<16xf32>
          %mul3A_1534 = arith.mulf %select_n3A_1491, %sub3A_1469 : vector<16xf32>
          %mul3A_1535 = arith.mulf %sub3A_1533, %sub3A_1471 : vector<16xf32>
          %sub3A_1536 = arith.subf %sub3A_1533, %mul3A_1535 : vector<16xf32>
          %swap3A_1537 = arith.constant 32 : index
          %swap3A_1538 = tpu.vector_load %arg8[%swap3A_1537] {strides = array<i32>} : memref<640xf32, #tpu.memory_space<vmem>>, vector<16xf32>,
          tpu.vector_store %arg8[%swap3A_1537], %sub3A_1536 {strides = array<i32>} : memref<640xf32, #tpu.memory_space<vmem>>, vector<16xf32>,
          %mul3A_1539 = arith.mulf %sub3A_1533, %sub3A_1471 : vector<16xf32>
          %swap3A_1540 = arith.constant 112 : index
          %swap3A_1541 = tpu.vector_load %arg8[%swap3A_1540] {strides = array<i32>} : memref<640xf32, #tpu.memory_space<vmem>>, vector<16xf32>,
          tpu.vector_store %arg8[%swap3A_1540], %mul3A_1539 {strides = array<i32>} : memref<640xf32, #tpu.memory_space<vmem>>, vector<16xf32>,
          %mul3A_1542 = arith.mulf %mul3A_1534, %sub3A_1471 : vector<16xf32>
          %sub3A_1543 = arith.subf %mul3A_1534, %mul3A_1542 : vector<16xf32>
          %swap3A_1544 = arith.constant 192 : index
          %swap3A_1545 = tpu.vector_load %arg8[%swap3A_1544] {strides = array<i32>} : memref<640xf32, #tpu.memory_space<vmem>>, vector<16xf32>,
          tpu.vector_store %arg8[%swap3A_1544], %sub3A_1543 {strides = array<i32>} : memref<640xf32, #tpu.memory_space<vmem>>, vector<16xf32>,
          %mul3A_1546 = arith.mulf %mul3A_1534, %sub3A_1471 : vector<16xf32>
          %swap3A_1547 = arith.constant 272 : index
          %swap3A_1548 = tpu.vector_load %arg8[%swap3A_1547] {strides = array<i32>} : memref<640xf32, #tpu.memory_space<vmem>>, vector<16xf32>,
          tpu.vector_store %arg8[%swap3A_1547], %mul3A_1546 {strides = array<i32>} : memref<640xf32, #tpu.memory_space<vmem>>, vector<16xf32>,
          %add3A_1549 = arith.constant 48 : i32
          %add3A_1550 = vector.broadcast %add3A_1549 : i32 to vector<16xi32>
          %add3A_1551 = arith.addi %iota3A, %add3A_1550 : vector<16xi32>
          %shift_right_arithmetic3A_1552 = arith.constant 3 : i32
          %shift_right_arithmetic3A_1553 = vector.broadcast %shift_right_arithmetic3A_1552 : i32 to vector<16xi32>
          %shift_right_arithmetic3A_1554 = arith.shrsi %add3A_1551, %shift_right_arithmetic3A_1553 : vector<16xi32>
          %convert_element_type3A_1555 = arith.sitofp %shift_right_arithmetic3A_1554 : vector<16xi32> to vector<16xf32>
          %and3A_1556 = arith.constant 7 : i32
          %and3A_1557 = vector.broadcast %and3A_1556 : i32 to vector<16xi32>
          %and3A_1558 = arith.andi %add3A_1551, %and3A_1557 : vector<16xi32>
          %convert_element_type3A_1559 = arith.sitofp %and3A_1558 : vector<16xi32> to vector<16xf32>
          %mul3A_1560 = vector.broadcast %mul3A_1206 : f32 to vector<16xf32>
          %mul3A_1561 = arith.mulf %convert_element_type3A_1555, %mul3A_1560 : vector<16xf32>
          %add3A_1562 = vector.broadcast %mul3A_1178 : f32 to vector<16xf32>
          %add3A_1563 = arith.addf %add3A_1562, %mul3A_1561 : vector<16xf32>
          %mul3A_1564 = vector.broadcast %mul3A_1201 : f32 to vector<16xf32>
          %mul3A_1565 = arith.mulf %convert_element_type3A_1559, %mul3A_1564 : vector<16xf32>
          %add3A_1566 = vector.broadcast %mul3A_1169 : f32 to vector<16xf32>
          %add3A_1567 = arith.addf %add3A_1566, %mul3A_1565 : vector<16xf32>
          %convert_element_type3A_1568 = arith.fptosi %add3A_1563 : vector<16xf32> to vector<16xi32>
          %jit3A_1569 = arith.constant 0 : i32
          %jit3A_1570 = arith.constant 62 : i32
          %max3A_1571 = vector.broadcast %jit3A_1569 : i32 to vector<16xi32>
          %max3A_1572 = arith.maxsi %max3A_1571, %convert_element_type3A_1568 : vector<16xi32>
          %min3A_1573 = vector.broadcast %jit3A_1570 : i32 to vector<16xi32>
          %min3A_1574 = arith.minsi %min3A_1573, %max3A_1572 : vector<16xi32>
          %convert_element_type3A_1575 = arith.fptosi %add3A_1567 : vector<16xf32> to vector<16xi32>
          %jit3A_1576 = arith.constant 0 : i32
          %jit3A_1577 = arith.constant 62 : i32
          %max3A_1578 = vector.broadcast %jit3A_1576 : i32 to vector<16xi32>
          %max3A_1579 = arith.maxsi %max3A_1578, %convert_element_type3A_1575 : vector<16xi32>
          %min3A_1580 = vector.broadcast %jit3A_1577 : i32 to vector<16xi32>
          %min3A_1581 = arith.minsi %min3A_1580, %max3A_1579 : vector<16xi32>
          %convert_element_type3A_1582 = arith.sitofp %min3A_1574 : vector<16xi32> to vector<16xf32>
          %sub3A_1583 = arith.subf %add3A_1563, %convert_element_type3A_1582 : vector<16xf32>
          %convert_element_type3A_1584 = arith.sitofp %min3A_1581 : vector<16xi32> to vector<16xf32>
          %sub3A_1585 = arith.subf %add3A_1567, %convert_element_type3A_1584 : vector<16xf32>
          %ge3A_1586 = arith.constant 0.000000e+00 : f32
          %ge3A_1587 = vector.broadcast %ge3A_1586 : f32 to vector<16xf32>
          %ge3A_1588 = arith.cmpf oge, %add3A_1563, %ge3A_1587 : vector<16xf32>
          %lt3A_1589 = arith.constant 6.400000e+01 : f32
          %lt3A_1590 = vector.broadcast %lt3A_1589 : f32 to vector<16xf32>
          %lt3A_1591 = arith.cmpf olt, %add3A_1563, %lt3A_1590 : vector<16xf32>
          %and3A_1592 = arith.andi %ge3A_1588, %lt3A_1591 : vector<16xi1>
          %ge3A_1593 = arith.constant 0.000000e+00 : f32
          %ge3A_1594 = vector.broadcast %ge3A_1593 : f32 to vector<16xf32>
          %ge3A_1595 = arith.cmpf oge, %add3A_1567, %ge3A_1594 : vector<16xf32>
          %and3A_1596 = arith.andi %and3A_1592, %ge3A_1595 : vector<16xi1>
          %lt3A_1597 = arith.constant 6.400000e+01 : f32
          %lt3A_1598 = vector.broadcast %lt3A_1597 : f32 to vector<16xf32>
          %lt3A_1599 = arith.cmpf olt, %add3A_1567, %lt3A_1598 : vector<16xf32>
          %and3A_1600 = arith.andi %and3A_1596, %lt3A_1599 : vector<16xi1>
          %jit3A_1601 = arith.constant 2.500000e-01 : f32
          %jit3A_1602 = arith.constant 0.000000e+00 : f32
          %broadcast_in_dim3A_1603 = vector.broadcast %jit3A_1601 : f32 to vector<16xf32>
          %broadcast_in_dim3A_1604 = vector.broadcast %jit3A_1602 : f32 to vector<16xf32>
          %select_n3A_1605 = arith.select %and3A_1600, %broadcast_in_dim3A_1603, %broadcast_in_dim3A_1604 : vector<16xi1>, vector<16xf32>
          %mul3A_1606 = arith.constant 64 : i32
          %mul3A_1607 = vector.broadcast %mul3A_1606 : i32 to vector<16xi32>
          %mul3A_1608 = arith.muli %min3A_1574, %mul3A_1607 : vector<16xi32>
          %add3A_1609 = arith.addi %mul3A_1608, %min3A_1581 : vector<16xi32>
          %swap3A_1610 = arith.constant 0 : i32
          %swap3A_1611 = arith.constant 0 : i32
          %swap3A_1612 = arith.index_cast %swap3A_1610 : i32 to index
          %swap3A_1613 = arith.index_cast %swap3A_1611 : i32 to index
          %swap3A_1614 = arith.constant 48 : index
          %swap3A_1615 = tpu.vector_load %arg6[%swap3A_1612, %swap3A_1613, %swap3A_1614] {strides = array<i32>} : memref<2x2x128xi32, #tpu.memory_space<vmem>>, vector<16xi32>,
          tpu.vector_store %arg6[%swap3A_1612, %swap3A_1613, %swap3A_1614], %add3A_1609 {strides = array<i32>} : memref<2x2x128xi32, #tpu.memory_space<vmem>>, vector<16xi32>,
          %add3A_1616 = arith.constant 1 : i32
          %add3A_1617 = vector.broadcast %add3A_1616 : i32 to vector<16xi32>
          %add3A_1618 = arith.addi %add3A_1609, %add3A_1617 : vector<16xi32>
          %swap3A_1619 = arith.constant 0 : i32
          %swap3A_1620 = arith.constant 0 : i32
          %swap3A_1621 = arith.index_cast %swap3A_1619 : i32 to index
          %swap3A_1622 = arith.index_cast %swap3A_1620 : i32 to index
          %swap3A_1623 = arith.constant 112 : index
          %swap3A_1624 = tpu.vector_load %arg6[%swap3A_1621, %swap3A_1622, %swap3A_1623] {strides = array<i32>} : memref<2x2x128xi32, #tpu.memory_space<vmem>>, vector<16xi32>,
          tpu.vector_store %arg6[%swap3A_1621, %swap3A_1622, %swap3A_1623], %add3A_1618 {strides = array<i32>} : memref<2x2x128xi32, #tpu.memory_space<vmem>>, vector<16xi32>,
          %add3A_1625 = arith.constant 64 : i32
          %add3A_1626 = vector.broadcast %add3A_1625 : i32 to vector<16xi32>
          %add3A_1627 = arith.addi %add3A_1609, %add3A_1626 : vector<16xi32>
          %swap3A_1628 = arith.constant 0 : i32
          %swap3A_1629 = arith.constant 1 : i32
          %swap3A_1630 = arith.index_cast %swap3A_1628 : i32 to index
          %swap3A_1631 = arith.index_cast %swap3A_1629 : i32 to index
          %swap3A_1632 = arith.constant 48 : index
          %swap3A_1633 = tpu.vector_load %arg6[%swap3A_1630, %swap3A_1631, %swap3A_1632] {strides = array<i32>} : memref<2x2x128xi32, #tpu.memory_space<vmem>>, vector<16xi32>,
          tpu.vector_store %arg6[%swap3A_1630, %swap3A_1631, %swap3A_1632], %add3A_1627 {strides = array<i32>} : memref<2x2x128xi32, #tpu.memory_space<vmem>>, vector<16xi32>,
          %add3A_1634 = arith.constant 64 : i32
          %add3A_1635 = vector.broadcast %add3A_1634 : i32 to vector<16xi32>
          %add3A_1636 = arith.addi %add3A_1609, %add3A_1635 : vector<16xi32>
          %add3A_1637 = arith.constant 1 : i32
          %add3A_1638 = vector.broadcast %add3A_1637 : i32 to vector<16xi32>
          %add3A_1639 = arith.addi %add3A_1636, %add3A_1638 : vector<16xi32>
          %swap3A_1640 = arith.constant 0 : i32
          %swap3A_1641 = arith.constant 1 : i32
          %swap3A_1642 = arith.index_cast %swap3A_1640 : i32 to index
          %swap3A_1643 = arith.index_cast %swap3A_1641 : i32 to index
          %swap3A_1644 = arith.constant 112 : index
          %swap3A_1645 = tpu.vector_load %arg6[%swap3A_1642, %swap3A_1643, %swap3A_1644] {strides = array<i32>} : memref<2x2x128xi32, #tpu.memory_space<vmem>>, vector<16xi32>,
          tpu.vector_store %arg6[%swap3A_1642, %swap3A_1643, %swap3A_1644], %add3A_1639 {strides = array<i32>} : memref<2x2x128xi32, #tpu.memory_space<vmem>>, vector<16xi32>,
          %mul3A_1646 = arith.mulf %select_n3A_1605, %sub3A_1583 : vector<16xf32>
          %sub3A_1647 = arith.subf %select_n3A_1605, %mul3A_1646 : vector<16xf32>
          %mul3A_1648 = arith.mulf %select_n3A_1605, %sub3A_1583 : vector<16xf32>
          %mul3A_1649 = arith.mulf %sub3A_1647, %sub3A_1585 : vector<16xf32>
          %sub3A_1650 = arith.subf %sub3A_1647, %mul3A_1649 : vector<16xf32>
          %swap3A_1651 = arith.constant 48 : index
          %swap3A_1652 = tpu.vector_load %arg8[%swap3A_1651] {strides = array<i32>} : memref<640xf32, #tpu.memory_space<vmem>>, vector<16xf32>,
          tpu.vector_store %arg8[%swap3A_1651], %sub3A_1650 {strides = array<i32>} : memref<640xf32, #tpu.memory_space<vmem>>, vector<16xf32>,
          %mul3A_1653 = arith.mulf %sub3A_1647, %sub3A_1585 : vector<16xf32>
          %swap3A_1654 = arith.constant 128 : index
          %swap3A_1655 = tpu.vector_load %arg8[%swap3A_1654] {strides = array<i32>} : memref<640xf32, #tpu.memory_space<vmem>>, vector<16xf32>,
          tpu.vector_store %arg8[%swap3A_1654], %mul3A_1653 {strides = array<i32>} : memref<640xf32, #tpu.memory_space<vmem>>, vector<16xf32>,
          %mul3A_1656 = arith.mulf %mul3A_1648, %sub3A_1585 : vector<16xf32>
          %sub3A_1657 = arith.subf %mul3A_1648, %mul3A_1656 : vector<16xf32>
          %swap3A_1658 = arith.constant 208 : index
          %swap3A_1659 = tpu.vector_load %arg8[%swap3A_1658] {strides = array<i32>} : memref<640xf32, #tpu.memory_space<vmem>>, vector<16xf32>,
          tpu.vector_store %arg8[%swap3A_1658], %sub3A_1657 {strides = array<i32>} : memref<640xf32, #tpu.memory_space<vmem>>, vector<16xf32>,
          %mul3A_1660 = arith.mulf %mul3A_1648, %sub3A_1585 : vector<16xf32>
          %swap3A_1661 = arith.constant 288 : index
          %swap3A_1662 = tpu.vector_load %arg8[%swap3A_1661] {strides = array<i32>} : memref<640xf32, #tpu.memory_space<vmem>>, vector<16xf32>,
          tpu.vector_store %arg8[%swap3A_1661], %mul3A_1660 {strides = array<i32>} : memref<640xf32, #tpu.memory_space<vmem>>, vector<16xf32>,
          %dma_start3A_1663 = arith.constant 0 : i32
          %dma_start3A_1664 = arith.constant 0 : i32
          %dma_start3A_1665 = arith.constant 0 : i32
          %dma_start3A_1666 = arith.constant 0 : i32
          %dma_start3A_1667 = arith.constant 0 : i32
          %dma_start3A_1668 = arith.constant 0 : i32
          %dma_start3A_1669 = tpu.memref_slice %arg7[%dma_start3A_1665, %dma_start3A_1667, %dma_start3A_1668] : memref<2x256x128xf32, #tpu.memory_space<vmem>> -> memref<1x128x128xf32, #tpu.memory_space<vmem>>
          %dma_start3A_1670 = tpu.memref_squeeze %dma_start3A_1669 : memref<1x128x128xf32, #tpu.memory_space<vmem>> -> memref<128x128xf32, #tpu.memory_space<vmem>>
          %dma_start3A_1671 = arith.constant 0 : i32
          %dma_start3A_1672 = tpu.memref_slice %arg6[%dma_start3A_1663, %dma_start3A_1664, %dma_start3A_1671] : memref<2x2x128xi32, #tpu.memory_space<vmem>> -> memref<1x1x128xi32, #tpu.memory_space<vmem>>
          %dma_start3A_1673 = tpu.memref_squeeze %dma_start3A_1672 : memref<1x1x128xi32, #tpu.memory_space<vmem>> -> memref<128xi32, #tpu.memory_space<vmem>>
          %dma_start3A_1674 = arith.constant 0 : i32
          %dma_start3A_1675 = arith.constant 0 : i32
          %dma_start3A_1676 = tpu.memref_slice %arg2[%dma_start3A_1674, %dma_start3A_1675] : memref<4096x128xf32, #tpu.memory_space<hbm>> -> memref<4096x128xf32, #tpu.memory_space<hbm>>
          %dma_start3A_1677 = tpu.memref_slice %arg12[%dma_start3A_1666] : memref<2x!tpu.dma_semaphore, #tpu.memory_space<semaphore_mem>> -> memref<1x!tpu.dma_semaphore, #tpu.memory_space<semaphore_mem>>
          %dma_start3A_1678 = tpu.memref_squeeze %dma_start3A_1677 : memref<1x!tpu.dma_semaphore, #tpu.memory_space<semaphore_mem>> -> memref<!tpu.dma_semaphore, #tpu.memory_space<semaphore_mem>>
          tpu.enqueue_indirect_dma source(%dma_start3A_1676 : memref<4096x128xf32, #tpu.memory_space<hbm>>) target(%dma_start3A_1670 : memref<128x128xf32, #tpu.memory_space<vmem>>) offsets(%dma_start3A_1673 : memref<128xi32, #tpu.memory_space<vmem>>) semaphore(%dma_start3A_1678 : memref<!tpu.dma_semaphore, #tpu.memory_space<semaphore_mem>>)
          %dma_start3A_1679 = arith.constant 0 : i32
          %dma_start3A_1680 = arith.constant 1 : i32
          %dma_start3A_1681 = arith.constant 0 : i32
          %dma_start3A_1682 = arith.constant 0 : i32
          %dma_start3A_1683 = arith.constant 128 : i32
          %dma_start3A_1684 = arith.constant 0 : i32
          %dma_start3A_1685 = tpu.memref_slice %arg7[%dma_start3A_1681, %dma_start3A_1683, %dma_start3A_1684] : memref<2x256x128xf32, #tpu.memory_space<vmem>> -> memref<1x128x128xf32, #tpu.memory_space<vmem>>
          %dma_start3A_1686 = tpu.memref_squeeze %dma_start3A_1685 : memref<1x128x128xf32, #tpu.memory_space<vmem>> -> memref<128x128xf32, #tpu.memory_space<vmem>>
          %dma_start3A_1687 = arith.constant 0 : i32
          %dma_start3A_1688 = tpu.memref_slice %arg6[%dma_start3A_1679, %dma_start3A_1680, %dma_start3A_1687] : memref<2x2x128xi32, #tpu.memory_space<vmem>> -> memref<1x1x128xi32, #tpu.memory_space<vmem>>
          %dma_start3A_1689 = tpu.memref_squeeze %dma_start3A_1688 : memref<1x1x128xi32, #tpu.memory_space<vmem>> -> memref<128xi32, #tpu.memory_space<vmem>>
          %dma_start3A_1690 = arith.constant 0 : i32
          %dma_start3A_1691 = arith.constant 0 : i32
          %dma_start3A_1692 = tpu.memref_slice %arg2[%dma_start3A_1690, %dma_start3A_1691] : memref<4096x128xf32, #tpu.memory_space<hbm>> -> memref<4096x128xf32, #tpu.memory_space<hbm>>
          %dma_start3A_1693 = tpu.memref_slice %arg12[%dma_start3A_1682] : memref<2x!tpu.dma_semaphore, #tpu.memory_space<semaphore_mem>> -> memref<1x!tpu.dma_semaphore, #tpu.memory_space<semaphore_mem>>
          %dma_start3A_1694 = tpu.memref_squeeze %dma_start3A_1693 : memref<1x!tpu.dma_semaphore, #tpu.memory_space<semaphore_mem>> -> memref<!tpu.dma_semaphore, #tpu.memory_space<semaphore_mem>>
          tpu.enqueue_indirect_dma source(%dma_start3A_1692 : memref<4096x128xf32, #tpu.memory_space<hbm>>) target(%dma_start3A_1686 : memref<128x128xf32, #tpu.memory_space<vmem>>) offsets(%dma_start3A_1689 : memref<128xi32, #tpu.memory_space<vmem>>) semaphore(%dma_start3A_1694 : memref<!tpu.dma_semaphore, #tpu.memory_space<semaphore_mem>>)
        } else {
        }
      } else {
      }
      %mul3A_1113 = arith.constant 2 : i32
      %mul3A_1114 = arith.muli %scan3A_1103, %mul3A_1113 : i32
      %add3A_1115 = arith.constant 1 : i32
      %add3A_1116 = arith.addi %mul3A_1114, %add3A_1115 : i32
      %add3A_1117 = arith.addi %mul3A_2, %add3A_1116 : i32
      %lt3A_1118 = arith.constant 157 : i32
      %lt3A_1119 = arith.cmpi slt, %add3A_1116, %lt3A_1118 : i32
      %convert_element_type3A_1120 = arith.extui %lt3A_1119 : i1 to i32
      %cond3A_1121 = arith.constant 0 : i32
      %cond3A_1122 = arith.cmpi ne, %convert_element_type3A_1120, %cond3A_1121 : i32
      scf.if %cond3A_1122 {
        %dma_wait3A = arith.constant 1 : i32
        %dma_wait3A_1123 = arith.constant 0 : i32
        %dma_wait3A_1124 = arith.constant 1 : i32
        %dma_wait3A_1125 = arith.constant 1 : i32
        %dma_wait3A_1126 = arith.constant 0 : i32
        %dma_wait3A_1127 = arith.constant 0 : i32
        %dma_wait3A_1128 = tpu.memref_slice %arg7[%dma_wait3A_1124, %dma_wait3A_1126, %dma_wait3A_1127] : memref<2x256x128xf32, #tpu.memory_space<vmem>> -> memref<1x128x128xf32, #tpu.memory_space<vmem>>
        %dma_wait3A_1129 = tpu.memref_squeeze %dma_wait3A_1128 : memref<1x128x128xf32, #tpu.memory_space<vmem>> -> memref<128x128xf32, #tpu.memory_space<vmem>>
        %dma_wait3A_1130 = arith.constant 0 : i32
        %dma_wait3A_1131 = tpu.memref_slice %arg6[%dma_wait3A, %dma_wait3A_1123, %dma_wait3A_1130] : memref<2x2x128xi32, #tpu.memory_space<vmem>> -> memref<1x1x128xi32, #tpu.memory_space<vmem>>
        %dma_wait3A_1132 = tpu.memref_squeeze %dma_wait3A_1131 : memref<1x1x128xi32, #tpu.memory_space<vmem>> -> memref<128xi32, #tpu.memory_space<vmem>>
        %dma_wait3A_1133 = arith.constant 0 : i32
        %dma_wait3A_1134 = arith.constant 0 : i32
        %dma_wait3A_1135 = tpu.memref_slice %arg2[%dma_wait3A_1133, %dma_wait3A_1134] : memref<4096x128xf32, #tpu.memory_space<hbm>> -> memref<4096x128xf32, #tpu.memory_space<hbm>>
        %dma_wait3A_1136 = tpu.memref_slice %arg12[%dma_wait3A_1125] : memref<2x!tpu.dma_semaphore, #tpu.memory_space<semaphore_mem>> -> memref<1x!tpu.dma_semaphore, #tpu.memory_space<semaphore_mem>>
        %dma_wait3A_1137 = tpu.memref_squeeze %dma_wait3A_1136 : memref<1x!tpu.dma_semaphore, #tpu.memory_space<semaphore_mem>> -> memref<!tpu.dma_semaphore, #tpu.memory_space<semaphore_mem>>
        tpu.wait_indirect_dma semaphore(%dma_wait3A_1137 : memref<!tpu.dma_semaphore, #tpu.memory_space<semaphore_mem>>) src(%dma_wait3A_1135 : memref<4096x128xf32, #tpu.memory_space<hbm>>) dst(%dma_wait3A_1129 : memref<128x128xf32, #tpu.memory_space<vmem>>)
        %dma_wait3A_1138 = arith.constant 1 : i32
        %dma_wait3A_1139 = arith.constant 1 : i32
        %dma_wait3A_1140 = arith.constant 1 : i32
        %dma_wait3A_1141 = arith.constant 1 : i32
        %dma_wait3A_1142 = arith.constant 128 : i32
        %dma_wait3A_1143 = arith.constant 0 : i32
        %dma_wait3A_1144 = tpu.memref_slice %arg7[%dma_wait3A_1140, %dma_wait3A_1142, %dma_wait3A_1143] : memref<2x256x128xf32, #tpu.memory_space<vmem>> -> memref<1x128x128xf32, #tpu.memory_space<vmem>>
        %dma_wait3A_1145 = tpu.memref_squeeze %dma_wait3A_1144 : memref<1x128x128xf32, #tpu.memory_space<vmem>> -> memref<128x128xf32, #tpu.memory_space<vmem>>
        %dma_wait3A_1146 = arith.constant 0 : i32
        %dma_wait3A_1147 = tpu.memref_slice %arg6[%dma_wait3A_1138, %dma_wait3A_1139, %dma_wait3A_1146] : memref<2x2x128xi32, #tpu.memory_space<vmem>> -> memref<1x1x128xi32, #tpu.memory_space<vmem>>
        %dma_wait3A_1148 = tpu.memref_squeeze %dma_wait3A_1147 : memref<1x1x128xi32, #tpu.memory_space<vmem>> -> memref<128xi32, #tpu.memory_space<vmem>>
        %dma_wait3A_1149 = arith.constant 0 : i32
        %dma_wait3A_1150 = arith.constant 0 : i32
        %dma_wait3A_1151 = tpu.memref_slice %arg2[%dma_wait3A_1149, %dma_wait3A_1150] : memref<4096x128xf32, #tpu.memory_space<hbm>> -> memref<4096x128xf32, #tpu.memory_space<hbm>>
        %dma_wait3A_1152 = tpu.memref_slice %arg12[%dma_wait3A_1141] : memref<2x!tpu.dma_semaphore, #tpu.memory_space<semaphore_mem>> -> memref<1x!tpu.dma_semaphore, #tpu.memory_space<semaphore_mem>>
        %dma_wait3A_1153 = tpu.memref_squeeze %dma_wait3A_1152 : memref<1x!tpu.dma_semaphore, #tpu.memory_space<semaphore_mem>> -> memref<!tpu.dma_semaphore, #tpu.memory_space<semaphore_mem>>
        tpu.wait_indirect_dma semaphore(%dma_wait3A_1153 : memref<!tpu.dma_semaphore, #tpu.memory_space<semaphore_mem>>) src(%dma_wait3A_1151 : memref<4096x128xf32, #tpu.memory_space<hbm>>) dst(%dma_wait3A_1145 : memref<128x128xf32, #tpu.memory_space<vmem>>)
        %lt3A_1154 = arith.constant 155 : i32
        %lt3A_1155 = arith.cmpi slt, %add3A_1116, %lt3A_1154 : i32
        %convert_element_type3A_1156 = arith.extui %lt3A_1155 : i1 to i32
        %cond3A_1157 = arith.constant 0 : i32
        %cond3A_1158 = arith.cmpi ne, %convert_element_type3A_1156, %cond3A_1157 : i32
        scf.if %cond3A_1158 {
          %add3A_1159 = arith.constant 2 : i32
          %add3A_1160 = arith.addi %add3A_1116, %add3A_1159 : i32
          %add3A_1161 = arith.constant 0 : i32
          %add3A_1162 = arith.addi %add3A_1161, %sub3A_21 : i32
          %add3A_1163 = arith.addi %add3A_1162, %add3A_1160 : i32
          %get3A_1164 = arith.index_cast %add3A_1163 : i32 to index
          %get3A_1165 = tpu.vector_load %arg5[%get3A_1164] {strides = array<i32>} : memref<736xf32, #tpu.memory_space<vmem>>, vector<16xf32>,
          %slice3A_1166 = vector.extract_strided_slice %get3A_1165 {offsets = [0], sizes = [1], strides = [1]} : vector<16xf32> to vector<1xf32>
          %squeeze3A_1167 = vector.extract %slice3A_1166[0] : f32 from vector<1xf32>
          %mul3A_1168 = arith.constant 6.250000e-02 : f32
          %mul3A_1169 = arith.mulf %squeeze3A_1167, %mul3A_1168 : f32
          %add3A_1170 = arith.constant 184 : i32
          %add3A_1171 = arith.addi %add3A_1170, %sub3A_21 : i32
          %add3A_1172 = arith.addi %add3A_1171, %add3A_1160 : i32
          %get3A_1173 = arith.index_cast %add3A_1172 : i32 to index
          %get3A_1174 = tpu.vector_load %arg5[%get3A_1173] {strides = array<i32>} : memref<736xf32, #tpu.memory_space<vmem>>, vector<16xf32>,
          %slice3A_1175 = vector.extract_strided_slice %get3A_1174 {offsets = [0], sizes = [1], strides = [1]} : vector<16xf32> to vector<1xf32>
          %squeeze3A_1176 = vector.extract %slice3A_1175[0] : f32 from vector<1xf32>
          %mul3A_1177 = arith.constant 6.250000e-02 : f32
          %mul3A_1178 = arith.mulf %squeeze3A_1176, %mul3A_1177 : f32
          %add3A_1179 = arith.constant 368 : i32
          %add3A_1180 = arith.addi %add3A_1179, %sub3A_21 : i32
          %add3A_1181 = arith.addi %add3A_1180, %add3A_1160 : i32
          %get3A_1182 = arith.index_cast %add3A_1181 : i32 to index
          %get3A_1183 = tpu.vector_load %arg5[%get3A_1182] {strides = array<i32>} : memref<736xf32, #tpu.memory_space<vmem>>, vector<16xf32>,
          %slice3A_1184 = vector.extract_strided_slice %get3A_1183 {offsets = [0], sizes = [1], strides = [1]} : vector<16xf32> to vector<1xf32>
          %squeeze3A_1185 = vector.extract %slice3A_1184[0] : f32 from vector<1xf32>
          %mul3A_1186 = arith.constant 6.250000e-02 : f32
          %mul3A_1187 = arith.mulf %squeeze3A_1185, %mul3A_1186 : f32
          %add3A_1188 = arith.constant 552 : i32
          %add3A_1189 = arith.addi %add3A_1188, %sub3A_21 : i32
          %add3A_1190 = arith.addi %add3A_1189, %add3A_1160 : i32
          %get3A_1191 = arith.index_cast %add3A_1190 : i32 to index
          %get3A_1192 = tpu.vector_load %arg5[%get3A_1191] {strides = array<i32>} : memref<736xf32, #tpu.memory_space<vmem>>, vector<16xf32>,
          %slice3A_1193 = vector.extract_strided_slice %get3A_1192 {offsets = [0], sizes = [1], strides = [1]} : vector<16xf32> to vector<1xf32>
          %squeeze3A_1194 = vector.extract %slice3A_1193[0] : f32 from vector<1xf32>
          %mul3A_1195 = arith.constant 6.250000e-02 : f32
          %mul3A_1196 = arith.mulf %squeeze3A_1194, %mul3A_1195 : f32
          %sub3A_1197 = arith.subf %mul3A_1187, %mul3A_1169 : f32
          %max3A_1198 = arith.constant 0.000000e+00 : f32
          %max3A_1199 = arith.maximumf %sub3A_1197, %max3A_1198 : f32
          %mul3A_1200 = arith.constant 0.142857149 : f32
          %mul3A_1201 = arith.mulf %max3A_1199, %mul3A_1200 : f32
          %sub3A_1202 = arith.subf %mul3A_1196, %mul3A_1178 : f32
          %max3A_1203 = arith.constant 0.000000e+00 : f32
          %max3A_1204 = arith.maximumf %sub3A_1202, %max3A_1203 : f32
          %mul3A_1205 = arith.constant 0.142857149 : f32
          %mul3A_1206 = arith.mulf %max3A_1204, %mul3A_1205 : f32
          %add3A_1207 = arith.constant 0 : i32
          %add3A_1208 = vector.broadcast %add3A_1207 : i32 to vector<16xi32>
          %add3A_1209 = arith.addi %iota3A, %add3A_1208 : vector<16xi32>
          %shift_right_arithmetic3A_1210 = arith.constant 3 : i32
          %shift_right_arithmetic3A_1211 = vector.broadcast %shift_right_arithmetic3A_1210 : i32 to vector<16xi32>
          %shift_right_arithmetic3A_1212 = arith.shrsi %add3A_1209, %shift_right_arithmetic3A_1211 : vector<16xi32>
          %convert_element_type3A_1213 = arith.sitofp %shift_right_arithmetic3A_1212 : vector<16xi32> to vector<16xf32>
          %and3A_1214 = arith.constant 7 : i32
          %and3A_1215 = vector.broadcast %and3A_1214 : i32 to vector<16xi32>
          %and3A_1216 = arith.andi %add3A_1209, %and3A_1215 : vector<16xi32>
          %convert_element_type3A_1217 = arith.sitofp %and3A_1216 : vector<16xi32> to vector<16xf32>
          %mul3A_1218 = vector.broadcast %mul3A_1206 : f32 to vector<16xf32>
          %mul3A_1219 = arith.mulf %convert_element_type3A_1213, %mul3A_1218 : vector<16xf32>
          %add3A_1220 = vector.broadcast %mul3A_1178 : f32 to vector<16xf32>
          %add3A_1221 = arith.addf %add3A_1220, %mul3A_1219 : vector<16xf32>
          %mul3A_1222 = vector.broadcast %mul3A_1201 : f32 to vector<16xf32>
          %mul3A_1223 = arith.mulf %convert_element_type3A_1217, %mul3A_1222 : vector<16xf32>
          %add3A_1224 = vector.broadcast %mul3A_1169 : f32 to vector<16xf32>
          %add3A_1225 = arith.addf %add3A_1224, %mul3A_1223 : vector<16xf32>
          %convert_element_type3A_1226 = arith.fptosi %add3A_1221 : vector<16xf32> to vector<16xi32>
          %jit3A_1227 = arith.constant 0 : i32
          %jit3A_1228 = arith.constant 62 : i32
          %max3A_1229 = vector.broadcast %jit3A_1227 : i32 to vector<16xi32>
          %max3A_1230 = arith.maxsi %max3A_1229, %convert_element_type3A_1226 : vector<16xi32>
          %min3A_1231 = vector.broadcast %jit3A_1228 : i32 to vector<16xi32>
          %min3A_1232 = arith.minsi %min3A_1231, %max3A_1230 : vector<16xi32>
          %convert_element_type3A_1233 = arith.fptosi %add3A_1225 : vector<16xf32> to vector<16xi32>
          %jit3A_1234 = arith.constant 0 : i32
          %jit3A_1235 = arith.constant 62 : i32
          %max3A_1236 = vector.broadcast %jit3A_1234 : i32 to vector<16xi32>
          %max3A_1237 = arith.maxsi %max3A_1236, %convert_element_type3A_1233 : vector<16xi32>
          %min3A_1238 = vector.broadcast %jit3A_1235 : i32 to vector<16xi32>
          %min3A_1239 = arith.minsi %min3A_1238, %max3A_1237 : vector<16xi32>
          %convert_element_type3A_1240 = arith.sitofp %min3A_1232 : vector<16xi32> to vector<16xf32>
          %sub3A_1241 = arith.subf %add3A_1221, %convert_element_type3A_1240 : vector<16xf32>
          %convert_element_type3A_1242 = arith.sitofp %min3A_1239 : vector<16xi32> to vector<16xf32>
          %sub3A_1243 = arith.subf %add3A_1225, %convert_element_type3A_1242 : vector<16xf32>
          %ge3A_1244 = arith.constant 0.000000e+00 : f32
          %ge3A_1245 = vector.broadcast %ge3A_1244 : f32 to vector<16xf32>
          %ge3A_1246 = arith.cmpf oge, %add3A_1221, %ge3A_1245 : vector<16xf32>
          %lt3A_1247 = arith.constant 6.400000e+01 : f32
          %lt3A_1248 = vector.broadcast %lt3A_1247 : f32 to vector<16xf32>
          %lt3A_1249 = arith.cmpf olt, %add3A_1221, %lt3A_1248 : vector<16xf32>
          %and3A_1250 = arith.andi %ge3A_1246, %lt3A_1249 : vector<16xi1>
          %ge3A_1251 = arith.constant 0.000000e+00 : f32
          %ge3A_1252 = vector.broadcast %ge3A_1251 : f32 to vector<16xf32>
          %ge3A_1253 = arith.cmpf oge, %add3A_1225, %ge3A_1252 : vector<16xf32>
          %and3A_1254 = arith.andi %and3A_1250, %ge3A_1253 : vector<16xi1>
          %lt3A_1255 = arith.constant 6.400000e+01 : f32
          %lt3A_1256 = vector.broadcast %lt3A_1255 : f32 to vector<16xf32>
          %lt3A_1257 = arith.cmpf olt, %add3A_1225, %lt3A_1256 : vector<16xf32>
          %and3A_1258 = arith.andi %and3A_1254, %lt3A_1257 : vector<16xi1>
          %jit3A_1259 = arith.constant 2.500000e-01 : f32
          %jit3A_1260 = arith.constant 0.000000e+00 : f32
          %broadcast_in_dim3A_1261 = vector.broadcast %jit3A_1259 : f32 to vector<16xf32>
          %broadcast_in_dim3A_1262 = vector.broadcast %jit3A_1260 : f32 to vector<16xf32>
          %select_n3A_1263 = arith.select %and3A_1258, %broadcast_in_dim3A_1261, %broadcast_in_dim3A_1262 : vector<16xi1>, vector<16xf32>
          %mul3A_1264 = arith.constant 64 : i32
          %mul3A_1265 = vector.broadcast %mul3A_1264 : i32 to vector<16xi32>
          %mul3A_1266 = arith.muli %min3A_1232, %mul3A_1265 : vector<16xi32>
          %add3A_1267 = arith.addi %mul3A_1266, %min3A_1239 : vector<16xi32>
          %swap3A_1268 = arith.constant 1 : i32
          %swap3A_1269 = arith.constant 0 : i32
          %swap3A_1270 = arith.index_cast %swap3A_1268 : i32 to index
          %swap3A_1271 = arith.index_cast %swap3A_1269 : i32 to index
          %swap3A_1272 = arith.constant 0 : index
          %swap3A_1273 = tpu.vector_load %arg6[%swap3A_1270, %swap3A_1271, %swap3A_1272] {strides = array<i32>} : memref<2x2x128xi32, #tpu.memory_space<vmem>>, vector<16xi32>,
          tpu.vector_store %arg6[%swap3A_1270, %swap3A_1271, %swap3A_1272], %add3A_1267 {strides = array<i32>} : memref<2x2x128xi32, #tpu.memory_space<vmem>>, vector<16xi32>,
          %add3A_1274 = arith.constant 1 : i32
          %add3A_1275 = vector.broadcast %add3A_1274 : i32 to vector<16xi32>
          %add3A_1276 = arith.addi %add3A_1267, %add3A_1275 : vector<16xi32>
          %swap3A_1277 = arith.constant 1 : i32
          %swap3A_1278 = arith.constant 0 : i32
          %swap3A_1279 = arith.index_cast %swap3A_1277 : i32 to index
          %swap3A_1280 = arith.index_cast %swap3A_1278 : i32 to index
          %swap3A_1281 = arith.constant 64 : index
          %swap3A_1282 = tpu.vector_load %arg6[%swap3A_1279, %swap3A_1280, %swap3A_1281] {strides = array<i32>} : memref<2x2x128xi32, #tpu.memory_space<vmem>>, vector<16xi32>,
          tpu.vector_store %arg6[%swap3A_1279, %swap3A_1280, %swap3A_1281], %add3A_1276 {strides = array<i32>} : memref<2x2x128xi32, #tpu.memory_space<vmem>>, vector<16xi32>,
          %add3A_1283 = arith.constant 64 : i32
          %add3A_1284 = vector.broadcast %add3A_1283 : i32 to vector<16xi32>
          %add3A_1285 = arith.addi %add3A_1267, %add3A_1284 : vector<16xi32>
          %swap3A_1286 = arith.constant 1 : i32
          %swap3A_1287 = arith.constant 1 : i32
          %swap3A_1288 = arith.index_cast %swap3A_1286 : i32 to index
          %swap3A_1289 = arith.index_cast %swap3A_1287 : i32 to index
          %swap3A_1290 = arith.constant 0 : index
          %swap3A_1291 = tpu.vector_load %arg6[%swap3A_1288, %swap3A_1289, %swap3A_1290] {strides = array<i32>} : memref<2x2x128xi32, #tpu.memory_space<vmem>>, vector<16xi32>,
          tpu.vector_store %arg6[%swap3A_1288, %swap3A_1289, %swap3A_1290], %add3A_1285 {strides = array<i32>} : memref<2x2x128xi32, #tpu.memory_space<vmem>>, vector<16xi32>,
          %add3A_1292 = arith.constant 64 : i32
          %add3A_1293 = vector.broadcast %add3A_1292 : i32 to vector<16xi32>
          %add3A_1294 = arith.addi %add3A_1267, %add3A_1293 : vector<16xi32>
          %add3A_1295 = arith.constant 1 : i32
          %add3A_1296 = vector.broadcast %add3A_1295 : i32 to vector<16xi32>
          %add3A_1297 = arith.addi %add3A_1294, %add3A_1296 : vector<16xi32>
          %swap3A_1298 = arith.constant 1 : i32
          %swap3A_1299 = arith.constant 1 : i32
          %swap3A_1300 = arith.index_cast %swap3A_1298 : i32 to index
          %swap3A_1301 = arith.index_cast %swap3A_1299 : i32 to index
          %swap3A_1302 = arith.constant 64 : index
          %swap3A_1303 = tpu.vector_load %arg6[%swap3A_1300, %swap3A_1301, %swap3A_1302] {strides = array<i32>} : memref<2x2x128xi32, #tpu.memory_space<vmem>>, vector<16xi32>,
          tpu.vector_store %arg6[%swap3A_1300, %swap3A_1301, %swap3A_1302], %add3A_1297 {strides = array<i32>} : memref<2x2x128xi32, #tpu.memory_space<vmem>>, vector<16xi32>,
          %mul3A_1304 = arith.mulf %select_n3A_1263, %sub3A_1241 : vector<16xf32>
          %sub3A_1305 = arith.subf %select_n3A_1263, %mul3A_1304 : vector<16xf32>
          %mul3A_1306 = arith.mulf %select_n3A_1263, %sub3A_1241 : vector<16xf32>
          %mul3A_1307 = arith.mulf %sub3A_1305, %sub3A_1243 : vector<16xf32>
          %sub3A_1308 = arith.subf %sub3A_1305, %mul3A_1307 : vector<16xf32>
          %swap3A_1309 = arith.constant 320 : index
          %swap3A_1310 = tpu.vector_load %arg8[%swap3A_1309] {strides = array<i32>} : memref<640xf32, #tpu.memory_space<vmem>>, vector<16xf32>,
          tpu.vector_store %arg8[%swap3A_1309], %sub3A_1308 {strides = array<i32>} : memref<640xf32, #tpu.memory_space<vmem>>, vector<16xf32>,
          %mul3A_1311 = arith.mulf %sub3A_1305, %sub3A_1243 : vector<16xf32>
          %swap3A_1312 = arith.constant 400 : index
          %swap3A_1313 = tpu.vector_load %arg8[%swap3A_1312] {strides = array<i32>} : memref<640xf32, #tpu.memory_space<vmem>>, vector<16xf32>,
          tpu.vector_store %arg8[%swap3A_1312], %mul3A_1311 {strides = array<i32>} : memref<640xf32, #tpu.memory_space<vmem>>, vector<16xf32>,
          %mul3A_1314 = arith.mulf %mul3A_1306, %sub3A_1243 : vector<16xf32>
          %sub3A_1315 = arith.subf %mul3A_1306, %mul3A_1314 : vector<16xf32>
          %swap3A_1316 = arith.constant 480 : index
          %swap3A_1317 = tpu.vector_load %arg8[%swap3A_1316] {strides = array<i32>} : memref<640xf32, #tpu.memory_space<vmem>>, vector<16xf32>,
          tpu.vector_store %arg8[%swap3A_1316], %sub3A_1315 {strides = array<i32>} : memref<640xf32, #tpu.memory_space<vmem>>, vector<16xf32>,
          %mul3A_1318 = arith.mulf %mul3A_1306, %sub3A_1243 : vector<16xf32>
          %swap3A_1319 = arith.constant 560 : index
          %swap3A_1320 = tpu.vector_load %arg8[%swap3A_1319] {strides = array<i32>} : memref<640xf32, #tpu.memory_space<vmem>>, vector<16xf32>,
          tpu.vector_store %arg8[%swap3A_1319], %mul3A_1318 {strides = array<i32>} : memref<640xf32, #tpu.memory_space<vmem>>, vector<16xf32>,
          %add3A_1321 = arith.constant 16 : i32
          %add3A_1322 = vector.broadcast %add3A_1321 : i32 to vector<16xi32>
          %add3A_1323 = arith.addi %iota3A, %add3A_1322 : vector<16xi32>
          %shift_right_arithmetic3A_1324 = arith.constant 3 : i32
          %shift_right_arithmetic3A_1325 = vector.broadcast %shift_right_arithmetic3A_1324 : i32 to vector<16xi32>
          %shift_right_arithmetic3A_1326 = arith.shrsi %add3A_1323, %shift_right_arithmetic3A_1325 : vector<16xi32>
          %convert_element_type3A_1327 = arith.sitofp %shift_right_arithmetic3A_1326 : vector<16xi32> to vector<16xf32>
          %and3A_1328 = arith.constant 7 : i32
          %and3A_1329 = vector.broadcast %and3A_1328 : i32 to vector<16xi32>
          %and3A_1330 = arith.andi %add3A_1323, %and3A_1329 : vector<16xi32>
          %convert_element_type3A_1331 = arith.sitofp %and3A_1330 : vector<16xi32> to vector<16xf32>
          %mul3A_1332 = vector.broadcast %mul3A_1206 : f32 to vector<16xf32>
          %mul3A_1333 = arith.mulf %convert_element_type3A_1327, %mul3A_1332 : vector<16xf32>
          %add3A_1334 = vector.broadcast %mul3A_1178 : f32 to vector<16xf32>
          %add3A_1335 = arith.addf %add3A_1334, %mul3A_1333 : vector<16xf32>
          %mul3A_1336 = vector.broadcast %mul3A_1201 : f32 to vector<16xf32>
          %mul3A_1337 = arith.mulf %convert_element_type3A_1331, %mul3A_1336 : vector<16xf32>
          %add3A_1338 = vector.broadcast %mul3A_1169 : f32 to vector<16xf32>
          %add3A_1339 = arith.addf %add3A_1338, %mul3A_1337 : vector<16xf32>
          %convert_element_type3A_1340 = arith.fptosi %add3A_1335 : vector<16xf32> to vector<16xi32>
          %jit3A_1341 = arith.constant 0 : i32
          %jit3A_1342 = arith.constant 62 : i32
          %max3A_1343 = vector.broadcast %jit3A_1341 : i32 to vector<16xi32>
          %max3A_1344 = arith.maxsi %max3A_1343, %convert_element_type3A_1340 : vector<16xi32>
          %min3A_1345 = vector.broadcast %jit3A_1342 : i32 to vector<16xi32>
          %min3A_1346 = arith.minsi %min3A_1345, %max3A_1344 : vector<16xi32>
          %convert_element_type3A_1347 = arith.fptosi %add3A_1339 : vector<16xf32> to vector<16xi32>
          %jit3A_1348 = arith.constant 0 : i32
          %jit3A_1349 = arith.constant 62 : i32
          %max3A_1350 = vector.broadcast %jit3A_1348 : i32 to vector<16xi32>
          %max3A_1351 = arith.maxsi %max3A_1350, %convert_element_type3A_1347 : vector<16xi32>
          %min3A_1352 = vector.broadcast %jit3A_1349 : i32 to vector<16xi32>
          %min3A_1353 = arith.minsi %min3A_1352, %max3A_1351 : vector<16xi32>
          %convert_element_type3A_1354 = arith.sitofp %min3A_1346 : vector<16xi32> to vector<16xf32>
          %sub3A_1355 = arith.subf %add3A_1335, %convert_element_type3A_1354 : vector<16xf32>
          %convert_element_type3A_1356 = arith.sitofp %min3A_1353 : vector<16xi32> to vector<16xf32>
          %sub3A_1357 = arith.subf %add3A_1339, %convert_element_type3A_1356 : vector<16xf32>
          %ge3A_1358 = arith.constant 0.000000e+00 : f32
          %ge3A_1359 = vector.broadcast %ge3A_1358 : f32 to vector<16xf32>
          %ge3A_1360 = arith.cmpf oge, %add3A_1335, %ge3A_1359 : vector<16xf32>
          %lt3A_1361 = arith.constant 6.400000e+01 : f32
          %lt3A_1362 = vector.broadcast %lt3A_1361 : f32 to vector<16xf32>
          %lt3A_1363 = arith.cmpf olt, %add3A_1335, %lt3A_1362 : vector<16xf32>
          %and3A_1364 = arith.andi %ge3A_1360, %lt3A_1363 : vector<16xi1>
          %ge3A_1365 = arith.constant 0.000000e+00 : f32
          %ge3A_1366 = vector.broadcast %ge3A_1365 : f32 to vector<16xf32>
          %ge3A_1367 = arith.cmpf oge, %add3A_1339, %ge3A_1366 : vector<16xf32>
          %and3A_1368 = arith.andi %and3A_1364, %ge3A_1367 : vector<16xi1>
          %lt3A_1369 = arith.constant 6.400000e+01 : f32
          %lt3A_1370 = vector.broadcast %lt3A_1369 : f32 to vector<16xf32>
          %lt3A_1371 = arith.cmpf olt, %add3A_1339, %lt3A_1370 : vector<16xf32>
          %and3A_1372 = arith.andi %and3A_1368, %lt3A_1371 : vector<16xi1>
          %jit3A_1373 = arith.constant 2.500000e-01 : f32
          %jit3A_1374 = arith.constant 0.000000e+00 : f32
          %broadcast_in_dim3A_1375 = vector.broadcast %jit3A_1373 : f32 to vector<16xf32>
          %broadcast_in_dim3A_1376 = vector.broadcast %jit3A_1374 : f32 to vector<16xf32>
          %select_n3A_1377 = arith.select %and3A_1372, %broadcast_in_dim3A_1375, %broadcast_in_dim3A_1376 : vector<16xi1>, vector<16xf32>
          %mul3A_1378 = arith.constant 64 : i32
          %mul3A_1379 = vector.broadcast %mul3A_1378 : i32 to vector<16xi32>
          %mul3A_1380 = arith.muli %min3A_1346, %mul3A_1379 : vector<16xi32>
          %add3A_1381 = arith.addi %mul3A_1380, %min3A_1353 : vector<16xi32>
          %swap3A_1382 = arith.constant 1 : i32
          %swap3A_1383 = arith.constant 0 : i32
          %swap3A_1384 = arith.index_cast %swap3A_1382 : i32 to index
          %swap3A_1385 = arith.index_cast %swap3A_1383 : i32 to index
          %swap3A_1386 = arith.constant 16 : index
          %swap3A_1387 = tpu.vector_load %arg6[%swap3A_1384, %swap3A_1385, %swap3A_1386] {strides = array<i32>} : memref<2x2x128xi32, #tpu.memory_space<vmem>>, vector<16xi32>,
          tpu.vector_store %arg6[%swap3A_1384, %swap3A_1385, %swap3A_1386], %add3A_1381 {strides = array<i32>} : memref<2x2x128xi32, #tpu.memory_space<vmem>>, vector<16xi32>,
          %add3A_1388 = arith.constant 1 : i32
          %add3A_1389 = vector.broadcast %add3A_1388 : i32 to vector<16xi32>
          %add3A_1390 = arith.addi %add3A_1381, %add3A_1389 : vector<16xi32>
          %swap3A_1391 = arith.constant 1 : i32
          %swap3A_1392 = arith.constant 0 : i32
          %swap3A_1393 = arith.index_cast %swap3A_1391 : i32 to index
          %swap3A_1394 = arith.index_cast %swap3A_1392 : i32 to index
          %swap3A_1395 = arith.constant 80 : index
          %swap3A_1396 = tpu.vector_load %arg6[%swap3A_1393, %swap3A_1394, %swap3A_1395] {strides = array<i32>} : memref<2x2x128xi32, #tpu.memory_space<vmem>>, vector<16xi32>,
          tpu.vector_store %arg6[%swap3A_1393, %swap3A_1394, %swap3A_1395], %add3A_1390 {strides = array<i32>} : memref<2x2x128xi32, #tpu.memory_space<vmem>>, vector<16xi32>,
          %add3A_1397 = arith.constant 64 : i32
          %add3A_1398 = vector.broadcast %add3A_1397 : i32 to vector<16xi32>
          %add3A_1399 = arith.addi %add3A_1381, %add3A_1398 : vector<16xi32>
          %swap3A_1400 = arith.constant 1 : i32
          %swap3A_1401 = arith.constant 1 : i32
          %swap3A_1402 = arith.index_cast %swap3A_1400 : i32 to index
          %swap3A_1403 = arith.index_cast %swap3A_1401 : i32 to index
          %swap3A_1404 = arith.constant 16 : index
          %swap3A_1405 = tpu.vector_load %arg6[%swap3A_1402, %swap3A_1403, %swap3A_1404] {strides = array<i32>} : memref<2x2x128xi32, #tpu.memory_space<vmem>>, vector<16xi32>,
          tpu.vector_store %arg6[%swap3A_1402, %swap3A_1403, %swap3A_1404], %add3A_1399 {strides = array<i32>} : memref<2x2x128xi32, #tpu.memory_space<vmem>>, vector<16xi32>,
          %add3A_1406 = arith.constant 64 : i32
          %add3A_1407 = vector.broadcast %add3A_1406 : i32 to vector<16xi32>
          %add3A_1408 = arith.addi %add3A_1381, %add3A_1407 : vector<16xi32>
          %add3A_1409 = arith.constant 1 : i32
          %add3A_1410 = vector.broadcast %add3A_1409 : i32 to vector<16xi32>
          %add3A_1411 = arith.addi %add3A_1408, %add3A_1410 : vector<16xi32>
          %swap3A_1412 = arith.constant 1 : i32
          %swap3A_1413 = arith.constant 1 : i32
          %swap3A_1414 = arith.index_cast %swap3A_1412 : i32 to index
          %swap3A_1415 = arith.index_cast %swap3A_1413 : i32 to index
          %swap3A_1416 = arith.constant 80 : index
          %swap3A_1417 = tpu.vector_load %arg6[%swap3A_1414, %swap3A_1415, %swap3A_1416] {strides = array<i32>} : memref<2x2x128xi32, #tpu.memory_space<vmem>>, vector<16xi32>,
          tpu.vector_store %arg6[%swap3A_1414, %swap3A_1415, %swap3A_1416], %add3A_1411 {strides = array<i32>} : memref<2x2x128xi32, #tpu.memory_space<vmem>>, vector<16xi32>,
          %mul3A_1418 = arith.mulf %select_n3A_1377, %sub3A_1355 : vector<16xf32>
          %sub3A_1419 = arith.subf %select_n3A_1377, %mul3A_1418 : vector<16xf32>
          %mul3A_1420 = arith.mulf %select_n3A_1377, %sub3A_1355 : vector<16xf32>
          %mul3A_1421 = arith.mulf %sub3A_1419, %sub3A_1357 : vector<16xf32>
          %sub3A_1422 = arith.subf %sub3A_1419, %mul3A_1421 : vector<16xf32>
          %swap3A_1423 = arith.constant 336 : index
          %swap3A_1424 = tpu.vector_load %arg8[%swap3A_1423] {strides = array<i32>} : memref<640xf32, #tpu.memory_space<vmem>>, vector<16xf32>,
          tpu.vector_store %arg8[%swap3A_1423], %sub3A_1422 {strides = array<i32>} : memref<640xf32, #tpu.memory_space<vmem>>, vector<16xf32>,
          %mul3A_1425 = arith.mulf %sub3A_1419, %sub3A_1357 : vector<16xf32>
          %swap3A_1426 = arith.constant 416 : index
          %swap3A_1427 = tpu.vector_load %arg8[%swap3A_1426] {strides = array<i32>} : memref<640xf32, #tpu.memory_space<vmem>>, vector<16xf32>,
          tpu.vector_store %arg8[%swap3A_1426], %mul3A_1425 {strides = array<i32>} : memref<640xf32, #tpu.memory_space<vmem>>, vector<16xf32>,
          %mul3A_1428 = arith.mulf %mul3A_1420, %sub3A_1357 : vector<16xf32>
          %sub3A_1429 = arith.subf %mul3A_1420, %mul3A_1428 : vector<16xf32>
          %swap3A_1430 = arith.constant 496 : index
          %swap3A_1431 = tpu.vector_load %arg8[%swap3A_1430] {strides = array<i32>} : memref<640xf32, #tpu.memory_space<vmem>>, vector<16xf32>,
          tpu.vector_store %arg8[%swap3A_1430], %sub3A_1429 {strides = array<i32>} : memref<640xf32, #tpu.memory_space<vmem>>, vector<16xf32>,
          %mul3A_1432 = arith.mulf %mul3A_1420, %sub3A_1357 : vector<16xf32>
          %swap3A_1433 = arith.constant 576 : index
          %swap3A_1434 = tpu.vector_load %arg8[%swap3A_1433] {strides = array<i32>} : memref<640xf32, #tpu.memory_space<vmem>>, vector<16xf32>,
          tpu.vector_store %arg8[%swap3A_1433], %mul3A_1432 {strides = array<i32>} : memref<640xf32, #tpu.memory_space<vmem>>, vector<16xf32>,
          %add3A_1435 = arith.constant 32 : i32
          %add3A_1436 = vector.broadcast %add3A_1435 : i32 to vector<16xi32>
          %add3A_1437 = arith.addi %iota3A, %add3A_1436 : vector<16xi32>
          %shift_right_arithmetic3A_1438 = arith.constant 3 : i32
          %shift_right_arithmetic3A_1439 = vector.broadcast %shift_right_arithmetic3A_1438 : i32 to vector<16xi32>
          %shift_right_arithmetic3A_1440 = arith.shrsi %add3A_1437, %shift_right_arithmetic3A_1439 : vector<16xi32>
          %convert_element_type3A_1441 = arith.sitofp %shift_right_arithmetic3A_1440 : vector<16xi32> to vector<16xf32>
          %and3A_1442 = arith.constant 7 : i32
          %and3A_1443 = vector.broadcast %and3A_1442 : i32 to vector<16xi32>
          %and3A_1444 = arith.andi %add3A_1437, %and3A_1443 : vector<16xi32>
          %convert_element_type3A_1445 = arith.sitofp %and3A_1444 : vector<16xi32> to vector<16xf32>
          %mul3A_1446 = vector.broadcast %mul3A_1206 : f32 to vector<16xf32>
          %mul3A_1447 = arith.mulf %convert_element_type3A_1441, %mul3A_1446 : vector<16xf32>
          %add3A_1448 = vector.broadcast %mul3A_1178 : f32 to vector<16xf32>
          %add3A_1449 = arith.addf %add3A_1448, %mul3A_1447 : vector<16xf32>
          %mul3A_1450 = vector.broadcast %mul3A_1201 : f32 to vector<16xf32>
          %mul3A_1451 = arith.mulf %convert_element_type3A_1445, %mul3A_1450 : vector<16xf32>
          %add3A_1452 = vector.broadcast %mul3A_1169 : f32 to vector<16xf32>
          %add3A_1453 = arith.addf %add3A_1452, %mul3A_1451 : vector<16xf32>
          %convert_element_type3A_1454 = arith.fptosi %add3A_1449 : vector<16xf32> to vector<16xi32>
          %jit3A_1455 = arith.constant 0 : i32
          %jit3A_1456 = arith.constant 62 : i32
          %max3A_1457 = vector.broadcast %jit3A_1455 : i32 to vector<16xi32>
          %max3A_1458 = arith.maxsi %max3A_1457, %convert_element_type3A_1454 : vector<16xi32>
          %min3A_1459 = vector.broadcast %jit3A_1456 : i32 to vector<16xi32>
          %min3A_1460 = arith.minsi %min3A_1459, %max3A_1458 : vector<16xi32>
          %convert_element_type3A_1461 = arith.fptosi %add3A_1453 : vector<16xf32> to vector<16xi32>
          %jit3A_1462 = arith.constant 0 : i32
          %jit3A_1463 = arith.constant 62 : i32
          %max3A_1464 = vector.broadcast %jit3A_1462 : i32 to vector<16xi32>
          %max3A_1465 = arith.maxsi %max3A_1464, %convert_element_type3A_1461 : vector<16xi32>
          %min3A_1466 = vector.broadcast %jit3A_1463 : i32 to vector<16xi32>
          %min3A_1467 = arith.minsi %min3A_1466, %max3A_1465 : vector<16xi32>
          %convert_element_type3A_1468 = arith.sitofp %min3A_1460 : vector<16xi32> to vector<16xf32>
          %sub3A_1469 = arith.subf %add3A_1449, %convert_element_type3A_1468 : vector<16xf32>
          %convert_element_type3A_1470 = arith.sitofp %min3A_1467 : vector<16xi32> to vector<16xf32>
          %sub3A_1471 = arith.subf %add3A_1453, %convert_element_type3A_1470 : vector<16xf32>
          %ge3A_1472 = arith.constant 0.000000e+00 : f32
          %ge3A_1473 = vector.broadcast %ge3A_1472 : f32 to vector<16xf32>
          %ge3A_1474 = arith.cmpf oge, %add3A_1449, %ge3A_1473 : vector<16xf32>
          %lt3A_1475 = arith.constant 6.400000e+01 : f32
          %lt3A_1476 = vector.broadcast %lt3A_1475 : f32 to vector<16xf32>
          %lt3A_1477 = arith.cmpf olt, %add3A_1449, %lt3A_1476 : vector<16xf32>
          %and3A_1478 = arith.andi %ge3A_1474, %lt3A_1477 : vector<16xi1>
          %ge3A_1479 = arith.constant 0.000000e+00 : f32
          %ge3A_1480 = vector.broadcast %ge3A_1479 : f32 to vector<16xf32>
          %ge3A_1481 = arith.cmpf oge, %add3A_1453, %ge3A_1480 : vector<16xf32>
          %and3A_1482 = arith.andi %and3A_1478, %ge3A_1481 : vector<16xi1>
          %lt3A_1483 = arith.constant 6.400000e+01 : f32
          %lt3A_1484 = vector.broadcast %lt3A_1483 : f32 to vector<16xf32>
          %lt3A_1485 = arith.cmpf olt, %add3A_1453, %lt3A_1484 : vector<16xf32>
          %and3A_1486 = arith.andi %and3A_1482, %lt3A_1485 : vector<16xi1>
          %jit3A_1487 = arith.constant 2.500000e-01 : f32
          %jit3A_1488 = arith.constant 0.000000e+00 : f32
          %broadcast_in_dim3A_1489 = vector.broadcast %jit3A_1487 : f32 to vector<16xf32>
          %broadcast_in_dim3A_1490 = vector.broadcast %jit3A_1488 : f32 to vector<16xf32>
          %select_n3A_1491 = arith.select %and3A_1486, %broadcast_in_dim3A_1489, %broadcast_in_dim3A_1490 : vector<16xi1>, vector<16xf32>
          %mul3A_1492 = arith.constant 64 : i32
          %mul3A_1493 = vector.broadcast %mul3A_1492 : i32 to vector<16xi32>
          %mul3A_1494 = arith.muli %min3A_1460, %mul3A_1493 : vector<16xi32>
          %add3A_1495 = arith.addi %mul3A_1494, %min3A_1467 : vector<16xi32>
          %swap3A_1496 = arith.constant 1 : i32
          %swap3A_1497 = arith.constant 0 : i32
          %swap3A_1498 = arith.index_cast %swap3A_1496 : i32 to index
          %swap3A_1499 = arith.index_cast %swap3A_1497 : i32 to index
          %swap3A_1500 = arith.constant 32 : index
          %swap3A_1501 = tpu.vector_load %arg6[%swap3A_1498, %swap3A_1499, %swap3A_1500] {strides = array<i32>} : memref<2x2x128xi32, #tpu.memory_space<vmem>>, vector<16xi32>,
          tpu.vector_store %arg6[%swap3A_1498, %swap3A_1499, %swap3A_1500], %add3A_1495 {strides = array<i32>} : memref<2x2x128xi32, #tpu.memory_space<vmem>>, vector<16xi32>,
          %add3A_1502 = arith.constant 1 : i32
          %add3A_1503 = vector.broadcast %add3A_1502 : i32 to vector<16xi32>
          %add3A_1504 = arith.addi %add3A_1495, %add3A_1503 : vector<16xi32>
          %swap3A_1505 = arith.constant 1 : i32
          %swap3A_1506 = arith.constant 0 : i32
          %swap3A_1507 = arith.index_cast %swap3A_1505 : i32 to index
          %swap3A_1508 = arith.index_cast %swap3A_1506 : i32 to index
          %swap3A_1509 = arith.constant 96 : index
          %swap3A_1510 = tpu.vector_load %arg6[%swap3A_1507, %swap3A_1508, %swap3A_1509] {strides = array<i32>} : memref<2x2x128xi32, #tpu.memory_space<vmem>>, vector<16xi32>,
          tpu.vector_store %arg6[%swap3A_1507, %swap3A_1508, %swap3A_1509], %add3A_1504 {strides = array<i32>} : memref<2x2x128xi32, #tpu.memory_space<vmem>>, vector<16xi32>,
          %add3A_1511 = arith.constant 64 : i32
          %add3A_1512 = vector.broadcast %add3A_1511 : i32 to vector<16xi32>
          %add3A_1513 = arith.addi %add3A_1495, %add3A_1512 : vector<16xi32>
          %swap3A_1514 = arith.constant 1 : i32
          %swap3A_1515 = arith.constant 1 : i32
          %swap3A_1516 = arith.index_cast %swap3A_1514 : i32 to index
          %swap3A_1517 = arith.index_cast %swap3A_1515 : i32 to index
          %swap3A_1518 = arith.constant 32 : index
          %swap3A_1519 = tpu.vector_load %arg6[%swap3A_1516, %swap3A_1517, %swap3A_1518] {strides = array<i32>} : memref<2x2x128xi32, #tpu.memory_space<vmem>>, vector<16xi32>,
          tpu.vector_store %arg6[%swap3A_1516, %swap3A_1517, %swap3A_1518], %add3A_1513 {strides = array<i32>} : memref<2x2x128xi32, #tpu.memory_space<vmem>>, vector<16xi32>,
          %add3A_1520 = arith.constant 64 : i32
          %add3A_1521 = vector.broadcast %add3A_1520 : i32 to vector<16xi32>
          %add3A_1522 = arith.addi %add3A_1495, %add3A_1521 : vector<16xi32>
          %add3A_1523 = arith.constant 1 : i32
          %add3A_1524 = vector.broadcast %add3A_1523 : i32 to vector<16xi32>
          %add3A_1525 = arith.addi %add3A_1522, %add3A_1524 : vector<16xi32>
          %swap3A_1526 = arith.constant 1 : i32
          %swap3A_1527 = arith.constant 1 : i32
          %swap3A_1528 = arith.index_cast %swap3A_1526 : i32 to index
          %swap3A_1529 = arith.index_cast %swap3A_1527 : i32 to index
          %swap3A_1530 = arith.constant 96 : index
          %swap3A_1531 = tpu.vector_load %arg6[%swap3A_1528, %swap3A_1529, %swap3A_1530] {strides = array<i32>} : memref<2x2x128xi32, #tpu.memory_space<vmem>>, vector<16xi32>,
          tpu.vector_store %arg6[%swap3A_1528, %swap3A_1529, %swap3A_1530], %add3A_1525 {strides = array<i32>} : memref<2x2x128xi32, #tpu.memory_space<vmem>>, vector<16xi32>,
          %mul3A_1532 = arith.mulf %select_n3A_1491, %sub3A_1469 : vector<16xf32>
          %sub3A_1533 = arith.subf %select_n3A_1491, %mul3A_1532 : vector<16xf32>
          %mul3A_1534 = arith.mulf %select_n3A_1491, %sub3A_1469 : vector<16xf32>
          %mul3A_1535 = arith.mulf %sub3A_1533, %sub3A_1471 : vector<16xf32>
          %sub3A_1536 = arith.subf %sub3A_1533, %mul3A_1535 : vector<16xf32>
          %swap3A_1537 = arith.constant 352 : index
          %swap3A_1538 = tpu.vector_load %arg8[%swap3A_1537] {strides = array<i32>} : memref<640xf32, #tpu.memory_space<vmem>>, vector<16xf32>,
          tpu.vector_store %arg8[%swap3A_1537], %sub3A_1536 {strides = array<i32>} : memref<640xf32, #tpu.memory_space<vmem>>, vector<16xf32>,
          %mul3A_1539 = arith.mulf %sub3A_1533, %sub3A_1471 : vector<16xf32>
          %swap3A_1540 = arith.constant 432 : index
          %swap3A_1541 = tpu.vector_load %arg8[%swap3A_1540] {strides = array<i32>} : memref<640xf32, #tpu.memory_space<vmem>>, vector<16xf32>,
          tpu.vector_store %arg8[%swap3A_1540], %mul3A_1539 {strides = array<i32>} : memref<640xf32, #tpu.memory_space<vmem>>, vector<16xf32>,
          %mul3A_1542 = arith.mulf %mul3A_1534, %sub3A_1471 : vector<16xf32>
          %sub3A_1543 = arith.subf %mul3A_1534, %mul3A_1542 : vector<16xf32>
          %swap3A_1544 = arith.constant 512 : index
          %swap3A_1545 = tpu.vector_load %arg8[%swap3A_1544] {strides = array<i32>} : memref<640xf32, #tpu.memory_space<vmem>>, vector<16xf32>,
          tpu.vector_store %arg8[%swap3A_1544], %sub3A_1543 {strides = array<i32>} : memref<640xf32, #tpu.memory_space<vmem>>, vector<16xf32>,
          %mul3A_1546 = arith.mulf %mul3A_1534, %sub3A_1471 : vector<16xf32>
          %swap3A_1547 = arith.constant 592 : index
          %swap3A_1548 = tpu.vector_load %arg8[%swap3A_1547] {strides = array<i32>} : memref<640xf32, #tpu.memory_space<vmem>>, vector<16xf32>,
          tpu.vector_store %arg8[%swap3A_1547], %mul3A_1546 {strides = array<i32>} : memref<640xf32, #tpu.memory_space<vmem>>, vector<16xf32>,
          %add3A_1549 = arith.constant 48 : i32
          %add3A_1550 = vector.broadcast %add3A_1549 : i32 to vector<16xi32>
          %add3A_1551 = arith.addi %iota3A, %add3A_1550 : vector<16xi32>
          %shift_right_arithmetic3A_1552 = arith.constant 3 : i32
          %shift_right_arithmetic3A_1553 = vector.broadcast %shift_right_arithmetic3A_1552 : i32 to vector<16xi32>
          %shift_right_arithmetic3A_1554 = arith.shrsi %add3A_1551, %shift_right_arithmetic3A_1553 : vector<16xi32>
          %convert_element_type3A_1555 = arith.sitofp %shift_right_arithmetic3A_1554 : vector<16xi32> to vector<16xf32>
          %and3A_1556 = arith.constant 7 : i32
          %and3A_1557 = vector.broadcast %and3A_1556 : i32 to vector<16xi32>
          %and3A_1558 = arith.andi %add3A_1551, %and3A_1557 : vector<16xi32>
          %convert_element_type3A_1559 = arith.sitofp %and3A_1558 : vector<16xi32> to vector<16xf32>
          %mul3A_1560 = vector.broadcast %mul3A_1206 : f32 to vector<16xf32>
          %mul3A_1561 = arith.mulf %convert_element_type3A_1555, %mul3A_1560 : vector<16xf32>
          %add3A_1562 = vector.broadcast %mul3A_1178 : f32 to vector<16xf32>
          %add3A_1563 = arith.addf %add3A_1562, %mul3A_1561 : vector<16xf32>
          %mul3A_1564 = vector.broadcast %mul3A_1201 : f32 to vector<16xf32>
          %mul3A_1565 = arith.mulf %convert_element_type3A_1559, %mul3A_1564 : vector<16xf32>
          %add3A_1566 = vector.broadcast %mul3A_1169 : f32 to vector<16xf32>
          %add3A_1567 = arith.addf %add3A_1566, %mul3A_1565 : vector<16xf32>
          %convert_element_type3A_1568 = arith.fptosi %add3A_1563 : vector<16xf32> to vector<16xi32>
          %jit3A_1569 = arith.constant 0 : i32
          %jit3A_1570 = arith.constant 62 : i32
          %max3A_1571 = vector.broadcast %jit3A_1569 : i32 to vector<16xi32>
          %max3A_1572 = arith.maxsi %max3A_1571, %convert_element_type3A_1568 : vector<16xi32>
          %min3A_1573 = vector.broadcast %jit3A_1570 : i32 to vector<16xi32>
          %min3A_1574 = arith.minsi %min3A_1573, %max3A_1572 : vector<16xi32>
          %convert_element_type3A_1575 = arith.fptosi %add3A_1567 : vector<16xf32> to vector<16xi32>
          %jit3A_1576 = arith.constant 0 : i32
          %jit3A_1577 = arith.constant 62 : i32
          %max3A_1578 = vector.broadcast %jit3A_1576 : i32 to vector<16xi32>
          %max3A_1579 = arith.maxsi %max3A_1578, %convert_element_type3A_1575 : vector<16xi32>
          %min3A_1580 = vector.broadcast %jit3A_1577 : i32 to vector<16xi32>
          %min3A_1581 = arith.minsi %min3A_1580, %max3A_1579 : vector<16xi32>
          %convert_element_type3A_1582 = arith.sitofp %min3A_1574 : vector<16xi32> to vector<16xf32>
          %sub3A_1583 = arith.subf %add3A_1563, %convert_element_type3A_1582 : vector<16xf32>
          %convert_element_type3A_1584 = arith.sitofp %min3A_1581 : vector<16xi32> to vector<16xf32>
          %sub3A_1585 = arith.subf %add3A_1567, %convert_element_type3A_1584 : vector<16xf32>
          %ge3A_1586 = arith.constant 0.000000e+00 : f32
          %ge3A_1587 = vector.broadcast %ge3A_1586 : f32 to vector<16xf32>
          %ge3A_1588 = arith.cmpf oge, %add3A_1563, %ge3A_1587 : vector<16xf32>
          %lt3A_1589 = arith.constant 6.400000e+01 : f32
          %lt3A_1590 = vector.broadcast %lt3A_1589 : f32 to vector<16xf32>
          %lt3A_1591 = arith.cmpf olt, %add3A_1563, %lt3A_1590 : vector<16xf32>
          %and3A_1592 = arith.andi %ge3A_1588, %lt3A_1591 : vector<16xi1>
          %ge3A_1593 = arith.constant 0.000000e+00 : f32
          %ge3A_1594 = vector.broadcast %ge3A_1593 : f32 to vector<16xf32>
          %ge3A_1595 = arith.cmpf oge, %add3A_1567, %ge3A_1594 : vector<16xf32>
          %and3A_1596 = arith.andi %and3A_1592, %ge3A_1595 : vector<16xi1>
          %lt3A_1597 = arith.constant 6.400000e+01 : f32
          %lt3A_1598 = vector.broadcast %lt3A_1597 : f32 to vector<16xf32>
          %lt3A_1599 = arith.cmpf olt, %add3A_1567, %lt3A_1598 : vector<16xf32>
          %and3A_1600 = arith.andi %and3A_1596, %lt3A_1599 : vector<16xi1>
          %jit3A_1601 = arith.constant 2.500000e-01 : f32
          %jit3A_1602 = arith.constant 0.000000e+00 : f32
          %broadcast_in_dim3A_1603 = vector.broadcast %jit3A_1601 : f32 to vector<16xf32>
          %broadcast_in_dim3A_1604 = vector.broadcast %jit3A_1602 : f32 to vector<16xf32>
          %select_n3A_1605 = arith.select %and3A_1600, %broadcast_in_dim3A_1603, %broadcast_in_dim3A_1604 : vector<16xi1>, vector<16xf32>
          %mul3A_1606 = arith.constant 64 : i32
          %mul3A_1607 = vector.broadcast %mul3A_1606 : i32 to vector<16xi32>
          %mul3A_1608 = arith.muli %min3A_1574, %mul3A_1607 : vector<16xi32>
          %add3A_1609 = arith.addi %mul3A_1608, %min3A_1581 : vector<16xi32>
          %swap3A_1610 = arith.constant 1 : i32
          %swap3A_1611 = arith.constant 0 : i32
          %swap3A_1612 = arith.index_cast %swap3A_1610 : i32 to index
          %swap3A_1613 = arith.index_cast %swap3A_1611 : i32 to index
          %swap3A_1614 = arith.constant 48 : index
          %swap3A_1615 = tpu.vector_load %arg6[%swap3A_1612, %swap3A_1613, %swap3A_1614] {strides = array<i32>} : memref<2x2x128xi32, #tpu.memory_space<vmem>>, vector<16xi32>,
          tpu.vector_store %arg6[%swap3A_1612, %swap3A_1613, %swap3A_1614], %add3A_1609 {strides = array<i32>} : memref<2x2x128xi32, #tpu.memory_space<vmem>>, vector<16xi32>,
          %add3A_1616 = arith.constant 1 : i32
          %add3A_1617 = vector.broadcast %add3A_1616 : i32 to vector<16xi32>
          %add3A_1618 = arith.addi %add3A_1609, %add3A_1617 : vector<16xi32>
          %swap3A_1619 = arith.constant 1 : i32
          %swap3A_1620 = arith.constant 0 : i32
          %swap3A_1621 = arith.index_cast %swap3A_1619 : i32 to index
          %swap3A_1622 = arith.index_cast %swap3A_1620 : i32 to index
          %swap3A_1623 = arith.constant 112 : index
          %swap3A_1624 = tpu.vector_load %arg6[%swap3A_1621, %swap3A_1622, %swap3A_1623] {strides = array<i32>} : memref<2x2x128xi32, #tpu.memory_space<vmem>>, vector<16xi32>,
          tpu.vector_store %arg6[%swap3A_1621, %swap3A_1622, %swap3A_1623], %add3A_1618 {strides = array<i32>} : memref<2x2x128xi32, #tpu.memory_space<vmem>>, vector<16xi32>,
          %add3A_1625 = arith.constant 64 : i32
          %add3A_1626 = vector.broadcast %add3A_1625 : i32 to vector<16xi32>
          %add3A_1627 = arith.addi %add3A_1609, %add3A_1626 : vector<16xi32>
          %swap3A_1628 = arith.constant 1 : i32
          %swap3A_1629 = arith.constant 1 : i32
          %swap3A_1630 = arith.index_cast %swap3A_1628 : i32 to index
          %swap3A_1631 = arith.index_cast %swap3A_1629 : i32 to index
          %swap3A_1632 = arith.constant 48 : index
          %swap3A_1633 = tpu.vector_load %arg6[%swap3A_1630, %swap3A_1631, %swap3A_1632] {strides = array<i32>} : memref<2x2x128xi32, #tpu.memory_space<vmem>>, vector<16xi32>,
          tpu.vector_store %arg6[%swap3A_1630, %swap3A_1631, %swap3A_1632], %add3A_1627 {strides = array<i32>} : memref<2x2x128xi32, #tpu.memory_space<vmem>>, vector<16xi32>,
          %add3A_1634 = arith.constant 64 : i32
          %add3A_1635 = vector.broadcast %add3A_1634 : i32 to vector<16xi32>
          %add3A_1636 = arith.addi %add3A_1609, %add3A_1635 : vector<16xi32>
          %add3A_1637 = arith.constant 1 : i32
          %add3A_1638 = vector.broadcast %add3A_1637 : i32 to vector<16xi32>
          %add3A_1639 = arith.addi %add3A_1636, %add3A_1638 : vector<16xi32>
          %swap3A_1640 = arith.constant 1 : i32
          %swap3A_1641 = arith.constant 1 : i32
          %swap3A_1642 = arith.index_cast %swap3A_1640 : i32 to index
          %swap3A_1643 = arith.index_cast %swap3A_1641 : i32 to index
          %swap3A_1644 = arith.constant 112 : index
          %swap3A_1645 = tpu.vector_load %arg6[%swap3A_1642, %swap3A_1643, %swap3A_1644] {strides = array<i32>} : memref<2x2x128xi32, #tpu.memory_space<vmem>>, vector<16xi32>,
          tpu.vector_store %arg6[%swap3A_1642, %swap3A_1643, %swap3A_1644], %add3A_1639 {strides = array<i32>} : memref<2x2x128xi32, #tpu.memory_space<vmem>>, vector<16xi32>,
          %mul3A_1646 = arith.mulf %select_n3A_1605, %sub3A_1583 : vector<16xf32>
          %sub3A_1647 = arith.subf %select_n3A_1605, %mul3A_1646 : vector<16xf32>
          %mul3A_1648 = arith.mulf %select_n3A_1605, %sub3A_1583 : vector<16xf32>
          %mul3A_1649 = arith.mulf %sub3A_1647, %sub3A_1585 : vector<16xf32>
          %sub3A_1650 = arith.subf %sub3A_1647, %mul3A_1649 : vector<16xf32>
          %swap3A_1651 = arith.constant 368 : index
          %swap3A_1652 = tpu.vector_load %arg8[%swap3A_1651] {strides = array<i32>} : memref<640xf32, #tpu.memory_space<vmem>>, vector<16xf32>,
          tpu.vector_store %arg8[%swap3A_1651], %sub3A_1650 {strides = array<i32>} : memref<640xf32, #tpu.memory_space<vmem>>, vector<16xf32>,
          %mul3A_1653 = arith.mulf %sub3A_1647, %sub3A_1585 : vector<16xf32>
          %swap3A_1654 = arith.constant 448 : index
          %swap3A_1655 = tpu.vector_load %arg8[%swap3A_1654] {strides = array<i32>} : memref<640xf32, #tpu.memory_space<vmem>>, vector<16xf32>,
          tpu.vector_store %arg8[%swap3A_1654], %mul3A_1653 {strides = array<i32>} : memref<640xf32, #tpu.memory_space<vmem>>, vector<16xf32>,
          %mul3A_1656 = arith.mulf %mul3A_1648, %sub3A_1585 : vector<16xf32>
          %sub3A_1657 = arith.subf %mul3A_1648, %mul3A_1656 : vector<16xf32>
          %swap3A_1658 = arith.constant 528 : index
          %swap3A_1659 = tpu.vector_load %arg8[%swap3A_1658] {strides = array<i32>} : memref<640xf32, #tpu.memory_space<vmem>>, vector<16xf32>,
          tpu.vector_store %arg8[%swap3A_1658], %sub3A_1657 {strides = array<i32>} : memref<640xf32, #tpu.memory_space<vmem>>, vector<16xf32>,
          %mul3A_1660 = arith.mulf %mul3A_1648, %sub3A_1585 : vector<16xf32>
          %swap3A_1661 = arith.constant 608 : index
          %swap3A_1662 = tpu.vector_load %arg8[%swap3A_1661] {strides = array<i32>} : memref<640xf32, #tpu.memory_space<vmem>>, vector<16xf32>,
          tpu.vector_store %arg8[%swap3A_1661], %mul3A_1660 {strides = array<i32>} : memref<640xf32, #tpu.memory_space<vmem>>, vector<16xf32>,
          %dma_start3A_1663 = arith.constant 1 : i32
          %dma_start3A_1664 = arith.constant 0 : i32
          %dma_start3A_1665 = arith.constant 1 : i32
          %dma_start3A_1666 = arith.constant 1 : i32
          %dma_start3A_1667 = arith.constant 0 : i32
          %dma_start3A_1668 = arith.constant 0 : i32
          %dma_start3A_1669 = tpu.memref_slice %arg7[%dma_start3A_1665, %dma_start3A_1667, %dma_start3A_1668] : memref<2x256x128xf32, #tpu.memory_space<vmem>> -> memref<1x128x128xf32, #tpu.memory_space<vmem>>
          %dma_start3A_1670 = tpu.memref_squeeze %dma_start3A_1669 : memref<1x128x128xf32, #tpu.memory_space<vmem>> -> memref<128x128xf32, #tpu.memory_space<vmem>>
          %dma_start3A_1671 = arith.constant 0 : i32
          %dma_start3A_1672 = tpu.memref_slice %arg6[%dma_start3A_1663, %dma_start3A_1664, %dma_start3A_1671] : memref<2x2x128xi32, #tpu.memory_space<vmem>> -> memref<1x1x128xi32, #tpu.memory_space<vmem>>
          %dma_start3A_1673 = tpu.memref_squeeze %dma_start3A_1672 : memref<1x1x128xi32, #tpu.memory_space<vmem>> -> memref<128xi32, #tpu.memory_space<vmem>>
          %dma_start3A_1674 = arith.constant 0 : i32
          %dma_start3A_1675 = arith.constant 0 : i32
          %dma_start3A_1676 = tpu.memref_slice %arg2[%dma_start3A_1674, %dma_start3A_1675] : memref<4096x128xf32, #tpu.memory_space<hbm>> -> memref<4096x128xf32, #tpu.memory_space<hbm>>
          %dma_start3A_1677 = tpu.memref_slice %arg12[%dma_start3A_1666] : memref<2x!tpu.dma_semaphore, #tpu.memory_space<semaphore_mem>> -> memref<1x!tpu.dma_semaphore, #tpu.memory_space<semaphore_mem>>
          %dma_start3A_1678 = tpu.memref_squeeze %dma_start3A_1677 : memref<1x!tpu.dma_semaphore, #tpu.memory_space<semaphore_mem>> -> memref<!tpu.dma_semaphore, #tpu.memory_space<semaphore_mem>>
          tpu.enqueue_indirect_dma source(%dma_start3A_1676 : memref<4096x128xf32, #tpu.memory_space<hbm>>) target(%dma_start3A_1670 : memref<128x128xf32, #tpu.memory_space<vmem>>) offsets(%dma_start3A_1673 : memref<128xi32, #tpu.memory_space<vmem>>) semaphore(%dma_start3A_1678 : memref<!tpu.dma_semaphore, #tpu.memory_space<semaphore_mem>>)
          %dma_start3A_1679 = arith.constant 1 : i32
          %dma_start3A_1680 = arith.constant 1 : i32
          %dma_start3A_1681 = arith.constant 1 : i32
          %dma_start3A_1682 = arith.constant 1 : i32
          %dma_start3A_1683 = arith.constant 128 : i32
          %dma_start3A_1684 = arith.constant 0 : i32
          %dma_start3A_1685 = tpu.memref_slice %arg7[%dma_start3A_1681, %dma_start3A_1683, %dma_start3A_1684] : memref<2x256x128xf32, #tpu.memory_space<vmem>> -> memref<1x128x128xf32, #tpu.memory_space<vmem>>
          %dma_start3A_1686 = tpu.memref_squeeze %dma_start3A_1685 : memref<1x128x128xf32, #tpu.memory_space<vmem>> -> memref<128x128xf32, #tpu.memory_space<vmem>>
          %dma_start3A_1687 = arith.constant 0 : i32
          %dma_start3A_1688 = tpu.memref_slice %arg6[%dma_start3A_1679, %dma_start3A_1680, %dma_start3A_1687] : memref<2x2x128xi32, #tpu.memory_space<vmem>> -> memref<1x1x128xi32, #tpu.memory_space<vmem>>
          %dma_start3A_1689 = tpu.memref_squeeze %dma_start3A_1688 : memref<1x1x128xi32, #tpu.memory_space<vmem>> -> memref<128xi32, #tpu.memory_space<vmem>>
          %dma_start3A_1690 = arith.constant 0 : i32
          %dma_start3A_1691 = arith.constant 0 : i32
          %dma_start3A_1692 = tpu.memref_slice %arg2[%dma_start3A_1690, %dma_start3A_1691] : memref<4096x128xf32, #tpu.memory_space<hbm>> -> memref<4096x128xf32, #tpu.memory_space<hbm>>
          %dma_start3A_1693 = tpu.memref_slice %arg12[%dma_start3A_1682] : memref<2x!tpu.dma_semaphore, #tpu.memory_space<semaphore_mem>> -> memref<1x!tpu.dma_semaphore, #tpu.memory_space<semaphore_mem>>
          %dma_start3A_1694 = tpu.memref_squeeze %dma_start3A_1693 : memref<1x!tpu.dma_semaphore, #tpu.memory_space<semaphore_mem>> -> memref<!tpu.dma_semaphore, #tpu.memory_space<semaphore_mem>>
          tpu.enqueue_indirect_dma source(%dma_start3A_1692 : memref<4096x128xf32, #tpu.memory_space<hbm>>) target(%dma_start3A_1686 : memref<128x128xf32, #tpu.memory_space<vmem>>) offsets(%dma_start3A_1689 : memref<128xi32, #tpu.memory_space<vmem>>) semaphore(%dma_start3A_1694 : memref<!tpu.dma_semaphore, #tpu.memory_space<semaphore_mem>>)
        } else {
        }
      } else {
      }
    }
    %scan3A_1098 = arith.constant 79 : i32
    %add3A_1099 = arith.constant 155 : i32
    %add3A_1100 = arith.addi %mul3A_2, %add3A_1099 : i32
    %add3A_1101 = arith.constant 156 : i32
    %add3A_1102 = arith.addi %mul3A_2, %add3A_1101 : i32
    return
  }
}

</mosaic_0001>

<sc_bundles>
// kernel: kernel.3.cloned.1.call-start
scs
__scs_entry_jumppad:
0x0: {  	(pc) =	sbr.rel $0x88, $3  }
0x1: {  	(tag) =	ssettag $0x0;
	lr =	simm.s32 $0x1  }
0x2: {  	[smem:$0x3F9F] =	sst lr;
	_ =	strace $0xD0000000  }
0x3: {  	_ = 	snop  }
0x4: {  	_ = 	snop  }
0x5: {  	_ = 	snop  }
0x6: {  	_ = 	snop  }
0x7: {  	_ = 	snop  }
__scs_overlays_trampoline_lowered:
0x8: {  	[smem:$0x3FAE] =	sst s0  }
0x9: {  	[smem:$0x3FAF] =	sst s1  }
0xa: {  	[smem:$0x3FB0] =	sst s2  }
0xb: {  	[smem:$0x3FB1] =	sst s3  }
0xc: {  	[smem:$0x3FB2] =	sst s4  }
0xd: {  	[smem:$0x3FB3] =	sst s5  }
0xe: {  	[smem:$0x3FB4] =	sst s6  }
0xf: {  	[smem:$0x3FB5] =	sst s7  }
0x10: {  	[smem:$0x3FB6] =	sst s8  }
0x11: {  	[smem:$0x3FB7] =	sst s9;
	s0 =	simm.s32 @!p0 $0x0  }
0x12: {  	s1 =	sld [smem:$0x3F9D];
	s0 =	simm.s32 @p0 $0x1  }
0x13: {  	[smem:$0x3FB8] =	sst s0;
	s0 =	simm.s32 @!p1 $0x0  }
0x14: {  	s2 =	sld [smem:$0x3F9C];
	s0 =	simm.s32 @p1 $0x1  }
0x15: {  	[smem:$0x3FB9] =	sst s0;
	s0 =	simm.s32 @!p2 $0x0  }
0x16: {  	s3 =	sld [smem:$0x3FDB];
	s0 =	simm.s32 @p2 $0x1  }
0x17: {  	s4 =	simm.s32 $0x1BF5;
	[smem:$0x3FBB] =	sst s0  }
0x18: {  	s0 =	sld [smem:$0x3F9E];
	_ =	swait.ge [sflag:s4], $0x0  }
0x19: {  	s7 =	sld [smem:$0x3F9F]  }
0x1a: {  	s8 =	sadd.s32 $0xFFFFE003, lr  }
0x1b: {  	s9 =	sadd.s32 $0xFFFFFEF7, lr;
	s5 =	simm.s32 $0xFFFFFFFF;
	p2 =	slt.u32 s8, $0xFFFFF086  }
0x1c: {  	p1 =	slt.u32 s9, $0xF7A;
	s5 =	simm.s32 @!p2 $0x0  }
0x1d: {  	s5 =	simm.s32 @p1 $0x1;
	p0 =	seq.s32 s7, s2  }
0x1e: {  	s7 =	smul.u32 @!p0 $0xF7A, s2;
	p2 =	seq.s32 @!p0 s5, $0x0  }
0x1f: {  	s9 =	smul.u32 $0xF7A, s1;
	s8 =	simm.s32 @!p0 $0x1BF5;
	p2 =	por !p2, p0  }
0x20: {  	[sflag:s8] =	ssyncset.s32 @!p0 $0xFFFFF086;
	s6 =	sadd.s32 @!p0 s3, s7;
	s7 =	simm.s32 @!p0 $0x108  }
0x21: {  	s3 =	sadd.s32 s3, s9;
	s6 =	sadd.s32 @!p0 $0x88, s6;
	s7 =	simm.s32 @p2 $0x1082  }
0x22: {  	[simem:s7], [sflag:s8] =	dma.local @!p0 [hbm:s6], $0xF7A  }
0x23: {  	s9 =	sor.u32 $0xD0000000, s2;
	s6 =	simm.s32 $0x108;
	_ =	swait.ge @!p0 [sflag:s8], $0x0  }
0x24: {  	s3 =	sadd.s32 $0x88, s3;
	s6 =	simm.s32 @!p1 $0x1082;
	[sflag:s4] =	ssyncset.s32 $0xFFFFF086  }
0x25: {  	[simem:s6], [sflag:s4] =	dma.local [hbm:s3], $0xF7A  }
0x26: {  	[smem:$0x3F9F] =	sst s1;
	(tag) =	ssettag s2;
	_ =	strace s9  }
0x27: {  	s1 =	sld [smem:$0x3FAF]  }
0x28: {  	s2 =	sld [smem:$0x3FB0]  }
0x29: {  	s4 =	sld [smem:$0x3FB2]  }
0x2a: {  	p0 =	seq.s32 s5, $0x0;
	s5 =	sld [smem:$0x3FB3]  }
0x2b: {  	s6 =	sld [smem:$0x3FB4]  }
0x2c: {  	s7 =	sld [smem:$0x3FB5]  }
0x2d: {  	s3 =	simm.s32 $0x108;
	s8 =	sld [smem:$0x3FB6]  }
0x2e: {  	s3 =	simm.s32 @!p0 $0x1082;
	s9 =	sld [smem:$0x3FB7]  }
0x2f: {  	lr =	sadd.s32 s0, s3;
	s0 =	sld [smem:$0x3FAE]  }
0x30: {  	s3 =	sld [smem:$0x3FB1]  }
0x31: {  	[smem:$0x3FBA] =	sst s10  }
0x32: {  	s10 =	sld [smem:$0x3FB8];
	_ =	sdelay $0x3  }
0x33: {  	p0 =	seq.s32 s10, $0x1;
	s10 =	sld [smem:$0x3FBA];
	_ =	sdelay $0x3  }
0x34: {  	[smem:$0x3FBA] =	sst s10  }
0x35: {  	s10 =	sld [smem:$0x3FB9];
	_ =	sdelay $0x3  }
0x36: {  	p1 =	seq.s32 s10, $0x1;
	s10 =	sld [smem:$0x3FBA];
	_ =	sdelay $0x3  }
0x37: {  	[smem:$0x3FBA] =	sst s10  }
0x38: {  	s10 =	sld [smem:$0x3FBB]  }
0x39: {  	_ = 	snop;
	(pc) =	sbr.ind lr, $3  }
0x3a: {  	_ = 	snop  }
0x3b: {  	_ = 	snop  }
0x3c: {  	p2 =	seq.s32 s10, $0x1;
	s10 =	sld [smem:$0x3FBA]  }
0x3d: {  	_ =	shalt  }
0x3e: {  	_ =	shalt  }
0x3f: {  	_ =	shalt  }
0x40: {  	_ =	shalt  }
0x41: {  	_ =	shalt  }
0x42: {  	_ =	shalt  }
0x43: {  	_ =	shalt  }
0x44: {  	_ =	shalt  }
0x45: {  	_ =	shalt  }
0x46: {  	_ =	shalt  }
0x47: {  	_ =	shalt  }
0x48: {  	_ =	shalt  }
0x49: {  	_ =	shalt  }
0x4a: {  	_ =	shalt  }
0x4b: {  	_ =	shalt  }
0x4c: {  	_ =	shalt  }
0x4d: {  	_ =	shalt  }
0x4e: {  	_ =	shalt  }
0x4f: {  	_ =	shalt  }
0x50: {  	_ =	shalt  }
0x51: {  	_ =	shalt  }
0x52: {  	_ =	shalt  }
0x53: {  	_ =	shalt  }
0x54: {  	_ =	shalt  }
0x55: {  	_ =	shalt  }
0x56: {  	_ =	shalt  }
0x57: {  	_ =	shalt  }
0x58: {  	_ =	shalt  }
0x59: {  	_ =	shalt  }
0x5a: {  	_ =	shalt  }
0x5b: {  	_ =	shalt  }
0x5c: {  	_ =	shalt  }
0x5d: {  	_ =	shalt  }
0x5e: {  	_ =	shalt  }
0x5f: {  	_ =	shalt  }
0x60: {  	_ =	shalt  }
0x61: {  	_ =	shalt  }
0x62: {  	_ =	shalt  }
0x63: {  	_ =	shalt  }
0x64: {  	_ =	shalt  }
0x65: {  	_ =	shalt  }
0x66: {  	_ =	shalt  }
0x67: {  	_ =	shalt  }
0x68: {  	_ =	shalt  }
0x69: {  	_ =	shalt  }
0x6a: {  	_ =	shalt  }
0x6b: {  	_ =	shalt  }
0x6c: {  	_ =	shalt  }
0x6d: {  	_ =	shalt  }
0x6e: {  	_ =	shalt  }
0x6f: {  	_ =	shalt  }
0x70: {  	_ =	shalt  }
0x71: {  	_ =	shalt  }
0x72: {  	_ =	shalt  }
0x73: {  	_ =	shalt  }
0x74: {  	_ =	shalt  }
0x75: {  	_ =	shalt  }
0x76: {  	_ =	shalt  }
0x77: {  	_ =	shalt  }
0x78: {  	_ =	shalt  }
0x79: {  	_ =	shalt  }
0x7a: {  	_ =	shalt  }
0x7b: {  	_ =	shalt  }
0x7c: {  	_ =	shalt  }
0x7d: {  	_ =	shalt  }
0x7e: {  	_ =	shalt  }
0x7f: {  	_ =	shalt  }
0x80: {  	_ =	shalt  }
0x81: {  	_ =	shalt  }
0x82: {  	_ =	shalt  }
0x83: {  	_ =	shalt  }
0x84: {  	_ =	shalt  }
0x85: {  	_ =	shalt  }
0x86: {  	_ =	shalt  }
0x87: {  	_ =	shalt  }
.Lfunc_end0:
.L_simem_size_0:
called_computation_lowered:
.L_overlay_start_0:
0x88: {  	s2 =	sld [smem:$0x3FD9]  }
0x89: {  	s3 =	sld [smem:$0x3FFE];
	_ =	sdelay $0x1  }
0x8a: {  	s1 =	srdreg.scid  }
0x8b: {  	s0 =	sand.u32 $0x1, s1  }
0x8c: {  	s17 =	sshll.u32 s0, $0xA;
	s2 =	sadd.s32 s3, s2  }
0x8d: {  	s2 =	sadd.s32 s2, s17  }
0x8e: {  	[smem:$0x3FC6] =	sst s2  }
0x8f: {  	_ = 	snop  }
0x90: {  	s2 =	sld [smem:$0x3FC9];
	(tm) =	ssettm $0x1  }
0x91: {  	s18 =	sld [smem:$0x3FFB];
	_ =	sdelay $0x3  }
0x92: {  	_ =	strace s18  }
0x93: {  	s3 =	sld [smem:$0x3FFC];
	_ =	sdelay $0x3  }
0x94: {  	_ =	strace s3  }
0x95: {  	s3 =	sld [smem:$0x3FFD];
	_ =	sdelay $0x3  }
0x96: {  	_ =	strace s3  }
0x97: {  	_ =	strace $0x8FFFFFFF  }
0x98: {  	s19 =	sld [smem:$0x3FDB];
	_ =	sdelay $0x1  }
0x99: {  	s4 =	simm.s32 $_scs_section_size  }
0x9a: {  	s5 =	simm.s32 $_size__tile_overlayer_lowered;
	s6 =	simm.s32 $_tile_overlayer_lowered  }
0x9b: {  	s22 =	simm.s32 $0x1BFF;
	s21 =	sshll.u32 s6, $0x1;
	s3 =	sadd.s32 s4, s19  }
0x9c: {  	s7 =	simm.s32 $0x0;
	s20 =	sshll.u32 s5, $0x1;
	s5 =	sadd.s32 s21, s3  }
0x9d: {  	[timem:s7], [sflag:s22] =	dma.local [hbm:s5], s20  }
0x9e: {  	_ =	swait.ge [sflag:s22], s20  }
0x9f: {  	s4 =	ssub.s32 $0x0, s20;
	[sflag:s22] =	ssyncset.done $0x0  }
0xa0: {  	[sflag:s22] =	ssyncadd.s32 s4;
	_ =	sdelay $0x1  }
0xa1: {  	s23 =	simm.s32 $0x1B8B  }
0xa2: {  	_ =	swait.ge [sflag:s23], $0x1  }
0xa3: {  	[sflag:s23] =	ssyncset.done $0x0  }
0xa4: {  	s25 =	simm.s32 $0x1B8E;
	s24 =	sld [smem:$0x3FFE];
	[sflag:s23] =	ssyncadd.s32 $0xFFFFFFFF  }
0xa5: {  	s26 =	simm.s32 $execute0_lowered;
	[smem:$0x3FD2] =	sst s25  }
0xa6: {  	s5 =	sshll.u32 s26, $0x1;
	_ =	strace $0x80000046;
	[dreg:$0x1] =	wrdreg $0xFFFFFFFF  }
0xa7: {  	s28 =	simm.s32 $_size_execute0_lowered;
	s3 =	sadd.s32 s3, s5;
	[dreg:$0x0] =	wrdreg $0x0  }
0xa8: {  	s5 =	sshll.u32 s28, $0x1;
	[dreg:$0x2] =	wrdreg s3  }
0xa9: {  	[dreg:$0x3] =	wrdreg s5  }
0xaa: {  	[dreg:$0x4] =	wrdreg $0xC0  }
0xab: {  	_ =	task [dreg:s7], $0x5FFFF  }
0xac: {  	[dreg:$0x1] =	wrdreg $0xFFFFFFFF  }
0xad: {  	[dreg:$0x0] =	wrdreg $0x60  }
0xae: {  	[dreg:$0x2] =	wrdreg s2  }
0xaf: {  	[dreg:$0x3] =	wrdreg s24  }
0xb0: {  	[dreg:$0x4] =	wrdreg $0x9  }
0xb1: {  	_ =	task.clear_ibuf [dreg:s7], $0x5FFFF;
	_ =	strace $0x90000046  }
0xb2: {  	s29 =	simm.s32 $0x9;
	_ =	strace $0x80000048  }
0xb3: {  	_ =	swait.ge [sflag:s29], $0x1  }
0xb4: {  	[sflag:s29] =	ssyncadd.s32 $0xFFFFFFFF  }
0xb5: {  	_ =	strace $0x90000048  }
0xb6: {  	_ =	sfence  }
0xb7: {  	s30 =	sld [smem:$0x0];
	_ =	sdelay $0x2  }
0xb8: {  	s31 =	sshll.u32 s1, $0xD;
	s1 =	sshrl.u32 s1, $0x2  }
0xb9: {  	s3 =	sand.u32 $0x4000, s31;
	s1 =	sadd.s32 s1, s30  }
0xba: {  	s0 =	sor.u32 s3, s0;
	s1 =	sshll.u32 s1, $0x11  }
0xbb: {  	s0 =	sor.u32 s1, s0  }
0xbc: {  	s0 =	sadd.s32 $0x8F2B, s0  }
0xbd: {  	[sflag:s0] =	ssyncadd.remote.s32 $0x1  }
0xbe: {  	_ =	sfence.sel $0xFFFF  }
0xbf: {  	[dreg:$0x0] =	wrdreg $0xFFFFFFFF;
	(pc) =	sbr.abs _section_cstart, $3  }
0xc0: {  	[dreg:$0x1] =	wrdreg $0xFFFFFFFF  }
0xc1: {  	_ =	task.clear_ibuf [dreg:s7], $0x2FFFF;
	_ =	strace $0x9FFFFFFF  }
0xc2: {  	(tm) =	ssettm $0x7FFFFFFF  }
0xc3: {  	_ =	shalt  }
tec
execute0_lowered:
.L_overlay_start_1:
0x0: {  	(tag) =	ssettag $0x1  }
0x1: {  	s0 =	rddreg [dreg:$0x0]  }
0x2: {  	vm0 =	vcmask $0x300;
	v5 =	vimm.f32 $7.000000000e+00;
	s8 =	rddreg [dreg:$0x1];
	s3 =	srdreg.scid  }
0x3: {  	vm15 =	vcmask $0x704;
	s1 =	stileid.u32;
	s12 =	simm.s32 $0xB8;
	s13 =	simm.s32 $0x170;
	v0 =	vsel vm0, $0x0, v5  }
0x4: {  	vm4 =	vcmask $0xB08;
	s14 =	simm.s32 $0x228;
	s15 =	simm.s32 $0x80;
	s16 =	simm.s32 $0x300;
	v0 =	vsel vm15, $0x3F800000, v0  }
0x5: {  	vm5 =	vcmask $0xF0C;
	s17 =	simm.s32 $0x500;
	s18 =	simm.s32 $0x380;
	s19 =	simm.s32 $0x4500;
	v0 =	vsel vm4, $0x40000000, v0  }
0x6: {  	vm6 =	vcmask $0x1310;
	s20 =	simm.s32 $0x400;
	s21 =	simm.s32 $0x8500;
	s22 =	simm.s32 $0x480;
	v0 =	vsel vm5, $0x40400000, v0  }
0x7: {  	vm7 =	vcmask $0x1714;
	s23 =	simm.s32 $0xC500;
	s24 =	simm.s32 $0x1;
	s25 =	simm.s32 $0x0;
	v0 =	vsel vm6, $0x40800000, v0  }
0x8: {  	vm8 =	vcmask $0x1B18;
	s4 =	sand.u32 $0x1, s3;
	s7 =	sshll.u32 s1, $0x1;
	s3 =	simm.s32 $0x0;
	v0 =	vsel vm7, $0x40A00000, v0  }
0x9: {  	vm9 =	vcmask $0x2320;
	vm10 =	vcmask $0x2724;
	s5 =	ssub.s32 $0x2, s4;
	s6 =	sor.u32 s4, s7;
	s11 =	smul.u32 $0x3, s4;
	v0 =	vsel vm8, $0x40C00000, v0  }
0xa: {  	vm11 =	vcmask $0x2B28;
	vm12 =	vcmask $0x2F2C;
	[smem:$0x7FF] =	sst s3;
	s9 =	sshrl.u32 s5, $0x1;
	s10 =	smul.u32 $0x9D, s6;
	v0 =	vsel vm9, $0x0, v0  }
0xb: {  	vm13 =	vcmask $0x3330;
	vm1 =	vcmask $0x1F00;
	_ =	strace $0x80000047;
	s9 =	ssub.s32 s5, s9;
	s11 =	ssub.s32 s7, s11;
	v0 =	vsel vm10, $0x3F800000, v0  }
.Ltmp0:
0xc: {  	vm14 =	vcmask $0x3734;
	v1 =	vimm.f32 $1.000000000e+00;
	s31 =	sshrl.u32 s10, $0x3;
	s6 =	sadd.s32 $0x13A8, s10;
	v0 =	vsel vm11, $0x40000000, v0;
	(pc) =	sbr.rel .LBB2_1-.Ltmp0, $4  }
0xd: {  	v3 =	vimm.f32 $3.000000000e+00;
	v4 =	vimm.f32 $5.000000000e+00;
	s4 =	sand.u32 $0x7, s10;
	s10 =	sadd.s32 $0x3AF8, s10;
	s11 =	sand.u32 $0x7, s11;
	v0 =	vsel vm12, $0x40400000, v0  }
0xe: {  	v3 =	vsel vm1, $0x40000000, v3;
	v4 =	vsel vm1, $0x40800000, v4;
	s9 =	smax.u32 s9, $0x1;
	s5 =	sadd.s32 s8, s31;
	s6 =	sshrl.u32 s6, $0x3;
	v0 =	vsel vm13, $0x40800000, v0  }
0xf: {  	v5 =	vsel vm1, $0x40C00000, v5;
	vm15 =	vcmask $0x3B38;
	s10 =	sshrl.u32 s10, $0x3;
	s6 =	sadd.s32 s8, s6;
	s7 =	sadd.s32 $0x4EA, s5;
	v2 =	vsel vm14, $0x40A00000, v0  }
0x10: {  	s8 =	sadd.s32 s8, s10;
	s10 =	sadd.s32 $0x172, s11;
	s11 =	simm.s32 $0x3;
	v0 =	vsel vm1, $0x0, v1;
	v1 =	vsel vm15, $0x40C00000, v2;
	v2 =	vimm.f32 $0.0e+00  }
.LBB2_5:
0x11: {  	s25 =	sadd.s32 $0x1, s25  }
0x12: {  	p0 =	sne.s32 s25, s9  }
.Ltmp1:
0x13: {  	_ = 	snop;
	(pc) =	sbr.rel @!p0 .LBB2_6-.Ltmp1, $1  }
0x14: {  	_ =	sdelay $0x3  }
.LBB2_1:
0x15: {  	[tilespmem:s3], [sflag:$0x3] =	stream.linear.gather [hbm4b:s5+s3], $0xA8, $0x38;
	[tilespmem:$0x10780] =	vst v63  }
0x16: {  	_ =	swait.ge [sflag:s11], $0xA8  }
0x17: {  	[sflag:s11] =	ssyncset.done $0x0  }
0x18: {  	[sflag:s11] =	ssyncadd.s32 $0xFFFFFF58  }
0x19: {  	[tilespmem:s12], [sflag:$0x3] =	stream.linear.gather [hbm4b:s6+s3], $0xA8, $0x38;
	[tilespmem:$0x10780] =	vst v63  }
0x1a: {  	_ =	swait.ge [sflag:s11], $0xA8  }
0x1b: {  	[sflag:s11] =	ssyncset.done $0x0  }
0x1c: {  	[sflag:s11] =	ssyncadd.s32 $0xFFFFFF58  }
0x1d: {  	[tilespmem:s13], [sflag:$0x3] =	stream.linear.gather [hbm4b:s7+s3], $0xA8, $0x38;
	[tilespmem:$0x10780] =	vst v63  }
0x1e: {  	_ =	swait.ge [sflag:s11], $0xA8  }
0x1f: {  	[sflag:s11] =	ssyncset.done $0x0  }
0x20: {  	[sflag:s11] =	ssyncadd.s32 $0xFFFFFF58  }
0x21: {  	[tilespmem:s14], [sflag:$0x3] =	stream.linear.gather [hbm4b:s8+s3], $0xA8, $0x38;
	[tilespmem:$0x10780] =	vst v63  }
0x22: {  	_ =	swait.ge [sflag:s11], $0xA8  }
0x23: {  	[sflag:s11] =	ssyncset.done $0x0  }
0x24: {  	[sflag:s11] =	ssyncadd.s32 $0xFFFFFF58  }
0x25: {  	v6 =	vld [tilespmem:s4+$0x0]  }
0x26: {  	v7 =	vld [tilespmem:s4+$0xB8]  }
0x27: {  	v8 =	vld [tilespmem:s4+$0x170]  }
0x28: {  	v9 =	vld [tilespmem:s4+$0x228];
	_ =	sdelay $0x1  }
0x29: {  	(v2sf) =	vpush v6, $0x0  }
0x2a: {  	(v2sf) =	vpush v7, $0x0  }
0x2b: {  	(v2sf) =	vpush v8, $0x0  }
0x2c: {  	(v2sf) =	vpush v9, $0x0;
	_ =	sdelay $0xb  }
0x2d: {  	s26 =	spop (v2sf)  }
0x2e: {  	s28 =	spop (v2sf);
	s29 =	smul.f32 $6.250000000e-02, s26  }
0x2f: {  	s30 =	spop (v2sf);
	s31 =	smul.f32 $6.250000000e-02, s28  }
0x30: {  	s28 =	spop (v2sf);
	s30 =	smul.f32 $6.250000000e-02, s30  }
0x31: {  	s28 =	smul.f32 $6.250000000e-02, s28  }
0x32: {  	s30 =	ssub.f32 s30, s29  }
0x33: {  	s28 =	ssub.f32 s28, s31  }
0x34: {  	s30 =	smax.f32 s30, $0.0e+00  }
0x35: {  	s28 =	smax.f32 s28, $0.0e+00;
	s30 =	smul.f32 $1.428571490e-01, s30  }
0x36: {  	s28 =	smul.f32 $1.428571490e-01, s28;
	_ =	sdelay $0x1  }
0x37: {  	v7 =	vmul.f32 s30, v1;
	v6 =	vmul.f32 s28, v0  }
0x38: {  	v10 =	vmul.f32 s28, v3;
	v14 =	vmul.f32 s28, v4  }
0x39: {  	v7 =	vadd.f32 s29, v7;
	v6 =	vadd.f32 s31, v6  }
0x3a: {  	v51 =	vmul.f32 s28, v5;
	v10 =	vadd.f32 s31, v10;
	v43 =	vadd.f32 s31, v14  }
0x3b: {  	v38 =	vtrunc.f32 v7;
	vm1 =	vge.f32 v7, $0.0e+00;
	vm13 =	vlt.f32 v7, $6.400000000e+01  }
0x3c: {  	v37 =	vtrunc.f32 v6;
	v9 =	vcvt.f32.s32 v38;
	vm12 =	vge.f32 v6, $0.0e+00  }
0x3d: {  	vm2 =	vlt.f32 v6, $6.400000000e+01;
	v12 =	vtrunc.f32 v10;
	vm15 =	vge.f32 v10, $0.0e+00  }
0x3e: {  	vm3 =	vlt.f32 v10, $6.400000000e+01;
	v45 =	vtrunc.f32 v43;
	v8 =	vcvt.f32.s32 v37  }
0x3f: {  	vm7 =	vge.f32 v43, $0.0e+00;
	v12 =	vcvt.f32.s32 v12;
	vm11 =	vgt.s32 v9, $0x0  }
0x40: {  	vm8 =	vlt.f32 v43, $6.400000000e+01;
	vm0 =	vgt.s32 v8, $0x0;
	v9 =	vnsel vm11, $0x0, v9  }
0x41: {  	vm14 =	vgt.s32 v12, $0x0;
	v8 =	vnsel vm0, $0x0, v8;
	vm0 =	vmand vm12, vm1  }
0x42: {  	v9 =	vmin.u32 v9, $0x3E;
	v12 =	vnsel vm14, $0x0, v12;
	v8 =	vmin.u32 v8, $0x3E  }
0x43: {  	vm2 =	vmand vm0, vm2;
	v39 =	vcvt.s32.f32 v9;
	v40 =	vmin.u32 v12, $0x3E  }
0x44: {  	v11 =	vcvt.s32.f32 v8;
	vm2 =	vmand vm13, vm2;
	v8 =	vshll.u32 v8, $0x6  }
0x45: {  	v42 =	vcvt.s32.f32 v40;
	v13 =	vsel vm2, $0x3E800000, v2;
	v8 =	vor.u32 v9, v8  }
0x46: {  	v7 =	vsub.f32 v7, v39;
	vm2 =	vmand vm15, vm1;
	v15 =	vadd.s32 $0x1, v8;
	[tilespmem:$0x300] =	vst v8  }
0x47: {  	v6 =	vsub.f32 v6, v11;
	vm2 =	vmand vm2, vm3;
	v44 =	vadd.s32 $0x40, v8;
	[tilespmem:$0x340] =	vst v15  }
0x48: {  	v10 =	vsub.f32 v10, v42;
	v8 =	vadd.s32 $0x41, v8;
	v11 =	vshll.u32 v40, $0x6;
	[tilespmem:$0x380] =	vst v44  }
0x49: {  	vm2 =	vmand vm13, vm2;
	[tilespmem:$0x3C0] =	vst v8;
	v47 =	vor.u32 v9, v11;
	v6 =	vmul.f32 v6, v13  }
0x4a: {  	v15 =	vcvt.f32.s32 v45;
	v17 =	vsel vm2, $0x3E800000, v2;
	v49 =	vadd.s32 $0x1, v47;
	[tilespmem:$0x310] =	vst v47  }
0x4b: {  	v50 =	vadd.s32 $0x40, v47;
	vm2 =	vmand vm7, vm1;
	[tilespmem:$0x350] =	vst v49;
	v46 =	vmul.f32 v6, v7  }
0x4c: {  	v8 =	vadd.s32 $0x41, v47;
	v10 =	vmul.f32 v10, v17;
	vm6 =	vgt.s32 v15, $0x0;
	[tilespmem:$0x390] =	vst v50  }
0x4d: {  	vm2 =	vmand vm2, vm8;
	[tilespmem:$0x3D0] =	vst v8;
	v41 =	vsub.f32 v13, v6;
	v6 =	vsub.f32 v6, v46  }
0x4e: {  	v15 =	vnsel vm6, $0x0, v15;
	v48 =	vsub.f32 v17, v10;
	v54 =	vmul.f32 v10, v7;
	[tilespmem:$0x105F0] =	vst v46  }
0x4f: {  	v16 =	vmul.f32 v41, v7;
	[tilespmem:$0x105A0] =	vst v6;
	v6 =	vmin.u32 v15, $0x3E;
	v15 =	vadd.f32 s31, v51  }
0x50: {  	vm2 =	vmand vm13, vm2;
	v17 =	vmul.f32 v48, v7;
	[tilespmem:$0x10600] =	vst v54  }
0x51: {  	v10 =	vsub.f32 v10, v54;
	[tilespmem:$0x10550] =	vst v16;
	v52 =	vcvt.s32.f32 v6;
	v56 =	vtrunc.f32 v15  }
0x52: {  	v55 =	vsel vm2, $0x3E800000, v2;
	v12 =	vsub.f32 v41, v16;
	[tilespmem:$0x10560] =	vst v17;
	v58 =	vcvt.f32.s32 v56  }
0x53: {  	v11 =	vsub.f32 v48, v17;
	v6 =	vshll.u32 v6, $0x6;
	[tilespmem:$0x105B0] =	vst v10;
	v53 =	vsub.f32 v43, v52  }
0x54: {  	[tilespmem:$0x10500] =	vst v12;
	v6 =	vor.u32 v9, v6;
	vm10 =	vge.f32 v15, $0.0e+00;
	vm9 =	vgt.s32 v58, $0x0  }
0x55: {  	vm11 =	vlt.f32 v15, $6.400000000e+01;
	[tilespmem:$0x10510] =	vst v11;
	v57 =	vmul.f32 v53, v55;
	v12 =	vnsel vm9, $0x0, v58  }
0x56: {  	v60 =	vadd.s32 $0x1, v6;
	v61 =	vadd.s32 $0x40, v6;
	[tilespmem:$0x320] =	vst v6;
	v12 =	vmin.u32 v12, $0x3E  }
0x57: {  	vm1 =	vmand vm10, vm1;
	[tilespmem:$0x360] =	vst v60;
	v59 =	vsub.f32 v55, v57;
	v63 =	vcvt.s32.f32 v12  }
0x58: {  	v6 =	vadd.s32 $0x41, v6;
	vm1 =	vmand vm1, vm11;
	[tilespmem:$0x3A0] =	vst v61;
	v21 =	vmul.f32 v57, v7  }
0x59: {  	[tilespmem:$0x3E0] =	vst v6;
	vm0 =	vmand vm13, vm1;
	v62 =	vmul.f32 v59, v7;
	v22 =	vsub.f32 v15, v63  }
0x5a: {  	v6 =	vsel vm0, $0x3E800000, v2;
	v8 =	vsub.f32 v57, v21;
	[tilespmem:$0x10610] =	vst v21  }
0x5b: {  	v24 =	vshll.u32 v12, $0x6;
	[tilespmem:$0x10570] =	vst v62;
	v23 =	vmul.f32 v22, v6  }
0x5c: {  	v20 =	vsub.f32 v59, v62;
	[tilespmem:$0x105C0] =	vst v8;
	v8 =	vor.u32 v9, v24  }
0x5d: {  	[tilespmem:$0x330] =	vst v8;
	v6 =	vsub.f32 v6, v23  }
0x5e: {  	v9 =	vadd.s32 $0x1, v8;
	[tilespmem:$0x10520] =	vst v20  }
0x5f: {  	v26 =	vadd.s32 $0x40, v8;
	[tilespmem:$0x370] =	vst v9;
	v25 =	vmul.f32 v6, v7  }
0x60: {  	v8 =	vadd.s32 $0x41, v8;
	[tilespmem:$0x3B0] =	vst v26  }
0x61: {  	[tilespmem:$0x3F0] =	vst v8;
	v7 =	vmul.f32 v23, v7;
	v6 =	vsub.f32 v6, v25  }
0x62: {  	[tilespmem:$0x10580] =	vst v25  }
0x63: {  	[tilespmem:$0x10530] =	vst v6;
	v6 =	vsub.f32 v23, v7  }
0x64: {  	[tilespmem:$0x10620] =	vst v7  }
0x65: {  	[tilespmem:$0x105D0] =	vst v6  }
0x66: {  	[tilespmem:s17], [sflag:$0x1] =	stream.indirect.gather [hbm4b:s0+s15], $0x80, s16, s15, $0xb8;
	[tilespmem:$0x10780] =	vst v63  }
0x67: {  	_ = 	snop  }
0x68: {  	[tilespmem:s19], [sflag:$0x1] =	stream.indirect.gather [hbm4b:s0+s15], $0x80, s18, s15, $0xb8;
	[tilespmem:$0x10780] =	vst v63  }
0x69: {  	v6 =	vld [tilespmem:s4+$0x1]  }
0x6a: {  	v7 =	vld [tilespmem:s4+$0xB9]  }
0x6b: {  	v8 =	vld [tilespmem:s4+$0x171]  }
0x6c: {  	v9 =	vld [tilespmem:s4+$0x229];
	_ =	sdelay $0x1  }
0x6d: {  	(v2sf) =	vpush v6, $0x0  }
0x6e: {  	(v2sf) =	vpush v7, $0x0  }
0x6f: {  	(v2sf) =	vpush v8, $0x0  }
0x70: {  	(v2sf) =	vpush v9, $0x0;
	_ =	sdelay $0xb  }
0x71: {  	s1 =	spop (v2sf)  }
0x72: {  	s28 =	spop (v2sf);
	s26 =	smul.f32 $6.250000000e-02, s1  }
0x73: {  	s2 =	spop (v2sf);
	s31 =	smul.f32 $6.250000000e-02, s28  }
0x74: {  	s28 =	spop (v2sf);
	s29 =	smul.f32 $6.250000000e-02, s2  }
0x75: {  	s28 =	smul.f32 $6.250000000e-02, s28  }
0x76: {  	s29 =	ssub.f32 s29, s26  }
0x77: {  	s28 =	ssub.f32 s28, s31  }
0x78: {  	s29 =	smax.f32 s29, $0.0e+00  }
0x79: {  	s28 =	smax.f32 s28, $0.0e+00;
	s29 =	smul.f32 $1.428571490e-01, s29  }
0x7a: {  	s28 =	smul.f32 $1.428571490e-01, s28  }
0x7b: {  	v7 =	vmul.f32 s29, v1  }
0x7c: {  	v6 =	vmul.f32 s28, v0;
	v29 =	vmul.f32 s28, v3  }
0x7d: {  	v35 =	vmul.f32 s28, v4;
	v44 =	vmul.f32 s28, v5;
	v7 =	vadd.f32 s26, v7  }
0x7e: {  	v6 =	vadd.f32 s31, v6;
	v10 =	vadd.f32 s31, v29  }
0x7f: {  	v13 =	vadd.f32 s31, v35;
	v48 =	vadd.f32 s31, v44;
	v28 =	vtrunc.f32 v7  }
0x80: {  	vm15 =	vge.f32 v7, $0.0e+00;
	vm6 =	vlt.f32 v7, $6.400000000e+01;
	v27 =	vtrunc.f32 v6  }
0x81: {  	v9 =	vcvt.f32.s32 v28;
	vm14 =	vge.f32 v6, $0.0e+00;
	vm5 =	vlt.f32 v6, $6.400000000e+01  }
0x82: {  	v32 =	vtrunc.f32 v10;
	vm8 =	vge.f32 v10, $0.0e+00;
	vm9 =	vlt.f32 v10, $6.400000000e+01  }
0x83: {  	v39 =	vtrunc.f32 v13;
	vm11 =	vge.f32 v13, $0.0e+00;
	v8 =	vcvt.f32.s32 v27  }
0x84: {  	vm0 =	vmand vm14, vm15;
	v33 =	vcvt.f32.s32 v32;
	v17 =	vcvt.f32.s32 v39  }
0x85: {  	vm13 =	vgt.s32 v9, $0x0;
	vm2 =	vmand vm0, vm5;
	vm12 =	vgt.s32 v8, $0x0  }
0x86: {  	v9 =	vnsel vm13, $0x0, v9;
	vm2 =	vmand vm6, vm2;
	vm7 =	vgt.s32 v33, $0x0  }
0x87: {  	vm10 =	vgt.s32 v17, $0x0;
	v8 =	vnsel vm12, $0x0, v8;
	v9 =	vmin.u32 v9, $0x3E  }
0x88: {  	v34 =	vsel vm2, $0x3E800000, v2;
	v11 =	vnsel vm7, $0x0, v33;
	vm2 =	vmand vm8, vm15  }
0x89: {  	v43 =	vnsel vm10, $0x0, v17;
	vm12 =	vlt.f32 v13, $6.400000000e+01;
	v8 =	vmin.u32 v8, $0x3E  }
0x8a: {  	v31 =	vcvt.s32.f32 v9;
	v11 =	vmin.u32 v11, $0x3E;
	vm2 =	vmand vm2, vm9  }
0x8b: {  	v15 =	vmin.u32 v43, $0x3E;
	v30 =	vcvt.s32.f32 v8;
	v8 =	vshll.u32 v8, $0x6  }
0x8c: {  	v38 =	vcvt.s32.f32 v11;
	vm2 =	vmand vm6, vm2;
	v11 =	vshll.u32 v11, $0x6  }
0x8d: {  	v46 =	vcvt.s32.f32 v15;
	v7 =	vsub.f32 v7, v31;
	v8 =	vor.u32 v9, v8  }
0x8e: {  	v42 =	vsel vm2, $0x3E800000, v2;
	v47 =	vor.u32 v9, v11;
	vm2 =	vmand vm11, vm15  }
0x8f: {  	v6 =	vsub.f32 v6, v30;
	v36 =	vadd.s32 $0x1, v8;
	[tilespmem:$0x400] =	vst v8;
	vm2 =	vmand vm2, vm12  }
0x90: {  	v37 =	vadd.s32 $0x40, v8;
	v16 =	vsub.f32 v13, v46;
	[tilespmem:$0x410] =	vst v47;
	vm2 =	vmand vm6, vm2  }
0x91: {  	v10 =	vsub.f32 v10, v38;
	[tilespmem:$0x440] =	vst v36;
	v6 =	vmul.f32 v6, v34;
	v52 =	vsel vm2, $0x3E800000, v2  }
0x92: {  	v18 =	vadd.s32 $0x41, v8;
	v8 =	vadd.s32 $0x41, v47;
	[tilespmem:$0x480] =	vst v37;
	v54 =	vmul.f32 v16, v52  }
0x93: {  	[tilespmem:$0x4C0] =	vst v18;
	v10 =	vmul.f32 v10, v42;
	v12 =	vsub.f32 v34, v6;
	v41 =	vmul.f32 v6, v7  }
0x94: {  	[tilespmem:$0x4D0] =	vst v8;
	v58 =	vmul.f32 v54, v7  }
0x95: {  	v50 =	vtrunc.f32 v48;
	v45 =	vsub.f32 v42, v10;
	v40 =	vmul.f32 v12, v7;
	[tilespmem:$0x10730] =	vst v41  }
0x96: {  	v13 =	vcvt.f32.s32 v50;
	v6 =	vsub.f32 v6, v41;
	[tilespmem:$0x10750] =	vst v58  }
0x97: {  	v49 =	vmul.f32 v45, v7;
	[tilespmem:$0x10690] =	vst v40  }
0x98: {  	vm13 =	vgt.s32 v13, $0x0;
	[tilespmem:$0x106E0] =	vst v6  }
0x99: {  	v51 =	vnsel vm13, $0x0, v13;
	v60 =	vsub.f32 v54, v58;
	v6 =	vadd.s32 $0x1, v47;
	[tilespmem:$0x106A0] =	vst v49  }
0x9a: {  	vm14 =	vge.f32 v48, $0.0e+00;
	v8 =	vmin.u32 v51, $0x3E;
	v12 =	vsub.f32 v12, v40;
	[tilespmem:$0x450] =	vst v6  }
0x9b: {  	vm1 =	vmand vm14, vm15;
	vm15 =	vlt.f32 v48, $6.400000000e+01;
	v56 =	vcvt.s32.f32 v8;
	[tilespmem:$0x10700] =	vst v60  }
0x9c: {  	vm1 =	vmand vm1, vm15;
	v6 =	vadd.s32 $0x40, v47;
	[tilespmem:$0x10640] =	vst v12;
	v12 =	vsub.f32 v45, v49  }
0x9d: {  	vm0 =	vmand vm6, vm1;
	v13 =	vsub.f32 v48, v56;
	[tilespmem:$0x490] =	vst v6;
	v6 =	vmul.f32 v10, v7  }
0x9e: {  	v53 =	vshll.u32 v15, $0x6;
	v59 =	vsel vm0, $0x3E800000, v2;
	[tilespmem:$0x10650] =	vst v12  }
0x9f: {  	v13 =	vmul.f32 v13, v59;
	v10 =	vsub.f32 v10, v6;
	v12 =	vor.u32 v9, v53;
	[tilespmem:$0x10740] =	vst v6  }
0xa0: {  	[tilespmem:$0x420] =	vst v12  }
0xa1: {  	v61 =	vsub.f32 v59, v13;
	v6 =	vadd.s32 $0x1, v12;
	[tilespmem:$0x106F0] =	vst v10  }
0xa2: {  	v55 =	vsub.f32 v52, v54;
	v57 =	vadd.s32 $0x40, v12;
	[tilespmem:$0x460] =	vst v6  }
0xa3: {  	v12 =	vadd.s32 $0x41, v12;
	v62 =	vmul.f32 v61, v7;
	[tilespmem:$0x4A0] =	vst v57  }
0xa4: {  	v6 =	vmul.f32 v55, v7;
	[tilespmem:$0x4E0] =	vst v12  }
0xa5: {  	v7 =	vmul.f32 v13, v7;
	[tilespmem:$0x106C0] =	vst v62  }
0xa6: {  	v10 =	vsub.f32 v55, v6;
	[tilespmem:$0x106B0] =	vst v6  }
0xa7: {  	v6 =	vshll.u32 v8, $0x6;
	[tilespmem:$0x10760] =	vst v7  }
0xa8: {  	v8 =	vsub.f32 v61, v62;
	v6 =	vor.u32 v9, v6;
	[tilespmem:$0x10660] =	vst v10  }
0xa9: {  	[tilespmem:$0x430] =	vst v6  }
0xaa: {  	v9 =	vadd.s32 $0x1, v6;
	[tilespmem:$0x10670] =	vst v8  }
0xab: {  	v63 =	vadd.s32 $0x40, v6;
	v6 =	vadd.s32 $0x41, v6;
	[tilespmem:$0x470] =	vst v9  }
0xac: {  	[tilespmem:$0x4F0] =	vst v6;
	v6 =	vsub.f32 v13, v7  }
0xad: {  	[tilespmem:$0x4B0] =	vst v63  }
0xae: {  	[tilespmem:$0x10710] =	vst v6  }
0xaf: {  	[tilespmem:s21], [sflag:$0x2] =	stream.indirect.gather [hbm4b:s0+s15], $0x80, s20, s15, $0xb8;
	[tilespmem:$0x10780] =	vst v63  }
0xb0: {  	_ = 	snop  }
0xb1: {  	[tilespmem:s23], [sflag:$0x2] =	stream.indirect.gather [hbm4b:s0+s15], $0x80, s22, s15, $0xb8;
	[tilespmem:$0x10780] =	vst v63  }
0xb2: {  	_ =	swait.ge [sflag:s24], $0x4000  }
.Ltmp2:
0xb3: {  	[sflag:s24] =	ssyncset.done $0x0;
	(pc) =	sbr.rel .LBB2_2-.Ltmp2, $4  }
0xb4: {  	[sflag:s24] =	ssyncadd.s32 $0xFFFFC000  }
0xb5: {  	_ =	swait.ge [sflag:s24], $0x4000  }
0xb6: {  	[sflag:s24] =	ssyncset.done $0x0  }
0xb7: {  	s28 =	simm.s32 $0x1;
	s26 =	smov.u32 s10;
	[sflag:s24] =	ssyncadd.s32 $0xFFFFC000  }
.LBB2_4:
0xb8: {  	s28 =	sadd.s32 $0x2, s28  }
0xb9: {  	_ =	swait.ge [sflag:s24], $0x4000;
	p0 =	sne.s32 s28, $0x9D  }
.Ltmp3:
0xba: {  	[sflag:s24] =	ssyncset.done $0x0;
	(pc) =	sbr.rel @!p0 .LBB2_5-.Ltmp3, $4  }
0xbb: {  	[sflag:s24] =	ssyncadd.s32 $0xFFFFC000  }
0xbc: {  	_ =	swait.ge [sflag:s24], $0x4000  }
0xbd: {  	[sflag:s24] =	ssyncset.done $0x0  }
0xbe: {  	s26 =	sadd.s32 $0x2, s26;
	[sflag:s24] =	ssyncadd.s32 $0xFFFFC000  }
.LBB2_2:
0xbf: {  	v6 =	vld [tilespmem:s26+$0xFFFFFE90]  }
0xc0: {  	v7 =	vld [tilespmem:s26+$0xFFFFFF48]  }
0xc1: {  	v8 =	vld [tilespmem:s26+$0x0]  }
0xc2: {  	v9 =	vld [tilespmem:s26+$0xB8];
	_ =	sdelay $0x1  }
0xc3: {  	(v2sf) =	vpush v6, $0x0  }
0xc4: {  	(v2sf) =	vpush v7, $0x0  }
0xc5: {  	(v2sf) =	vpush v8, $0x0  }
0xc6: {  	(v2sf) =	vpush v9, $0x0;
	_ =	sdelay $0xb  }
0xc7: {  	s29 =	spop (v2sf)  }
0xc8: {  	s30 =	spop (v2sf);
	s2 =	smul.f32 $6.250000000e-02, s29  }
0xc9: {  	s31 =	spop (v2sf);
	s29 =	smul.f32 $6.250000000e-02, s30  }
0xca: {  	s1 =	spop (v2sf);
	s31 =	smul.f32 $6.250000000e-02, s31  }
0xcb: {  	s30 =	smul.f32 $6.250000000e-02, s1  }
0xcc: {  	s31 =	ssub.f32 s31, s2  }
0xcd: {  	s30 =	ssub.f32 s30, s29  }
0xce: {  	s31 =	smax.f32 s31, $0.0e+00  }
0xcf: {  	s30 =	smax.f32 s30, $0.0e+00;
	s31 =	smul.f32 $1.428571490e-01, s31  }
0xd0: {  	s30 =	smul.f32 $1.428571490e-01, s30  }
0xd1: {  	v7 =	vmul.f32 s31, v1  }
0xd2: {  	v6 =	vmul.f32 s30, v0;
	v10 =	vmul.f32 s30, v3  }
0xd3: {  	v44 =	vmul.f32 s30, v5;
	v7 =	vadd.f32 s2, v7  }
0xd4: {  	v39 =	vmul.f32 s30, v4;
	v6 =	vadd.f32 s29, v6;
	v10 =	vadd.f32 s29, v10  }
0xd5: {  	v48 =	vadd.f32 s29, v44;
	v36 =	vtrunc.f32 v7;
	vm1 =	vge.f32 v7, $0.0e+00  }
0xd6: {  	vm7 =	vlt.f32 v7, $6.400000000e+01;
	v35 =	vtrunc.f32 v6;
	v9 =	vcvt.f32.s32 v36  }
0xd7: {  	vm6 =	vge.f32 v6, $0.0e+00;
	vm2 =	vlt.f32 v6, $6.400000000e+01;
	v13 =	vtrunc.f32 v10  }
0xd8: {  	vm9 =	vge.f32 v10, $0.0e+00;
	vm3 =	vlt.f32 v10, $6.400000000e+01;
	v8 =	vcvt.f32.s32 v35  }
0xd9: {  	v37 =	vcvt.f32.s32 v13;
	v13 =	vadd.f32 s29, v39;
	vm5 =	vgt.s32 v9, $0x0  }
0xda: {  	v50 =	vtrunc.f32 v48;
	vm0 =	vgt.s32 v8, $0x0;
	v9 =	vnsel vm5, $0x0, v9  }
0xdb: {  	vm8 =	vgt.s32 v37, $0x0;
	v17 =	vtrunc.f32 v13;
	vm11 =	vge.f32 v13, $0.0e+00  }
0xdc: {  	vm12 =	vlt.f32 v13, $6.400000000e+01;
	v8 =	vnsel vm0, $0x0, v8;
	v9 =	vmin.u32 v9, $0x3E  }
0xdd: {  	vm0 =	vmand vm6, vm1;
	v17 =	vcvt.f32.s32 v17;
	v8 =	vmin.u32 v8, $0x3E  }
0xde: {  	v12 =	vcvt.s32.f32 v9;
	vm2 =	vmand vm0, vm2;
	v11 =	vcvt.s32.f32 v8  }
0xdf: {  	vm2 =	vmand vm7, vm2;
	v8 =	vshll.u32 v8, $0x6;
	vm10 =	vgt.s32 v17, $0x0  }
0xe0: {  	v7 =	vsub.f32 v7, v12;
	v38 =	vsel vm2, $0x3E800000, v2;
	v8 =	vor.u32 v9, v8  }
0xe1: {  	vm2 =	vmand vm9, vm1;
	v43 =	vnsel vm10, $0x0, v17;
	v6 =	vsub.f32 v6, v11  }
0xe2: {  	v14 =	vadd.s32 $0x1, v8;
	v11 =	vnsel vm8, $0x0, v37;
	v15 =	vadd.s32 $0x40, v8  }
0xe3: {  	vm2 =	vmand vm2, vm3;
	v18 =	vadd.s32 $0x41, v8;
	[tilespmem:$0x300] =	vst v8;
	v11 =	vmin.u32 v11, $0x3E  }
0xe4: {  	vm2 =	vmand vm7, vm2;
	[tilespmem:$0x380] =	vst v15;
	v15 =	vmin.u32 v43, $0x3E;
	v6 =	vmul.f32 v6, v38  }
0xe5: {  	[tilespmem:$0x340] =	vst v14;
	v16 =	vcvt.s32.f32 v11;
	v42 =	vsel vm2, $0x3E800000, v2;
	v11 =	vshll.u32 v11, $0x6  }
0xe6: {  	[tilespmem:$0x3C0] =	vst v18;
	v46 =	vcvt.s32.f32 v15;
	v47 =	vor.u32 v9, v11;
	v12 =	vsub.f32 v38, v6  }
0xe7: {  	vm2 =	vmand vm11, vm1;
	v41 =	vmul.f32 v6, v7;
	[tilespmem:$0x310] =	vst v47;
	v8 =	vadd.s32 $0x41, v47  }
0xe8: {  	vm2 =	vmand vm2, vm12;
	v10 =	vsub.f32 v10, v16;
	[tilespmem:$0x3D0] =	vst v8;
	v40 =	vmul.f32 v12, v7  }
0xe9: {  	v16 =	vsub.f32 v13, v46;
	vm2 =	vmand vm7, vm2;
	v6 =	vsub.f32 v6, v41;
	[tilespmem:$0x105F0] =	vst v41  }
0xea: {  	v13 =	vcvt.f32.s32 v50;
	v52 =	vsel vm2, $0x3E800000, v2;
	v10 =	vmul.f32 v10, v42;
	[tilespmem:$0x10550] =	vst v40  }
0xeb: {  	v54 =	vmul.f32 v16, v52;
	v12 =	vsub.f32 v12, v40;
	[tilespmem:$0x105A0] =	vst v6;
	v6 =	vadd.s32 $0x1, v47  }
0xec: {  	v45 =	vsub.f32 v42, v10;
	[tilespmem:$0x350] =	vst v6  }
0xed: {  	vm13 =	vgt.s32 v13, $0x0;
	v58 =	vmul.f32 v54, v7;
	v6 =	vadd.s32 $0x40, v47;
	[tilespmem:$0x10500] =	vst v12  }
0xee: {  	vm14 =	vge.f32 v48, $0.0e+00;
	v51 =	vnsel vm13, $0x0, v13;
	v49 =	vmul.f32 v45, v7;
	[tilespmem:$0x390] =	vst v6  }
0xef: {  	vm15 =	vlt.f32 v48, $6.400000000e+01;
	v8 =	vmin.u32 v51, $0x3E;
	v6 =	vmul.f32 v10, v7;
	[tilespmem:$0x10610] =	vst v58  }
0xf0: {  	vm1 =	vmand vm14, vm1;
	v56 =	vcvt.s32.f32 v8;
	v60 =	vsub.f32 v54, v58;
	[tilespmem:$0x10560] =	vst v49  }
0xf1: {  	vm1 =	vmand vm1, vm15;
	v12 =	vsub.f32 v45, v49;
	[tilespmem:$0x10600] =	vst v6  }
0xf2: {  	vm0 =	vmand vm7, vm1;
	v13 =	vsub.f32 v48, v56;
	v10 =	vsub.f32 v10, v6;
	[tilespmem:$0x105C0] =	vst v60  }
0xf3: {  	v53 =	vshll.u32 v15, $0x6;
	v59 =	vsel vm0, $0x3E800000, v2;
	[tilespmem:$0x10510] =	vst v12  }
0xf4: {  	v13 =	vmul.f32 v13, v59;
	v12 =	vor.u32 v9, v53;
	[tilespmem:$0x105B0] =	vst v10  }
0xf5: {  	v55 =	vsub.f32 v52, v54;
	v6 =	vadd.s32 $0x1, v12;
	[tilespmem:$0x320] =	vst v12  }
0xf6: {  	v57 =	vadd.s32 $0x40, v12;
	v61 =	vsub.f32 v59, v13;
	[tilespmem:$0x360] =	vst v6  }
0xf7: {  	v12 =	vadd.s32 $0x41, v12;
	v6 =	vmul.f32 v55, v7;
	[tilespmem:$0x3A0] =	vst v57  }
0xf8: {  	[tilespmem:$0x3E0] =	vst v12;
	v62 =	vmul.f32 v61, v7  }
0xf9: {  	v7 =	vmul.f32 v13, v7;
	[tilespmem:$0x10570] =	vst v6  }
0xfa: {  	v10 =	vsub.f32 v55, v6;
	[tilespmem:$0x10580] =	vst v62  }
0xfb: {  	v6 =	vshll.u32 v8, $0x6;
	[tilespmem:$0x10620] =	vst v7  }
0xfc: {  	v6 =	vor.u32 v9, v6;
	[tilespmem:$0x10520] =	vst v10  }
0xfd: {  	[tilespmem:$0x330] =	vst v6;
	v9 =	vadd.s32 $0x1, v6  }
0xfe: {  	v63 =	vadd.s32 $0x40, v6;
	[tilespmem:$0x370] =	vst v9  }
0xff: {  	v8 =	vsub.f32 v61, v62;
	v6 =	vadd.s32 $0x41, v6;
	[tilespmem:$0x3B0] =	vst v63  }
0x100: {  	[tilespmem:$0x3F0] =	vst v6;
	v6 =	vsub.f32 v13, v7  }
0x101: {  	[tilespmem:$0x10530] =	vst v8  }
0x102: {  	p0 =	sgt.u32 s28, $0x9C;
	[tilespmem:$0x105D0] =	vst v6  }
0x103: {  	[tilespmem:s17], [sflag:$0x1] =	stream.indirect.gather [hbm4b:s0+s15], $0x80, s16, s15, $0xb8;
	[tilespmem:$0x10780] =	vst v63  }
0x104: {  	p1 =	sgt.u32 @!p0 s28, $0x9A;
	s2 =	simm.s32 @!p0 $0x2  }
0x105: {  	[tilespmem:s19], [sflag:$0x1] =	stream.indirect.gather [hbm4b:s0+s15], $0x80, s18, s15, $0xb8;
	[tilespmem:$0x10780] =	vst v63  }
0x106: {  	p1 =	por p0, p1;
	_ =	swait.ge @!p0 [sflag:s2], $0x4000  }
.Ltmp4:
0x107: {  	[sflag:s2] =	ssyncset.done @!p0 $0x0;
	(pc) =	sbr.rel @p1 .LBB2_4-.Ltmp4, $4  }
0x108: {  	[sflag:s2] =	ssyncadd.s32 @!p0 $0xFFFFC000  }
0x109: {  	_ =	swait.ge @!p0 [sflag:s2], $0x4000  }
0x10a: {  	[sflag:s2] =	ssyncset.done @!p0 $0x0  }
0x10b: {  	[sflag:s2] =	ssyncadd.s32 @!p0 $0xFFFFC000  }
0x10c: {  	v6 =	vld [tilespmem:s26+$0xFFFFFE91]  }
0x10d: {  	v7 =	vld [tilespmem:s26+$0xFFFFFF49]  }
0x10e: {  	v8 =	vld [tilespmem:s26+$0x1]  }
0x10f: {  	v9 =	vld [tilespmem:s26+$0xB9];
	_ =	sdelay $0x1  }
0x110: {  	(v2sf) =	vpush v6, $0x0  }
0x111: {  	(v2sf) =	vpush v7, $0x0  }
0x112: {  	(v2sf) =	vpush v8, $0x0  }
0x113: {  	(v2sf) =	vpush v9, $0x0;
	_ =	sdelay $0xb  }
0x114: {  	s2 =	spop (v2sf)  }
0x115: {  	s29 =	spop (v2sf);
	s2 =	smul.f32 $6.250000000e-02, s2  }
0x116: {  	s30 =	spop (v2sf);
	s29 =	smul.f32 $6.250000000e-02, s29  }
0x117: {  	s31 =	spop (v2sf);
	s30 =	smul.f32 $6.250000000e-02, s30  }
0x118: {  	s31 =	smul.f32 $6.250000000e-02, s31  }
0x119: {  	s30 =	ssub.f32 s30, s2  }
0x11a: {  	s31 =	ssub.f32 s31, s29  }
0x11b: {  	s1 =	smax.f32 s30, $0.0e+00  }
0x11c: {  	s31 =	smax.f32 s31, $0.0e+00;
	s1 =	smul.f32 $1.428571490e-01, s1  }
0x11d: {  	s31 =	smul.f32 $1.428571490e-01, s31  }
0x11e: {  	v7 =	vmul.f32 s1, v1  }
0x11f: {  	v6 =	vmul.f32 s31, v0;
	v10 =	vmul.f32 s31, v3  }
0x120: {  	v44 =	vmul.f32 s31, v5;
	v7 =	vadd.f32 s2, v7  }
0x121: {  	v39 =	vmul.f32 s31, v4;
	v6 =	vadd.f32 s29, v6;
	v10 =	vadd.f32 s29, v10  }
0x122: {  	v48 =	vadd.f32 s29, v44;
	v36 =	vtrunc.f32 v7;
	vm1 =	vge.f32 v7, $0.0e+00  }
0x123: {  	vm7 =	vlt.f32 v7, $6.400000000e+01;
	v35 =	vtrunc.f32 v6;
	v9 =	vcvt.f32.s32 v36  }
0x124: {  	vm6 =	vge.f32 v6, $0.0e+00;
	vm2 =	vlt.f32 v6, $6.400000000e+01;
	v13 =	vtrunc.f32 v10  }
0x125: {  	vm9 =	vge.f32 v10, $0.0e+00;
	vm3 =	vlt.f32 v10, $6.400000000e+01;
	v8 =	vcvt.f32.s32 v35  }
0x126: {  	v37 =	vcvt.f32.s32 v13;
	v13 =	vadd.f32 s29, v39;
	vm5 =	vgt.s32 v9, $0x0  }
0x127: {  	v50 =	vtrunc.f32 v48;
	vm0 =	vgt.s32 v8, $0x0;
	v9 =	vnsel vm5, $0x0, v9  }
0x128: {  	vm8 =	vgt.s32 v37, $0x0;
	v17 =	vtrunc.f32 v13;
	vm11 =	vge.f32 v13, $0.0e+00  }
0x129: {  	vm12 =	vlt.f32 v13, $6.400000000e+01;
	v8 =	vnsel vm0, $0x0, v8;
	v9 =	vmin.u32 v9, $0x3E  }
0x12a: {  	vm0 =	vmand vm6, vm1;
	v17 =	vcvt.f32.s32 v17;
	v8 =	vmin.u32 v8, $0x3E  }
0x12b: {  	v12 =	vcvt.s32.f32 v9;
	vm2 =	vmand vm0, vm2;
	v11 =	vcvt.s32.f32 v8  }
0x12c: {  	vm2 =	vmand vm7, vm2;
	v8 =	vshll.u32 v8, $0x6;
	vm10 =	vgt.s32 v17, $0x0  }
0x12d: {  	v7 =	vsub.f32 v7, v12;
	v38 =	vsel vm2, $0x3E800000, v2;
	v8 =	vor.u32 v9, v8  }
0x12e: {  	vm2 =	vmand vm9, vm1;
	v43 =	vnsel vm10, $0x0, v17;
	v6 =	vsub.f32 v6, v11  }
0x12f: {  	v14 =	vadd.s32 $0x1, v8;
	v11 =	vnsel vm8, $0x0, v37;
	v15 =	vadd.s32 $0x40, v8  }
0x130: {  	vm2 =	vmand vm2, vm3;
	v18 =	vadd.s32 $0x41, v8;
	[tilespmem:$0x400] =	vst v8;
	v11 =	vmin.u32 v11, $0x3E  }
0x131: {  	vm2 =	vmand vm7, vm2;
	[tilespmem:$0x480] =	vst v15;
	v15 =	vmin.u32 v43, $0x3E;
	v6 =	vmul.f32 v6, v38  }
0x132: {  	[tilespmem:$0x440] =	vst v14;
	v16 =	vcvt.s32.f32 v11;
	v42 =	vsel vm2, $0x3E800000, v2;
	v11 =	vshll.u32 v11, $0x6  }
0x133: {  	[tilespmem:$0x4C0] =	vst v18;
	v46 =	vcvt.s32.f32 v15;
	v47 =	vor.u32 v9, v11;
	v12 =	vsub.f32 v38, v6  }
0x134: {  	vm2 =	vmand vm11, vm1;
	v41 =	vmul.f32 v6, v7;
	[tilespmem:$0x410] =	vst v47;
	v8 =	vadd.s32 $0x41, v47  }
0x135: {  	vm2 =	vmand vm2, vm12;
	v10 =	vsub.f32 v10, v16;
	[tilespmem:$0x4D0] =	vst v8;
	v40 =	vmul.f32 v12, v7  }
0x136: {  	v16 =	vsub.f32 v13, v46;
	vm2 =	vmand vm7, vm2;
	v6 =	vsub.f32 v6, v41;
	[tilespmem:$0x10730] =	vst v41  }
0x137: {  	v13 =	vcvt.f32.s32 v50;
	v52 =	vsel vm2, $0x3E800000, v2;
	v10 =	vmul.f32 v10, v42;
	[tilespmem:$0x10690] =	vst v40  }
0x138: {  	v54 =	vmul.f32 v16, v52;
	v12 =	vsub.f32 v12, v40;
	[tilespmem:$0x106E0] =	vst v6;
	v6 =	vadd.s32 $0x1, v47  }
0x139: {  	v45 =	vsub.f32 v42, v10;
	[tilespmem:$0x450] =	vst v6  }
0x13a: {  	vm13 =	vgt.s32 v13, $0x0;
	v58 =	vmul.f32 v54, v7;
	v6 =	vadd.s32 $0x40, v47;
	[tilespmem:$0x10640] =	vst v12  }
0x13b: {  	vm14 =	vge.f32 v48, $0.0e+00;
	v51 =	vnsel vm13, $0x0, v13;
	v49 =	vmul.f32 v45, v7;
	[tilespmem:$0x490] =	vst v6  }
0x13c: {  	vm15 =	vlt.f32 v48, $6.400000000e+01;
	v8 =	vmin.u32 v51, $0x3E;
	v6 =	vmul.f32 v10, v7;
	[tilespmem:$0x10750] =	vst v58  }
0x13d: {  	vm1 =	vmand vm14, vm1;
	v56 =	vcvt.s32.f32 v8;
	v60 =	vsub.f32 v54, v58;
	[tilespmem:$0x106A0] =	vst v49  }
0x13e: {  	vm1 =	vmand vm1, vm15;
	v12 =	vsub.f32 v45, v49;
	[tilespmem:$0x10740] =	vst v6  }
0x13f: {  	vm0 =	vmand vm7, vm1;
	v13 =	vsub.f32 v48, v56;
	v10 =	vsub.f32 v10, v6;
	[tilespmem:$0x10700] =	vst v60  }
0x140: {  	v53 =	vshll.u32 v15, $0x6;
	v59 =	vsel vm0, $0x3E800000, v2;
	[tilespmem:$0x10650] =	vst v12  }
0x141: {  	v13 =	vmul.f32 v13, v59;
	v12 =	vor.u32 v9, v53;
	[tilespmem:$0x106F0] =	vst v10  }
0x142: {  	v55 =	vsub.f32 v52, v54;
	v6 =	vadd.s32 $0x1, v12;
	[tilespmem:$0x420] =	vst v12  }
0x143: {  	v57 =	vadd.s32 $0x40, v12;
	v61 =	vsub.f32 v59, v13;
	[tilespmem:$0x460] =	vst v6  }
0x144: {  	v12 =	vadd.s32 $0x41, v12;
	v6 =	vmul.f32 v55, v7;
	[tilespmem:$0x4A0] =	vst v57  }
0x145: {  	[tilespmem:$0x4E0] =	vst v12;
	v62 =	vmul.f32 v61, v7  }
0x146: {  	v7 =	vmul.f32 v13, v7;
	[tilespmem:$0x106B0] =	vst v6  }
0x147: {  	v10 =	vsub.f32 v55, v6;
	[tilespmem:$0x106C0] =	vst v62  }
0x148: {  	v6 =	vshll.u32 v8, $0x6;
	[tilespmem:$0x10760] =	vst v7  }
0x149: {  	v6 =	vor.u32 v9, v6;
	[tilespmem:$0x10660] =	vst v10  }
0x14a: {  	[tilespmem:$0x430] =	vst v6;
	v9 =	vadd.s32 $0x1, v6  }
0x14b: {  	v63 =	vadd.s32 $0x40, v6;
	[tilespmem:$0x470] =	vst v9  }
0x14c: {  	v8 =	vsub.f32 v61, v62;
	v6 =	vadd.s32 $0x41, v6;
	[tilespmem:$0x4B0] =	vst v63  }
0x14d: {  	[tilespmem:$0x4F0] =	vst v6;
	v6 =	vsub.f32 v13, v7  }
.Ltmp5:
0x14e: {  	[tilespmem:$0x10670] =	vst v8;
	(pc) =	sbr.rel .LBB2_4-.Ltmp5, $4  }
0x14f: {  	[tilespmem:$0x10710] =	vst v6  }
0x150: {  	[tilespmem:s21], [sflag:$0x2] =	stream.indirect.gather [hbm4b:s0+s15], $0x80, s20, s15, $0xb8;
	[tilespmem:$0x10780] =	vst v63  }
0x151: {  	_ = 	snop  }
0x152: {  	[tilespmem:s23], [sflag:$0x2] =	stream.indirect.gather [hbm4b:s0+s15], $0x80, s22, s15, $0xb8;
	[tilespmem:$0x10780] =	vst v63  }
.LBB2_6:
0x153: {  	_ =	sfence.sel $0x180000  }
0x154: {  	[bflag:$0x0] =	sbarrier.arrive $0xFFFF  }
0x155: {  	_ =	strace $0x90000047  }
0x156: {  	s0 =	stileid.u32;
	[bflag:$0x2] =	sbarrier.arrive $0xFFFF  }
0x157: {  	p0 =	sne.s32 s0, $0x0;
	s0 =	rddreg [dreg:$0x2]  }
0x158: {  	s0 =	sadd.s32 @!p0 $0x100000, s0  }
0x159: {  	[sflag:s0] =	ssyncadd.tile.s32 @!p0 $0x1;
	_ =	shalt  }
.Lfunc_end2:
_tile_overlayer_lowered:
.L_overlay_start_2:
0x15a: {  	(tag) =	ssettag $0x2  }
0x15b: {  	s0 =	rddreg [dreg:$0x0];
	s2 =	stileid.u32  }
0x15c: {  	s1 =	rddreg [dreg:$0x1];
	p0 =	sne.s32 s2, $0x0  }
0x15d: {  	s3 =	rddreg [dreg:$0x2];
	[bflag:$0x3] =	sbarrier.arrive $0xFFFF;
	s2 =	simm.s32 @!p0 $0x1C03  }
0x15e: {  	[timem:s3], [sflag:s2] =	dma.local @!p0 [hbm:s0], s1  }
0x15f: {  	s0 =	simm.s32 @!p0 $0x3  }
0x160: {  	_ =	swait.ge @!p0 [sflag:s0], s1  }
0x161: {  	s1 =	ssub.s32 @!p0 $0x0, s1;
	[sflag:s0] =	ssyncset.done @!p0 $0x0  }
0x162: {  	[sflag:s0] =	ssyncadd.s32 @!p0 s1  }
0x163: {  	[bflag:$0x3] =	sbarrier.arrive $0xFFFF  }
0x164: {  	_ =	shalt  }

</sc_bundles>
